<compile_context>
chip_gen: v7x
topology: tpu7x:2x2x1
jax: 0.10.2.dev20260603
libtpu: 0.0.44.dev20260713+nightly
codegen_flags: <defaults>
</compile_context>

<pallas_src>
import functools

import jax
import jax.numpy as jnp
from jax import lax
from jax.experimental import pallas as pl
from jax.experimental.pallas import tpu as pltpu
from jax.experimental.pallas import tpu_sc as plsc

N = 100000
E = 150000
NC = 2
NS = 16
NW = NC * NS

PN = 3136
NPAD = NW * PN
EPT = 4688
EPAD = NW * EPT
DUMP = 4096
EPK = E + DUMP + 16
SEG = EPK // NS
WN = 784

_mesh = plsc.VectorSubcoreMesh(
    core_axis_name="c", subcore_axis_name="s", num_cores=NC, num_subcores=NS)


def _wid():
    return lax.axis_index("s") * NC + lax.axis_index("c")


def _scalar_pack(vals, iota):
    out = jnp.zeros((16,), jnp.float32)
    for k, v in enumerate(vals):
        out = out + v * (iota == k).astype(jnp.float32)
    return out


def _k1_body(feid_hbm, fisa_hbm, fmask_hbm, pred_hbm, fext_hbm, bcd_hbm,
             bcr_hbm, keya_hbm, keyb_hbm, part_hbm,
             feid_v, fisa_v, fmask_v, idxa_v, idxb_v, val_v, neg_v,
             pw_v, fx_v, bcd_v, bcr_v, res_v, keya_sp, keyb_sp, sema, semb):
    c = lax.axis_index("c")
    s = lax.axis_index("s")
    wid = s * NC + c
    base = wid * PN
    iota = lax.iota(jnp.int32, 16)

    pltpu.sync_copy(feid_hbm.at[pl.ds(base * 4, PN * 4)], feid_v)
    pltpu.sync_copy(fisa_hbm.at[pl.ds(base * 4, PN * 4)], fisa_v)
    pltpu.sync_copy(fmask_hbm.at[pl.ds(base * 4, PN * 4)], fmask_v)

    if True:
        def fill(i, _):
            neg_v[pl.ds(i * 16, 16)] = jnp.full((16,), -1, jnp.int32)
            return 0
        lax.fori_loop(0, SEG // 16, fill, 0)
        pltpu.sync_copy(neg_v, keya_sp.at[pl.ds(s * SEG, SEG)])
        pltpu.sync_copy(neg_v, keyb_sp.at[pl.ds(s * SEG, SEG)])
        plsc.subcore_barrier()

        for f in range(4):
            def grp(g, _):
                nloc = g * 16 + iota
                n = base + nloc
                w = nloc * 4 + f
                fe = plsc.load_gather(feid_v, [w])
                fa = plsc.load_gather(fisa_v, [w])
                fm = plsc.load_gather(fmask_v, [w])
                valid = fm > 0.5
                dump = E + (n & (DUMP - 1))
                key = n | (f << 17)
                idxa = jnp.where(valid & (fa == 1), fe, dump)
                idxb = jnp.where(valid & (fa == 0), fe, dump)
                sl = pl.ds(g * 16, 16)
                idxa_v[sl] = idxa
                idxb_v[sl] = idxb
                val_v[sl] = key
                return 0
            lax.fori_loop(0, PN // 16, grp, 0)
            cpa = pltpu.async_copy(val_v, keya_sp.at[idxa_v], sema)
            cpb = pltpu.async_copy(val_v, keyb_sp.at[idxb_v], semb)
            cpa.wait()
            cpb.wait()
            plsc.subcore_barrier()

        pltpu.sync_copy(keya_sp.at[pl.ds(s * SEG, SEG)], neg_v)
        pltpu.sync_copy(neg_v, keya_hbm.at[pl.ds(c * EPK + s * SEG, SEG)])
        pltpu.sync_copy(keyb_sp.at[pl.ds(s * SEG, SEG)], neg_v)
        pltpu.sync_copy(neg_v, keyb_hbm.at[pl.ds(c * EPK + s * SEG, SEG)])

    zero = jnp.zeros((16,), jnp.float32)
    accs = (zero, zero, zero, zero, zero, zero, zero, zero)

    def win(w, accs):
        nb = base + w * WN
        pltpu.sync_copy(pred_hbm.at[pl.ds(nb * 15, WN * 15)], pw_v)
        pltpu.sync_copy(fext_hbm.at[pl.ds(nb * 3, WN * 3)], fx_v)
        pltpu.sync_copy(bcd_hbm.at[pl.ds(nb, WN)], bcd_v)
        pltpu.sync_copy(bcr_hbm.at[pl.ds(nb, WN)], bcr_v)

        def grp(g, accs):
            (eqn, eqc, lfn, lfc, lsd, lcd, lsr, lcr) = accs
            l = g * 16 + iota
            n = nb + l
            okf = (n < N).astype(jnp.float32)
            w15 = l * 15
            p = [plsc.load_gather(pw_v, [w15 + cc]) for cc in range(15)]
            fx = [plsc.load_gather(fx_v, [l * 3 + cc]) for cc in range(3)]
            bd = bcd_v[pl.ds(g * 16, 16)]
            br = bcr_v[pl.ds(g * 16, 16)]
            nl4 = (w * WN + l) * 4
            fm = [plsc.load_gather(fmask_v, [nl4 + ff]) for ff in range(4)]
            sq = zero
            for cc in range(3):
                r = p[3 + cc] + p[6 + cc] + p[9 + cc] + p[12 + cc] - fx[cc]
                sq = sq + r * r
            free = (bd < 0.5).astype(jnp.float32) * okf
            eqn = eqn + sq * free
            eqc = eqc + free
            for ff in range(4):
                ff2 = (p[3 + 3 * ff] * p[3 + 3 * ff]
                       + p[4 + 3 * ff] * p[4 + 3 * ff]
                       + p[5 + 3 * ff] * p[5 + 3 * ff])
                freef = (fm[ff] < 0.5).astype(jnp.float32) * okf
                lfn = lfn + freef * ff2
                lfc = lfc + freef
            supd = (bd > 0.5).astype(jnp.float32) * okf
            supr = (br > 0.5).astype(jnp.float32) * okf
            lsd = lsd + supd * (p[0] * p[0] + p[1] * p[1])
            lcd = lcd + supd
            lsr = lsr + supr * p[2] * p[2]
            lcr = lcr + supr
            return (eqn, eqc, lfn, lfc, lsd, lcd, lsr, lcr)

        return lax.fori_loop(0, WN // 16, grp, accs)

    accs = lax.fori_loop(0, PN // WN, win, accs)
    res_v[...] = _scalar_pack([jnp.sum(a) for a in accs], iota)
    pltpu.sync_copy(res_v, part_hbm.at[pl.ds(wid * 16, 16)])


def _k2_body(pred_hbm, keya_hbm, keyb_hbm, conn_hbm, edir_hbm, part_hbm,
             keya_v, keyb_v, tmp_v, conn_v, edir_v,
             gia_v, gib_v, gda_v, gdb_v,
             dfa_v, dfb_v, dda_v, ddb_v, res_v,
             sem0, sem1, sem2, sem3):
    c = lax.axis_index("c")
    s = lax.axis_index("s")
    wid = s * NC + c
    ebase = wid * EPT
    iota = lax.iota(jnp.int32, 16)

    if True:
        pltpu.sync_copy(keya_hbm.at[pl.ds(ebase, EPT)], keya_v)
        pltpu.sync_copy(keya_hbm.at[pl.ds(EPK + ebase, EPT)], tmp_v)

        def mrg(g, _):
            sl = pl.ds(g * 16, 16)
            keya_v[sl] = jnp.maximum(keya_v[sl], tmp_v[sl])
            return 0
        lax.fori_loop(0, EPT // 16, mrg, 0)
        pltpu.sync_copy(keyb_hbm.at[pl.ds(ebase, EPT)], keyb_v)
        pltpu.sync_copy(keyb_hbm.at[pl.ds(EPK + ebase, EPT)], tmp_v)

        def mrg2(g, _):
            sl = pl.ds(g * 16, 16)
            keyb_v[sl] = jnp.maximum(keyb_v[sl], tmp_v[sl])
            return 0
        lax.fori_loop(0, EPT // 16, mrg2, 0)
        pltpu.sync_copy(conn_hbm.at[pl.ds(ebase * 2, EPT * 2)], conn_v)
        pltpu.sync_copy(edir_hbm.at[pl.ds(ebase * 3, EPT * 3)], edir_v)

        def bld(g, _):
            sl = pl.ds(g * 16, 16)
            el = g * 16 + iota
            e = ebase + el
            eok = e < E
            ka = keya_v[sl]
            kb = keyb_v[sl]
            na = ka & 0x1FFFF
            fa = lax.shift_right_arithmetic(ka, 17)
            nb = kb & 0x1FFFF
            fb = lax.shift_right_arithmetic(kb, 17)
            dummy = e * 10
            gia_v[sl] = jnp.where((ka >= 0) & eok, na * 15 + 3 + 3 * fa, dummy)
            gib_v[sl] = jnp.where((kb >= 0) & eok, nb * 15 + 3 + 3 * fb, dummy)
            ca = plsc.load_gather(conn_v, [el * 2])
            cb = plsc.load_gather(conn_v, [el * 2 + 1])
            gda_v[sl] = jnp.where(eok, ca * 15, dummy)
            gdb_v[sl] = jnp.where(eok, cb * 15, dummy)
            return 0
        lax.fori_loop(0, EPT // 16, bld, 0)

        for cc in range(3):
            cp0 = pltpu.async_copy(pred_hbm.at[gia_v],
                                   dfa_v.at[pl.ds(cc * EPT, EPT)], sem0)
            cp1 = pltpu.async_copy(pred_hbm.at[gib_v],
                                   dfb_v.at[pl.ds(cc * EPT, EPT)], sem1)
            cp2 = pltpu.async_copy(pred_hbm.at[gda_v],
                                   dda_v.at[pl.ds(cc * EPT, EPT)], sem2)
            cp3 = pltpu.async_copy(pred_hbm.at[gdb_v],
                                   ddb_v.at[pl.ds(cc * EPT, EPT)], sem3)
            cp0.wait()
            cp1.wait()
            cp2.wait()
            cp3.wait()
            if cc < 2:
                def inc(g, _):
                    sl = pl.ds(g * 16, 16)
                    gia_v[sl] = gia_v[sl] + 1
                    gib_v[sl] = gib_v[sl] + 1
                    gda_v[sl] = gda_v[sl] + 1
                    gdb_v[sl] = gdb_v[sl] + 1
                    return 0
                lax.fori_loop(0, EPT // 16, inc, 0)

        zero = jnp.zeros((16,), jnp.float32)

        def grp(g, accs):
            accn, accv, accm = accs
            sl = pl.ds(g * 16, 16)
            el = g * 16 + iota
            e = ebase + el
            eokf = (e < E).astype(jnp.float32)
            ka = keya_v[sl]
            kb = keyb_v[sl]
            hasa = (ka >= 0).astype(jnp.float32)
            hasb = (kb >= 0).astype(jnp.float32)
            e3 = el * 3
            fa = [dfa_v[pl.ds(cc * EPT + g * 16, 16)] for cc in range(3)]
            fb = [dfb_v[pl.ds(cc * EPT + g * 16, 16)] for cc in range(3)]
            da = [dda_v[pl.ds(cc * EPT + g * 16, 16)] for cc in range(3)]
            db = [ddb_v[pl.ds(cc * EPT + g * 16, 16)] for cc in range(3)]
            fa = [x * hasa for x in fa]
            fb = [x * hasb for x in fb]
            cs = plsc.load_gather(edir_v, [e3])
            sn = plsc.load_gather(edir_v, [e3 + 2])
            tn = ((fa[0] * cs + fa[1] * sn) + (fb[0] * cs + fb[1] * sn)
                  + ((db[0] * cs + db[1] * sn) - (da[0] * cs + da[1] * sn)))
            tv = ((-fa[0] * sn + fa[1] * cs) + (-fb[0] * sn + fb[1] * cs))
            tm = (fa[2] + fb[2] + (db[2] - da[2]))
            accn = accn + tn * tn * eokf
            accv = accv + tv * tv * eokf
            accm = accm + tm * tm * eokf
            return (accn, accv, accm)

        accn, accv, accm = lax.fori_loop(0, EPT // 16, grp, (zero, zero, zero))
        res_v[...] = _scalar_pack(
            [jnp.sum(accn), jnp.sum(accv), jnp.sum(accm)], iota)
        pltpu.sync_copy(res_v, part_hbm.at[pl.ds(wid * 16, 16)])


_k1 = pl.kernel(
    _k1_body,
    out_type=(
        jax.ShapeDtypeStruct((NC * EPK,), jnp.int32),
        jax.ShapeDtypeStruct((NC * EPK,), jnp.int32),
        jax.ShapeDtypeStruct((NW * 16,), jnp.float32),
    ),
    mesh=_mesh,
    compiler_params=pltpu.CompilerParams(needs_layout_passes=False),
    scratch_types=(
        pltpu.VMEM((PN * 4,), jnp.int32),
        pltpu.VMEM((PN * 4,), jnp.int32),
        pltpu.VMEM((PN * 4,), jnp.float32),
        pltpu.VMEM((PN,), jnp.int32),
        pltpu.VMEM((PN,), jnp.int32),
        pltpu.VMEM((PN,), jnp.int32),
        pltpu.VMEM((SEG,), jnp.int32),
        pltpu.VMEM((WN * 15,), jnp.float32),
        pltpu.VMEM((WN * 3,), jnp.float32),
        pltpu.VMEM((WN,), jnp.float32),
        pltpu.VMEM((WN,), jnp.float32),
        pltpu.VMEM((16,), jnp.float32),
        pltpu.VMEM_SHARED((EPK,), jnp.int32),
        pltpu.VMEM_SHARED((EPK,), jnp.int32),
        pltpu.SemaphoreType.DMA,
        pltpu.SemaphoreType.DMA,
    ),
)

_k2 = pl.kernel(
    _k2_body,
    out_type=jax.ShapeDtypeStruct((NW * 16,), jnp.float32),
    mesh=_mesh,
    compiler_params=pltpu.CompilerParams(needs_layout_passes=False),
    scratch_types=(
        pltpu.VMEM((EPT,), jnp.int32),
        pltpu.VMEM((EPT,), jnp.int32),
        pltpu.VMEM((EPT,), jnp.int32),
        pltpu.VMEM((EPT * 2,), jnp.int32),
        pltpu.VMEM((EPT * 3,), jnp.float32),
        pltpu.VMEM((EPT,), jnp.int32),
        pltpu.VMEM((EPT,), jnp.int32),
        pltpu.VMEM((EPT,), jnp.int32),
        pltpu.VMEM((EPT,), jnp.int32),
        pltpu.VMEM((EPT * 3,), jnp.float32),
        pltpu.VMEM((EPT * 3,), jnp.float32),
        pltpu.VMEM((EPT * 3,), jnp.float32),
        pltpu.VMEM((EPT * 3,), jnp.float32),
        pltpu.VMEM((16,), jnp.float32),
        pltpu.SemaphoreType.DMA,
        pltpu.SemaphoreType.DMA,
        pltpu.SemaphoreType.DMA,
        pltpu.SemaphoreType.DMA,
    ),
)


def kernel(pred, connectivity, face_element_id, face_is_A_end, face_mask,
           elem_directions, F_ext, bc_disp, bc_rot):
    f32 = jnp.float32
    i32 = jnp.int32
    npad = NPAD - N
    epad = EPAD - E
    feid = jnp.pad(face_element_id.astype(i32), ((0, npad), (0, 0))).reshape(-1)
    fisa = jnp.pad(face_is_A_end.astype(i32), ((0, npad), (0, 0))).reshape(-1)
    fmask = jnp.pad(face_mask.astype(f32), ((0, npad), (0, 0))).reshape(-1)
    predf = jnp.pad(pred.astype(f32), ((0, npad), (0, 0))).reshape(-1)
    fext = jnp.pad(F_ext.astype(f32), ((0, npad), (0, 0))).reshape(-1)
    bcd = jnp.pad(bc_disp.astype(f32), ((0, npad), (0, 0))).reshape(-1)
    bcr = jnp.pad(bc_rot.astype(f32), ((0, npad), (0, 0))).reshape(-1)
    conn = jnp.pad(connectivity.astype(i32), ((0, epad), (0, 0))).reshape(-1)
    edir = jnp.pad(elem_directions.astype(f32), ((0, epad), (0, 0))).reshape(-1)

    keya, keyb, part1 = _k1(feid, fisa, fmask, predf, fext, bcd, bcr)
    part2 = _k2(predf, keya, keyb, conn, edir)

    p1 = part1.reshape(NW, 16).sum(axis=0)
    p2 = part2.reshape(NW, 16).sum(axis=0)
    l_eq = p1[0] / jnp.maximum(p1[1], 1.0)
    l_free = p1[2] / jnp.maximum(p1[3] * 3.0, 1.0)
    l_sup = (p1[4] / jnp.maximum(p1[5] * 2.0, 1.0)
             + p1[6] / jnp.maximum(p1[7], 1.0))
    l_elem = (p2[0] + p2[1] + p2[2]) / float(E)
    return l_eq + l_free + l_sup + l_elem

# --- scband reference (transcript-rebuilt; emitter-appended) ---
"""Pipeline reference for scband-naive-physics-loss-12146167513824 (READ-ONLY COPY).

The authoritative reference and input builder live on the scoring server;
editing this copy changes nothing except your own understanding.
"""

import jax, jax.numpy as jnp
import numpy as np

N = 100000
E = 150000


def setup_inputs(seed: int = 0) -> dict:
    key = jax.random.key(seed)
    ks = jax.random.split(key, 9)
    pred = jax.random.normal(ks[0], (N, 15), dtype=jnp.float32)
    connectivity = jax.random.randint(ks[1], (N and (E, 2)), 0, N)
    face_element_id = jax.random.randint(ks[2], (N, 4), 0, E)
    face_is_A_end = jax.random.randint(ks[3], (N, 4), 0, 2)
    face_mask = jax.random.uniform(ks[4], (N, 4), dtype=jnp.float32)
    elem_directions = jax.random.normal(ks[5], (E, 3), dtype=jnp.float32)
    F_ext = jax.random.normal(ks[6], (N, 3), dtype=jnp.float32)
    bc_disp = jax.random.uniform(ks[7], (N, 1), dtype=jnp.float32)
    bc_rot = jax.random.uniform(ks[8], (N, 1), dtype=jnp.float32)
    return {
        'pred': pred,
        'connectivity': connectivity,
        'face_element_id': face_element_id,
        'face_is_A_end': face_is_A_end,
        'face_mask': face_mask,
        'elem_directions': elem_directions,
        'F_ext': F_ext,
        'bc_disp': bc_disp,
        'bc_rot': bc_rot,
    }


def _forward(pred, face_mask, elem_directions, F_ext, bc_disp, bc_rot,
             connectivity, face_element_id, face_is_A_end):
    w_eq = w_free = w_sup = w_N = w_M = w_V = 1.0
    # A1: split prediction
    disp = pred[:, 0:3]
    face_forces = pred[:, 3:15].reshape(-1, 4, 3)
    E_ = connectivity.shape[0]
    # A2 (vectorized): gather displacements, scatter face forces to element ends
    disp_A = disp[connectivity[:, 0]]
    disp_B = disp[connectivity[:, 1]]
    ff_A = jnp.zeros((E_ + 1, 3), dtype=pred.dtype)
    ff_B = jnp.zeros((E_ + 1, 3), dtype=pred.dtype)
    for f in range(4):
        valid = face_mask[:, f] > 0.5
        elems = face_element_id[:, f]
        is_A = face_is_A_end[:, f]
        forces = face_forces[:, f, :]
        idx_A = jnp.where(valid & (is_A == 1), elems, E_)  # dump row E_ for invalid
        idx_B = jnp.where(valid & (is_A == 0), elems, E_)
        ff_A = ff_A.at[idx_A].set(forces)
        ff_B = ff_B.at[idx_B].set(forces)
    ff_A = ff_A[:E_]
    ff_B = ff_B[:E_]
    # A3: global -> local rotation
    cos_a = elem_directions[:, 0:1]
    sin_a = elem_directions[:, 2:3]

    def rot(v):
        return jnp.concatenate([
            v[:, 0:1] * cos_a + v[:, 1:2] * sin_a,
            -v[:, 0:1] * sin_a + v[:, 1:2] * cos_a,
            v[:, 2:3],
        ], axis=1)

    disp_A_loc = rot(disp_A)
    disp_B_loc = rot(disp_B)
    ff_A_loc = rot(ff_A)
    ff_B_loc = rot(ff_B)
    # B1: nodal equilibrium (free nodes only)
    sum_forces = face_forces.sum(axis=1)
    residual = sum_forces - F_ext
    free_node = (bc_disp[:, 0] < 0.5).astype(pred.dtype)
    sq = (residual ** 2).sum(axis=-1)
    L_eq = jnp.sum(sq * free_node) / jnp.maximum(jnp.sum(free_node), 1.0)
    # B2: free-face penalty
    freef = (face_mask < 0.5).astype(pred.dtype)[:, :, None]
    cnt = jnp.maximum(jnp.sum(freef) * 3.0, 1.0)
    L_free = jnp.sum(freef * face_forces ** 2) / cnt
    # B3: support displacements = 0
    sup_d = (bc_disp[:, 0] > 0.5).astype(pred.dtype)
    sup_r = (bc_rot[:, 0] > 0.5).astype(pred.dtype)
    L_sup = jnp.sum(sup_d * (disp[:, 0] ** 2 + disp[:, 1] ** 2)) / jnp.maximum(jnp.sum(sup_d) * 2.0, 1.0)
    L_sup = L_sup + jnp.sum(sup_r * disp[:, 2] ** 2) / jnp.maximum(jnp.sum(sup_r), 1.0)
    # constitutive residuals on local element-end quantities
    L_N = jnp.mean((ff_A_loc[:, 0] + ff_B_loc[:, 0] + (disp_B_loc[:, 0] - disp_A_loc[:, 0])) ** 2)
    L_V = jnp.mean((ff_A_loc[:, 1] + ff_B_loc[:, 1]) ** 2)
    L_M = jnp.mean((ff_A_loc[:, 2] + ff_B_loc[:, 2] + (disp_B_loc[:, 2] - disp_A_loc[:, 2])) ** 2)
    return (w_eq * L_eq + w_free * L_free + w_sup * L_sup
            + w_N * L_N + w_M * L_M + w_V * L_V)


def reference(pred, connectivity, face_element_id, face_is_A_end, face_mask,
              elem_directions, F_ext, bc_disp, bc_rot):
    return _forward(pred, face_mask, elem_directions, F_ext, bc_disp, bc_rot,
                    connectivity, face_element_id, face_is_A_end)

if __name__ == "__main__":
    import jax
    _d = setup_inputs()
    print(jax.jit(kernel)(*tuple(_d.values())))

</pallas_src>

<mosaic_0001>
#map = affine_map<(d0, d1) -> (0)>
module attributes {stable_mosaic.version = 14 : i64} {
  func.func @_k1_body(%arg0: i32, %arg1: i32, %arg2: memref<401408xi32, #tpu.memory_space<hbm>>, %arg3: memref<401408xi32, #tpu.memory_space<hbm>>, %arg4: memref<401408xf32, #tpu.memory_space<hbm>>, %arg5: memref<1505280xf32, #tpu.memory_space<hbm>>, %arg6: memref<301056xf32, #tpu.memory_space<hbm>>, %arg7: memref<100352xf32, #tpu.memory_space<hbm>>, %arg8: memref<100352xf32, #tpu.memory_space<hbm>>, %arg9: memref<308224xi32, #tpu.memory_space<hbm>>, %arg10: memref<308224xi32, #tpu.memory_space<hbm>>, %arg11: memref<512xf32, #tpu.memory_space<hbm>>, %arg12: memref<12544xi32, #tpu.memory_space<vmem>>, %arg13: memref<12544xi32, #tpu.memory_space<vmem>>, %arg14: memref<12544xf32, #tpu.memory_space<vmem>>, %arg15: memref<3136xi32, #tpu.memory_space<vmem>>, %arg16: memref<3136xi32, #tpu.memory_space<vmem>>, %arg17: memref<3136xi32, #tpu.memory_space<vmem>>, %arg18: memref<9632xi32, #tpu.memory_space<vmem>>, %arg19: memref<11760xf32, #tpu.memory_space<vmem>>, %arg20: memref<2352xf32, #tpu.memory_space<vmem>>, %arg21: memref<784xf32, #tpu.memory_space<vmem>>, %arg22: memref<784xf32, #tpu.memory_space<vmem>>, %arg23: memref<16xf32, #tpu.memory_space<vmem>>, %arg24: memref<154112xi32, #tpu.memory_space<vmem_shared>>, %arg25: memref<154112xi32, #tpu.memory_space<vmem_shared>>, %arg26: memref<!tpu.dma_semaphore, #tpu.memory_space<semaphore_mem>>, %arg27: memref<!tpu.dma_semaphore, #tpu.memory_space<semaphore_mem>>) attributes {dimension_semantics = [#tpu.dimension_semantics<core_parallel>, #tpu.dimension_semantics<subcore_parallel>], iteration_bounds = array<i64: 2, 16>, scalar_prefetch = 0 : i64, scratch_operands = 16 : i64, tpu.core_type = #tpu.core_type<sc_vector_subcore>, window_params = [{transform_indices = #map}, {transform_indices = #map}, {transform_indices = #map}, {transform_indices = #map}, {transform_indices = #map}, {transform_indices = #map}, {transform_indices = #map}, {transform_indices = #map}, {transform_indices = #map}, {transform_indices = #map}]} {
    %mul3A = arith.constant 2 : i32
    %mul3A_0 = arith.muli %arg1, %mul3A : i32
    %add3A = arith.addi %mul3A_0, %arg0 : i32
    %mul3A_1 = arith.constant 3136 : i32
    %mul3A_2 = arith.muli %add3A, %mul3A_1 : i32
    %iota3A = tpu.iota {dimensions = array<i32: 0>} : vector<16xi32>
    %mul3A_3 = arith.constant 4 : i32
    %mul3A_4 = arith.muli %mul3A_2, %mul3A_3 : i32
    "tpu.region"() ({
      %run_scoped3A = tpu.sem_alloc : memref<!tpu.dma_semaphore, #tpu.memory_space<semaphore_mem>>
      %dma_start3A_200 = tpu.memref_slice %arg2[%mul3A_4] : memref<401408xi32, #tpu.memory_space<hbm>> -> memref<12544xi32, #tpu.memory_space<hbm>>
      %dma_start3A_201 = tpu.memref_slice %arg2[%mul3A_4] : memref<401408xi32, #tpu.memory_space<hbm>> -> memref<12544xi32, #tpu.memory_space<hbm>>
      tpu.enqueue_dma source(%dma_start3A_201 : memref<12544xi32, #tpu.memory_space<hbm>>) target(%arg12 : memref<12544xi32, #tpu.memory_space<vmem>>) target_semaphore(%run_scoped3A : memref<!tpu.dma_semaphore, #tpu.memory_space<semaphore_mem>>)
      %dma_wait3A_202 = tpu.memref_slice %arg2[%mul3A_4] : memref<401408xi32, #tpu.memory_space<hbm>> -> memref<12544xi32, #tpu.memory_space<hbm>>
      %dma_wait3A_203 = tpu.memref_slice %arg2[%mul3A_4] : memref<401408xi32, #tpu.memory_space<hbm>> -> memref<12544xi32, #tpu.memory_space<hbm>>
      tpu.wait_dma2 semaphore(%run_scoped3A : memref<!tpu.dma_semaphore, #tpu.memory_space<semaphore_mem>>) src(%dma_wait3A_203 : memref<12544xi32, #tpu.memory_space<hbm>>) dst(%arg12 : memref<12544xi32, #tpu.memory_space<vmem>>)
      tpu.yield
    }) : () -> ()
    %mul3A_5 = arith.constant 4 : i32
    %mul3A_6 = arith.muli %mul3A_2, %mul3A_5 : i32
    "tpu.region"() ({
      %run_scoped3A = tpu.sem_alloc : memref<!tpu.dma_semaphore, #tpu.memory_space<semaphore_mem>>
      %dma_start3A_200 = tpu.memref_slice %arg3[%mul3A_6] : memref<401408xi32, #tpu.memory_space<hbm>> -> memref<12544xi32, #tpu.memory_space<hbm>>
      %dma_start3A_201 = tpu.memref_slice %arg3[%mul3A_6] : memref<401408xi32, #tpu.memory_space<hbm>> -> memref<12544xi32, #tpu.memory_space<hbm>>
      tpu.enqueue_dma source(%dma_start3A_201 : memref<12544xi32, #tpu.memory_space<hbm>>) target(%arg13 : memref<12544xi32, #tpu.memory_space<vmem>>) target_semaphore(%run_scoped3A : memref<!tpu.dma_semaphore, #tpu.memory_space<semaphore_mem>>)
      %dma_wait3A_202 = tpu.memref_slice %arg3[%mul3A_6] : memref<401408xi32, #tpu.memory_space<hbm>> -> memref<12544xi32, #tpu.memory_space<hbm>>
      %dma_wait3A_203 = tpu.memref_slice %arg3[%mul3A_6] : memref<401408xi32, #tpu.memory_space<hbm>> -> memref<12544xi32, #tpu.memory_space<hbm>>
      tpu.wait_dma2 semaphore(%run_scoped3A : memref<!tpu.dma_semaphore, #tpu.memory_space<semaphore_mem>>) src(%dma_wait3A_203 : memref<12544xi32, #tpu.memory_space<hbm>>) dst(%arg13 : memref<12544xi32, #tpu.memory_space<vmem>>)
      tpu.yield
    }) : () -> ()
    %mul3A_7 = arith.constant 4 : i32
    %mul3A_8 = arith.muli %mul3A_2, %mul3A_7 : i32
    "tpu.region"() ({
      %run_scoped3A = tpu.sem_alloc : memref<!tpu.dma_semaphore, #tpu.memory_space<semaphore_mem>>
      %dma_start3A_200 = tpu.memref_slice %arg4[%mul3A_8] : memref<401408xf32, #tpu.memory_space<hbm>> -> memref<12544xf32, #tpu.memory_space<hbm>>
      %dma_start3A_201 = tpu.memref_slice %arg4[%mul3A_8] : memref<401408xf32, #tpu.memory_space<hbm>> -> memref<12544xf32, #tpu.memory_space<hbm>>
      tpu.enqueue_dma source(%dma_start3A_201 : memref<12544xf32, #tpu.memory_space<hbm>>) target(%arg14 : memref<12544xf32, #tpu.memory_space<vmem>>) target_semaphore(%run_scoped3A : memref<!tpu.dma_semaphore, #tpu.memory_space<semaphore_mem>>)
      %dma_wait3A_202 = tpu.memref_slice %arg4[%mul3A_8] : memref<401408xf32, #tpu.memory_space<hbm>> -> memref<12544xf32, #tpu.memory_space<hbm>>
      %dma_wait3A_203 = tpu.memref_slice %arg4[%mul3A_8] : memref<401408xf32, #tpu.memory_space<hbm>> -> memref<12544xf32, #tpu.memory_space<hbm>>
      tpu.wait_dma2 semaphore(%run_scoped3A : memref<!tpu.dma_semaphore, #tpu.memory_space<semaphore_mem>>) src(%dma_wait3A_203 : memref<12544xf32, #tpu.memory_space<hbm>>) dst(%arg14 : memref<12544xf32, #tpu.memory_space<vmem>>)
      tpu.yield
    }) : () -> ()
    %scan3A = arith.constant 0 : i32
    %scan3A_9 = arith.constant 0 : i32
    %scan3A_10 = arith.constant 602 : i32
    %scan3A_11 = arith.addi %scan3A_9, %scan3A_10 : i32
    %scan3A_12 = arith.constant 1 : i32
    %scan3A_13 = scf.for %scan3A_200 = %scan3A_9 to %scan3A_11 step %scan3A_12 iter_args(%scan3A_201 = %scan3A) -> (i32)  : i32 {
      %broadcast_in_dim3A_202 = arith.constant -1 : i32
      %broadcast_in_dim3A_203 = vector.broadcast %broadcast_in_dim3A_202 : i32 to vector<16xi32>
      %mul3A_204 = arith.constant 16 : i32
      %mul3A_205 = arith.muli %scan3A_200, %mul3A_204 : i32
      %swap3A_206 = arith.index_cast %mul3A_205 : i32 to index
      %swap3A_207 = tpu.vector_load %arg18[%swap3A_206] {strides = array<i32>} : memref<9632xi32, #tpu.memory_space<vmem>>, vector<16xi32>,
      tpu.vector_store %arg18[%swap3A_206], %broadcast_in_dim3A_203 {strides = array<i32>} : memref<9632xi32, #tpu.memory_space<vmem>>, vector<16xi32>,
      %scan3A_208 = arith.constant 0 : i32
      scf.yield %scan3A_208 : i32
    }
    %scan3A_14 = arith.constant 602 : i32
    %mul3A_15 = arith.constant 9632 : i32
    %mul3A_16 = arith.muli %arg1, %mul3A_15 : i32
    "tpu.region"() ({
      %run_scoped3A = tpu.sem_alloc : memref<!tpu.dma_semaphore, #tpu.memory_space<semaphore_mem>>
      %dma_start3A_200 = tpu.memref_slice %arg24[%mul3A_16] : memref<154112xi32, #tpu.memory_space<vmem_shared>> -> memref<9632xi32, #tpu.memory_space<vmem_shared>>
      %dma_start3A_201 = tpu.memref_slice %arg24[%mul3A_16] : memref<154112xi32, #tpu.memory_space<vmem_shared>> -> memref<9632xi32, #tpu.memory_space<vmem_shared>>
      tpu.enqueue_dma source(%arg18 : memref<9632xi32, #tpu.memory_space<vmem>>) target(%dma_start3A_201 : memref<9632xi32, #tpu.memory_space<vmem_shared>>) target_semaphore(%run_scoped3A : memref<!tpu.dma_semaphore, #tpu.memory_space<semaphore_mem>>)
      %dma_wait3A_202 = tpu.memref_slice %arg24[%mul3A_16] : memref<154112xi32, #tpu.memory_space<vmem_shared>> -> memref<9632xi32, #tpu.memory_space<vmem_shared>>
      %dma_wait3A_203 = tpu.memref_slice %arg24[%mul3A_16] : memref<154112xi32, #tpu.memory_space<vmem_shared>> -> memref<9632xi32, #tpu.memory_space<vmem_shared>>
      tpu.wait_dma2 semaphore(%run_scoped3A : memref<!tpu.dma_semaphore, #tpu.memory_space<semaphore_mem>>) src(%arg18 : memref<9632xi32, #tpu.memory_space<vmem>>) dst(%dma_wait3A_203 : memref<9632xi32, #tpu.memory_space<vmem_shared>>)
      tpu.yield
    }) : () -> ()
    %mul3A_17 = arith.constant 9632 : i32
    %mul3A_18 = arith.muli %arg1, %mul3A_17 : i32
    "tpu.region"() ({
      %run_scoped3A = tpu.sem_alloc : memref<!tpu.dma_semaphore, #tpu.memory_space<semaphore_mem>>
      %dma_start3A_200 = tpu.memref_slice %arg25[%mul3A_18] : memref<154112xi32, #tpu.memory_space<vmem_shared>> -> memref<9632xi32, #tpu.memory_space<vmem_shared>>
      %dma_start3A_201 = tpu.memref_slice %arg25[%mul3A_18] : memref<154112xi32, #tpu.memory_space<vmem_shared>> -> memref<9632xi32, #tpu.memory_space<vmem_shared>>
      tpu.enqueue_dma source(%arg18 : memref<9632xi32, #tpu.memory_space<vmem>>) target(%dma_start3A_201 : memref<9632xi32, #tpu.memory_space<vmem_shared>>) target_semaphore(%run_scoped3A : memref<!tpu.dma_semaphore, #tpu.memory_space<semaphore_mem>>)
      %dma_wait3A_202 = tpu.memref_slice %arg25[%mul3A_18] : memref<154112xi32, #tpu.memory_space<vmem_shared>> -> memref<9632xi32, #tpu.memory_space<vmem_shared>>
      %dma_wait3A_203 = tpu.memref_slice %arg25[%mul3A_18] : memref<154112xi32, #tpu.memory_space<vmem_shared>> -> memref<9632xi32, #tpu.memory_space<vmem_shared>>
      tpu.wait_dma2 semaphore(%run_scoped3A : memref<!tpu.dma_semaphore, #tpu.memory_space<semaphore_mem>>) src(%arg18 : memref<9632xi32, #tpu.memory_space<vmem>>) dst(%dma_wait3A_203 : memref<9632xi32, #tpu.memory_space<vmem_shared>>)
      tpu.yield
    }) : () -> ()
    %barrier3A = arith.constant 0 : index
    tpu.barrier barrier_id(%barrier3A)
    %scan3A_19 = arith.constant 0 : i32
    %scan3A_20 = arith.constant 0 : i32
    %scan3A_21 = arith.constant 196 : i32
    %scan3A_22 = arith.addi %scan3A_20, %scan3A_21 : i32
    %scan3A_23 = arith.constant 1 : i32
    %scan3A_24 = scf.for %scan3A_200 = %scan3A_20 to %scan3A_22 step %scan3A_23 iter_args(%scan3A_201 = %scan3A_19) -> (i32)  : i32 {
      %mul3A_202 = arith.constant 16 : i32
      %mul3A_203 = arith.muli %scan3A_200, %mul3A_202 : i32
      %add3A_204 = vector.broadcast %mul3A_203 : i32 to vector<16xi32>
      %add3A_205 = arith.addi %add3A_204, %iota3A : vector<16xi32>
      %add3A_206 = vector.broadcast %mul3A_2 : i32 to vector<16xi32>
      %add3A_207 = arith.addi %add3A_206, %add3A_205 : vector<16xi32>
      %mul3A_208 = arith.constant 4 : i32
      %mul3A_209 = vector.broadcast %mul3A_208 : i32 to vector<16xi32>
      %mul3A_210 = arith.muli %add3A_205, %mul3A_209 : vector<16xi32>
      %add3A_211 = arith.constant 0 : i32
      %add3A_212 = vector.broadcast %add3A_211 : i32 to vector<16xi32>
      %add3A_213 = arith.addi %mul3A_210, %add3A_212 : vector<16xi32>
      %gather3A = tpu.vector_load_idx %arg12[%add3A_213] : memref<12544xi32, #tpu.memory_space<vmem>>[vector<16xi32>], vector<16xi32>,
      %gather3A_214 = tpu.vector_load_idx %arg13[%add3A_213] : memref<12544xi32, #tpu.memory_space<vmem>>[vector<16xi32>], vector<16xi32>,
      %gather3A_215 = tpu.vector_load_idx %arg14[%add3A_213] : memref<12544xf32, #tpu.memory_space<vmem>>[vector<16xi32>], vector<16xf32>,
      %gt3A = arith.constant 5.000000e-01 : f32
      %gt3A_216 = vector.broadcast %gt3A : f32 to vector<16xf32>
      %gt3A_217 = arith.cmpf ogt, %gather3A_215, %gt3A_216 : vector<16xf32>
      %and3A = arith.constant 4095 : i32
      %and3A_218 = vector.broadcast %and3A : i32 to vector<16xi32>
      %and3A_219 = arith.andi %add3A_207, %and3A_218 : vector<16xi32>
      %add3A_220 = arith.constant 150000 : i32
      %add3A_221 = vector.broadcast %add3A_220 : i32 to vector<16xi32>
      %add3A_222 = arith.addi %add3A_221, %and3A_219 : vector<16xi32>
      %or3A = arith.constant 0 : i32
      %or3A_223 = vector.broadcast %or3A : i32 to vector<16xi32>
      %or3A_224 = arith.ori %add3A_207, %or3A_223 : vector<16xi32>
      %eq3A_225 = arith.constant 1 : i32
      %eq3A_226 = vector.broadcast %eq3A_225 : i32 to vector<16xi32>
      %eq3A_227 = arith.cmpi eq, %gather3A_214, %eq3A_226 : vector<16xi32>
      %and3A_228 = arith.andi %gt3A_217, %eq3A_227 : vector<16xi1>
      %select_n3A = arith.select %and3A_228, %gather3A, %add3A_222 : vector<16xi1>, vector<16xi32>
      %eq3A_229 = arith.constant 0 : i32
      %eq3A_230 = vector.broadcast %eq3A_229 : i32 to vector<16xi32>
      %eq3A_231 = arith.cmpi eq, %gather3A_214, %eq3A_230 : vector<16xi32>
      %and3A_232 = arith.andi %gt3A_217, %eq3A_231 : vector<16xi1>
      %select_n3A_233 = arith.select %and3A_232, %gather3A, %add3A_222 : vector<16xi1>, vector<16xi32>
      %mul3A_234 = arith.constant 16 : i32
      %mul3A_235 = arith.muli %scan3A_200, %mul3A_234 : i32
      %swap3A_236 = arith.index_cast %mul3A_235 : i32 to index
      %swap3A_237 = tpu.vector_load %arg15[%swap3A_236] {strides = array<i32>} : memref<3136xi32, #tpu.memory_space<vmem>>, vector<16xi32>,
      tpu.vector_store %arg15[%swap3A_236], %select_n3A {strides = array<i32>} : memref<3136xi32, #tpu.memory_space<vmem>>, vector<16xi32>,
      %swap3A_238 = arith.index_cast %mul3A_235 : i32 to index
      %swap3A_239 = tpu.vector_load %arg16[%swap3A_238] {strides = array<i32>} : memref<3136xi32, #tpu.memory_space<vmem>>, vector<16xi32>,
      tpu.vector_store %arg16[%swap3A_238], %select_n3A_233 {strides = array<i32>} : memref<3136xi32, #tpu.memory_space<vmem>>, vector<16xi32>,
      %swap3A_240 = arith.index_cast %mul3A_235 : i32 to index
      %swap3A_241 = tpu.vector_load %arg17[%swap3A_240] {strides = array<i32>} : memref<3136xi32, #tpu.memory_space<vmem>>, vector<16xi32>,
      tpu.vector_store %arg17[%swap3A_240], %or3A_224 {strides = array<i32>} : memref<3136xi32, #tpu.memory_space<vmem>>, vector<16xi32>,
      %scan3A_242 = arith.constant 0 : i32
      scf.yield %scan3A_242 : i32
    }
    %scan3A_25 = arith.constant 196 : i32
    %dma_start3A = arith.constant 0 : i32
    %dma_start3A_26 = tpu.memref_slice %arg24[%dma_start3A] : memref<154112xi32, #tpu.memory_space<vmem_shared>> -> memref<154112xi32, #tpu.memory_space<vmem_shared>>
    tpu.enqueue_indirect_dma source(%arg17 : memref<3136xi32, #tpu.memory_space<vmem>>) target(%dma_start3A_26 : memref<154112xi32, #tpu.memory_space<vmem_shared>>) offsets(%arg15 : memref<3136xi32, #tpu.memory_space<vmem>>) semaphore(%arg26 : memref<!tpu.dma_semaphore, #tpu.memory_space<semaphore_mem>>)
    %dma_start3A_27 = arith.constant 0 : i32
    %dma_start3A_28 = tpu.memref_slice %arg25[%dma_start3A_27] : memref<154112xi32, #tpu.memory_space<vmem_shared>> -> memref<154112xi32, #tpu.memory_space<vmem_shared>>
    tpu.enqueue_indirect_dma source(%arg17 : memref<3136xi32, #tpu.memory_space<vmem>>) target(%dma_start3A_28 : memref<154112xi32, #tpu.memory_space<vmem_shared>>) offsets(%arg16 : memref<3136xi32, #tpu.memory_space<vmem>>) semaphore(%arg27 : memref<!tpu.dma_semaphore, #tpu.memory_space<semaphore_mem>>)
    %dma_wait3A = arith.constant 0 : i32
    %dma_wait3A_29 = tpu.memref_slice %arg24[%dma_wait3A] : memref<154112xi32, #tpu.memory_space<vmem_shared>> -> memref<154112xi32, #tpu.memory_space<vmem_shared>>
    tpu.wait_indirect_dma semaphore(%arg26 : memref<!tpu.dma_semaphore, #tpu.memory_space<semaphore_mem>>) src(%arg17 : memref<3136xi32, #tpu.memory_space<vmem>>) dst(%dma_wait3A_29 : memref<154112xi32, #tpu.memory_space<vmem_shared>>)
    %dma_wait3A_30 = arith.constant 0 : i32
    %dma_wait3A_31 = tpu.memref_slice %arg25[%dma_wait3A_30] : memref<154112xi32, #tpu.memory_space<vmem_shared>> -> memref<154112xi32, #tpu.memory_space<vmem_shared>>
    tpu.wait_indirect_dma semaphore(%arg27 : memref<!tpu.dma_semaphore, #tpu.memory_space<semaphore_mem>>) src(%arg17 : memref<3136xi32, #tpu.memory_space<vmem>>) dst(%dma_wait3A_31 : memref<154112xi32, #tpu.memory_space<vmem_shared>>)
    %barrier3A_32 = arith.constant 0 : index
    tpu.barrier barrier_id(%barrier3A_32)
    %scan3A_33 = arith.constant 0 : i32
    %scan3A_34 = arith.constant 0 : i32
    %scan3A_35 = arith.constant 196 : i32
    %scan3A_36 = arith.addi %scan3A_34, %scan3A_35 : i32
    %scan3A_37 = arith.constant 1 : i32
    %scan3A_38 = scf.for %scan3A_200 = %scan3A_34 to %scan3A_36 step %scan3A_37 iter_args(%scan3A_201 = %scan3A_33) -> (i32)  : i32 {
      %mul3A_202 = arith.constant 16 : i32
      %mul3A_203 = arith.muli %scan3A_200, %mul3A_202 : i32
      %add3A_204 = vector.broadcast %mul3A_203 : i32 to vector<16xi32>
      %add3A_205 = arith.addi %add3A_204, %iota3A : vector<16xi32>
      %add3A_206 = vector.broadcast %mul3A_2 : i32 to vector<16xi32>
      %add3A_207 = arith.addi %add3A_206, %add3A_205 : vector<16xi32>
      %mul3A_208 = arith.constant 4 : i32
      %mul3A_209 = vector.broadcast %mul3A_208 : i32 to vector<16xi32>
      %mul3A_210 = arith.muli %add3A_205, %mul3A_209 : vector<16xi32>
      %add3A_211 = arith.constant 1 : i32
      %add3A_212 = vector.broadcast %add3A_211 : i32 to vector<16xi32>
      %add3A_213 = arith.addi %mul3A_210, %add3A_212 : vector<16xi32>
      %gather3A = tpu.vector_load_idx %arg12[%add3A_213] : memref<12544xi32, #tpu.memory_space<vmem>>[vector<16xi32>], vector<16xi32>,
      %gather3A_214 = tpu.vector_load_idx %arg13[%add3A_213] : memref<12544xi32, #tpu.memory_space<vmem>>[vector<16xi32>], vector<16xi32>,
      %gather3A_215 = tpu.vector_load_idx %arg14[%add3A_213] : memref<12544xf32, #tpu.memory_space<vmem>>[vector<16xi32>], vector<16xf32>,
      %gt3A = arith.constant 5.000000e-01 : f32
      %gt3A_216 = vector.broadcast %gt3A : f32 to vector<16xf32>
      %gt3A_217 = arith.cmpf ogt, %gather3A_215, %gt3A_216 : vector<16xf32>
      %and3A = arith.constant 4095 : i32
      %and3A_218 = vector.broadcast %and3A : i32 to vector<16xi32>
      %and3A_219 = arith.andi %add3A_207, %and3A_218 : vector<16xi32>
      %add3A_220 = arith.constant 150000 : i32
      %add3A_221 = vector.broadcast %add3A_220 : i32 to vector<16xi32>
      %add3A_222 = arith.addi %add3A_221, %and3A_219 : vector<16xi32>
      %or3A = arith.constant 131072 : i32
      %or3A_223 = vector.broadcast %or3A : i32 to vector<16xi32>
      %or3A_224 = arith.ori %add3A_207, %or3A_223 : vector<16xi32>
      %eq3A_225 = arith.constant 1 : i32
      %eq3A_226 = vector.broadcast %eq3A_225 : i32 to vector<16xi32>
      %eq3A_227 = arith.cmpi eq, %gather3A_214, %eq3A_226 : vector<16xi32>
      %and3A_228 = arith.andi %gt3A_217, %eq3A_227 : vector<16xi1>
      %select_n3A = arith.select %and3A_228, %gather3A, %add3A_222 : vector<16xi1>, vector<16xi32>
      %eq3A_229 = arith.constant 0 : i32
      %eq3A_230 = vector.broadcast %eq3A_229 : i32 to vector<16xi32>
      %eq3A_231 = arith.cmpi eq, %gather3A_214, %eq3A_230 : vector<16xi32>
      %and3A_232 = arith.andi %gt3A_217, %eq3A_231 : vector<16xi1>
      %select_n3A_233 = arith.select %and3A_232, %gather3A, %add3A_222 : vector<16xi1>, vector<16xi32>
      %mul3A_234 = arith.constant 16 : i32
      %mul3A_235 = arith.muli %scan3A_200, %mul3A_234 : i32
      %swap3A_236 = arith.index_cast %mul3A_235 : i32 to index
      %swap3A_237 = tpu.vector_load %arg15[%swap3A_236] {strides = array<i32>} : memref<3136xi32, #tpu.memory_space<vmem>>, vector<16xi32>,
      tpu.vector_store %arg15[%swap3A_236], %select_n3A {strides = array<i32>} : memref<3136xi32, #tpu.memory_space<vmem>>, vector<16xi32>,
      %swap3A_238 = arith.index_cast %mul3A_235 : i32 to index
      %swap3A_239 = tpu.vector_load %arg16[%swap3A_238] {strides = array<i32>} : memref<3136xi32, #tpu.memory_space<vmem>>, vector<16xi32>,
      tpu.vector_store %arg16[%swap3A_238], %select_n3A_233 {strides = array<i32>} : memref<3136xi32, #tpu.memory_space<vmem>>, vector<16xi32>,
      %swap3A_240 = arith.index_cast %mul3A_235 : i32 to index
      %swap3A_241 = tpu.vector_load %arg17[%swap3A_240] {strides = array<i32>} : memref<3136xi32, #tpu.memory_space<vmem>>, vector<16xi32>,
      tpu.vector_store %arg17[%swap3A_240], %or3A_224 {strides = array<i32>} : memref<3136xi32, #tpu.memory_space<vmem>>, vector<16xi32>,
      %scan3A_242 = arith.constant 0 : i32
      scf.yield %scan3A_242 : i32
    }
    %scan3A_39 = arith.constant 196 : i32
    %dma_start3A_40 = arith.constant 0 : i32
    %dma_start3A_41 = tpu.memref_slice %arg24[%dma_start3A_40] : memref<154112xi32, #tpu.memory_space<vmem_shared>> -> memref<154112xi32, #tpu.memory_space<vmem_shared>>
    tpu.enqueue_indirect_dma source(%arg17 : memref<3136xi32, #tpu.memory_space<vmem>>) target(%dma_start3A_41 : memref<154112xi32, #tpu.memory_space<vmem_shared>>) offsets(%arg15 : memref<3136xi32, #tpu.memory_space<vmem>>) semaphore(%arg26 : memref<!tpu.dma_semaphore, #tpu.memory_space<semaphore_mem>>)
    %dma_start3A_42 = arith.constant 0 : i32
    %dma_start3A_43 = tpu.memref_slice %arg25[%dma_start3A_42] : memref<154112xi32, #tpu.memory_space<vmem_shared>> -> memref<154112xi32, #tpu.memory_space<vmem_shared>>
    tpu.enqueue_indirect_dma source(%arg17 : memref<3136xi32, #tpu.memory_space<vmem>>) target(%dma_start3A_43 : memref<154112xi32, #tpu.memory_space<vmem_shared>>) offsets(%arg16 : memref<3136xi32, #tpu.memory_space<vmem>>) semaphore(%arg27 : memref<!tpu.dma_semaphore, #tpu.memory_space<semaphore_mem>>)
    %dma_wait3A_44 = arith.constant 0 : i32
    %dma_wait3A_45 = tpu.memref_slice %arg24[%dma_wait3A_44] : memref<154112xi32, #tpu.memory_space<vmem_shared>> -> memref<154112xi32, #tpu.memory_space<vmem_shared>>
    tpu.wait_indirect_dma semaphore(%arg26 : memref<!tpu.dma_semaphore, #tpu.memory_space<semaphore_mem>>) src(%arg17 : memref<3136xi32, #tpu.memory_space<vmem>>) dst(%dma_wait3A_45 : memref<154112xi32, #tpu.memory_space<vmem_shared>>)
    %dma_wait3A_46 = arith.constant 0 : i32
    %dma_wait3A_47 = tpu.memref_slice %arg25[%dma_wait3A_46] : memref<154112xi32, #tpu.memory_space<vmem_shared>> -> memref<154112xi32, #tpu.memory_space<vmem_shared>>
    tpu.wait_indirect_dma semaphore(%arg27 : memref<!tpu.dma_semaphore, #tpu.memory_space<semaphore_mem>>) src(%arg17 : memref<3136xi32, #tpu.memory_space<vmem>>) dst(%dma_wait3A_47 : memref<154112xi32, #tpu.memory_space<vmem_shared>>)
    %barrier3A_48 = arith.constant 0 : index
    tpu.barrier barrier_id(%barrier3A_48)
    %scan3A_49 = arith.constant 0 : i32
    %scan3A_50 = arith.constant 0 : i32
    %scan3A_51 = arith.constant 196 : i32
    %scan3A_52 = arith.addi %scan3A_50, %scan3A_51 : i32
    %scan3A_53 = arith.constant 1 : i32
    %scan3A_54 = scf.for %scan3A_200 = %scan3A_50 to %scan3A_52 step %scan3A_53 iter_args(%scan3A_201 = %scan3A_49) -> (i32)  : i32 {
      %mul3A_202 = arith.constant 16 : i32
      %mul3A_203 = arith.muli %scan3A_200, %mul3A_202 : i32
      %add3A_204 = vector.broadcast %mul3A_203 : i32 to vector<16xi32>
      %add3A_205 = arith.addi %add3A_204, %iota3A : vector<16xi32>
      %add3A_206 = vector.broadcast %mul3A_2 : i32 to vector<16xi32>
      %add3A_207 = arith.addi %add3A_206, %add3A_205 : vector<16xi32>
      %mul3A_208 = arith.constant 4 : i32
      %mul3A_209 = vector.broadcast %mul3A_208 : i32 to vector<16xi32>
      %mul3A_210 = arith.muli %add3A_205, %mul3A_209 : vector<16xi32>
      %add3A_211 = arith.constant 2 : i32
      %add3A_212 = vector.broadcast %add3A_211 : i32 to vector<16xi32>
      %add3A_213 = arith.addi %mul3A_210, %add3A_212 : vector<16xi32>
      %gather3A = tpu.vector_load_idx %arg12[%add3A_213] : memref<12544xi32, #tpu.memory_space<vmem>>[vector<16xi32>], vector<16xi32>,
      %gather3A_214 = tpu.vector_load_idx %arg13[%add3A_213] : memref<12544xi32, #tpu.memory_space<vmem>>[vector<16xi32>], vector<16xi32>,
      %gather3A_215 = tpu.vector_load_idx %arg14[%add3A_213] : memref<12544xf32, #tpu.memory_space<vmem>>[vector<16xi32>], vector<16xf32>,
      %gt3A = arith.constant 5.000000e-01 : f32
      %gt3A_216 = vector.broadcast %gt3A : f32 to vector<16xf32>
      %gt3A_217 = arith.cmpf ogt, %gather3A_215, %gt3A_216 : vector<16xf32>
      %and3A = arith.constant 4095 : i32
      %and3A_218 = vector.broadcast %and3A : i32 to vector<16xi32>
      %and3A_219 = arith.andi %add3A_207, %and3A_218 : vector<16xi32>
      %add3A_220 = arith.constant 150000 : i32
      %add3A_221 = vector.broadcast %add3A_220 : i32 to vector<16xi32>
      %add3A_222 = arith.addi %add3A_221, %and3A_219 : vector<16xi32>
      %or3A = arith.constant 262144 : i32
      %or3A_223 = vector.broadcast %or3A : i32 to vector<16xi32>
      %or3A_224 = arith.ori %add3A_207, %or3A_223 : vector<16xi32>
      %eq3A_225 = arith.constant 1 : i32
      %eq3A_226 = vector.broadcast %eq3A_225 : i32 to vector<16xi32>
      %eq3A_227 = arith.cmpi eq, %gather3A_214, %eq3A_226 : vector<16xi32>
      %and3A_228 = arith.andi %gt3A_217, %eq3A_227 : vector<16xi1>
      %select_n3A = arith.select %and3A_228, %gather3A, %add3A_222 : vector<16xi1>, vector<16xi32>
      %eq3A_229 = arith.constant 0 : i32
      %eq3A_230 = vector.broadcast %eq3A_229 : i32 to vector<16xi32>
      %eq3A_231 = arith.cmpi eq, %gather3A_214, %eq3A_230 : vector<16xi32>
      %and3A_232 = arith.andi %gt3A_217, %eq3A_231 : vector<16xi1>
      %select_n3A_233 = arith.select %and3A_232, %gather3A, %add3A_222 : vector<16xi1>, vector<16xi32>
      %mul3A_234 = arith.constant 16 : i32
      %mul3A_235 = arith.muli %scan3A_200, %mul3A_234 : i32
      %swap3A_236 = arith.index_cast %mul3A_235 : i32 to index
      %swap3A_237 = tpu.vector_load %arg15[%swap3A_236] {strides = array<i32>} : memref<3136xi32, #tpu.memory_space<vmem>>, vector<16xi32>,
      tpu.vector_store %arg15[%swap3A_236], %select_n3A {strides = array<i32>} : memref<3136xi32, #tpu.memory_space<vmem>>, vector<16xi32>,
      %swap3A_238 = arith.index_cast %mul3A_235 : i32 to index
      %swap3A_239 = tpu.vector_load %arg16[%swap3A_238] {strides = array<i32>} : memref<3136xi32, #tpu.memory_space<vmem>>, vector<16xi32>,
      tpu.vector_store %arg16[%swap3A_238], %select_n3A_233 {strides = array<i32>} : memref<3136xi32, #tpu.memory_space<vmem>>, vector<16xi32>,
      %swap3A_240 = arith.index_cast %mul3A_235 : i32 to index
      %swap3A_241 = tpu.vector_load %arg17[%swap3A_240] {strides = array<i32>} : memref<3136xi32, #tpu.memory_space<vmem>>, vector<16xi32>,
      tpu.vector_store %arg17[%swap3A_240], %or3A_224 {strides = array<i32>} : memref<3136xi32, #tpu.memory_space<vmem>>, vector<16xi32>,
      %scan3A_242 = arith.constant 0 : i32
      scf.yield %scan3A_242 : i32
    }
    %scan3A_55 = arith.constant 196 : i32
    %dma_start3A_56 = arith.constant 0 : i32
    %dma_start3A_57 = tpu.memref_slice %arg24[%dma_start3A_56] : memref<154112xi32, #tpu.memory_space<vmem_shared>> -> memref<154112xi32, #tpu.memory_space<vmem_shared>>
    tpu.enqueue_indirect_dma source(%arg17 : memref<3136xi32, #tpu.memory_space<vmem>>) target(%dma_start3A_57 : memref<154112xi32, #tpu.memory_space<vmem_shared>>) offsets(%arg15 : memref<3136xi32, #tpu.memory_space<vmem>>) semaphore(%arg26 : memref<!tpu.dma_semaphore, #tpu.memory_space<semaphore_mem>>)
    %dma_start3A_58 = arith.constant 0 : i32
    %dma_start3A_59 = tpu.memref_slice %arg25[%dma_start3A_58] : memref<154112xi32, #tpu.memory_space<vmem_shared>> -> memref<154112xi32, #tpu.memory_space<vmem_shared>>
    tpu.enqueue_indirect_dma source(%arg17 : memref<3136xi32, #tpu.memory_space<vmem>>) target(%dma_start3A_59 : memref<154112xi32, #tpu.memory_space<vmem_shared>>) offsets(%arg16 : memref<3136xi32, #tpu.memory_space<vmem>>) semaphore(%arg27 : memref<!tpu.dma_semaphore, #tpu.memory_space<semaphore_mem>>)
    %dma_wait3A_60 = arith.constant 0 : i32
    %dma_wait3A_61 = tpu.memref_slice %arg24[%dma_wait3A_60] : memref<154112xi32, #tpu.memory_space<vmem_shared>> -> memref<154112xi32, #tpu.memory_space<vmem_shared>>
    tpu.wait_indirect_dma semaphore(%arg26 : memref<!tpu.dma_semaphore, #tpu.memory_space<semaphore_mem>>) src(%arg17 : memref<3136xi32, #tpu.memory_space<vmem>>) dst(%dma_wait3A_61 : memref<154112xi32, #tpu.memory_space<vmem_shared>>)
    %dma_wait3A_62 = arith.constant 0 : i32
    %dma_wait3A_63 = tpu.memref_slice %arg25[%dma_wait3A_62] : memref<154112xi32, #tpu.memory_space<vmem_shared>> -> memref<154112xi32, #tpu.memory_space<vmem_shared>>
    tpu.wait_indirect_dma semaphore(%arg27 : memref<!tpu.dma_semaphore, #tpu.memory_space<semaphore_mem>>) src(%arg17 : memref<3136xi32, #tpu.memory_space<vmem>>) dst(%dma_wait3A_63 : memref<154112xi32, #tpu.memory_space<vmem_shared>>)
    %barrier3A_64 = arith.constant 0 : index
    tpu.barrier barrier_id(%barrier3A_64)
    %scan3A_65 = arith.constant 0 : i32
    %scan3A_66 = arith.constant 0 : i32
    %scan3A_67 = arith.constant 196 : i32
    %scan3A_68 = arith.addi %scan3A_66, %scan3A_67 : i32
    %scan3A_69 = arith.constant 1 : i32
    %scan3A_70 = scf.for %scan3A_200 = %scan3A_66 to %scan3A_68 step %scan3A_69 iter_args(%scan3A_201 = %scan3A_65) -> (i32)  : i32 {
      %mul3A_202 = arith.constant 16 : i32
      %mul3A_203 = arith.muli %scan3A_200, %mul3A_202 : i32
      %add3A_204 = vector.broadcast %mul3A_203 : i32 to vector<16xi32>
      %add3A_205 = arith.addi %add3A_204, %iota3A : vector<16xi32>
      %add3A_206 = vector.broadcast %mul3A_2 : i32 to vector<16xi32>
      %add3A_207 = arith.addi %add3A_206, %add3A_205 : vector<16xi32>
      %mul3A_208 = arith.constant 4 : i32
      %mul3A_209 = vector.broadcast %mul3A_208 : i32 to vector<16xi32>
      %mul3A_210 = arith.muli %add3A_205, %mul3A_209 : vector<16xi32>
      %add3A_211 = arith.constant 3 : i32
      %add3A_212 = vector.broadcast %add3A_211 : i32 to vector<16xi32>
      %add3A_213 = arith.addi %mul3A_210, %add3A_212 : vector<16xi32>
      %gather3A = tpu.vector_load_idx %arg12[%add3A_213] : memref<12544xi32, #tpu.memory_space<vmem>>[vector<16xi32>], vector<16xi32>,
      %gather3A_214 = tpu.vector_load_idx %arg13[%add3A_213] : memref<12544xi32, #tpu.memory_space<vmem>>[vector<16xi32>], vector<16xi32>,
      %gather3A_215 = tpu.vector_load_idx %arg14[%add3A_213] : memref<12544xf32, #tpu.memory_space<vmem>>[vector<16xi32>], vector<16xf32>,
      %gt3A = arith.constant 5.000000e-01 : f32
      %gt3A_216 = vector.broadcast %gt3A : f32 to vector<16xf32>
      %gt3A_217 = arith.cmpf ogt, %gather3A_215, %gt3A_216 : vector<16xf32>
      %and3A = arith.constant 4095 : i32
      %and3A_218 = vector.broadcast %and3A : i32 to vector<16xi32>
      %and3A_219 = arith.andi %add3A_207, %and3A_218 : vector<16xi32>
      %add3A_220 = arith.constant 150000 : i32
      %add3A_221 = vector.broadcast %add3A_220 : i32 to vector<16xi32>
      %add3A_222 = arith.addi %add3A_221, %and3A_219 : vector<16xi32>
      %or3A = arith.constant 393216 : i32
      %or3A_223 = vector.broadcast %or3A : i32 to vector<16xi32>
      %or3A_224 = arith.ori %add3A_207, %or3A_223 : vector<16xi32>
      %eq3A_225 = arith.constant 1 : i32
      %eq3A_226 = vector.broadcast %eq3A_225 : i32 to vector<16xi32>
      %eq3A_227 = arith.cmpi eq, %gather3A_214, %eq3A_226 : vector<16xi32>
      %and3A_228 = arith.andi %gt3A_217, %eq3A_227 : vector<16xi1>
      %select_n3A = arith.select %and3A_228, %gather3A, %add3A_222 : vector<16xi1>, vector<16xi32>
      %eq3A_229 = arith.constant 0 : i32
      %eq3A_230 = vector.broadcast %eq3A_229 : i32 to vector<16xi32>
      %eq3A_231 = arith.cmpi eq, %gather3A_214, %eq3A_230 : vector<16xi32>
      %and3A_232 = arith.andi %gt3A_217, %eq3A_231 : vector<16xi1>
      %select_n3A_233 = arith.select %and3A_232, %gather3A, %add3A_222 : vector<16xi1>, vector<16xi32>
      %mul3A_234 = arith.constant 16 : i32
      %mul3A_235 = arith.muli %scan3A_200, %mul3A_234 : i32
      %swap3A_236 = arith.index_cast %mul3A_235 : i32 to index
      %swap3A_237 = tpu.vector_load %arg15[%swap3A_236] {strides = array<i32>} : memref<3136xi32, #tpu.memory_space<vmem>>, vector<16xi32>,
      tpu.vector_store %arg15[%swap3A_236], %select_n3A {strides = array<i32>} : memref<3136xi32, #tpu.memory_space<vmem>>, vector<16xi32>,
      %swap3A_238 = arith.index_cast %mul3A_235 : i32 to index
      %swap3A_239 = tpu.vector_load %arg16[%swap3A_238] {strides = array<i32>} : memref<3136xi32, #tpu.memory_space<vmem>>, vector<16xi32>,
      tpu.vector_store %arg16[%swap3A_238], %select_n3A_233 {strides = array<i32>} : memref<3136xi32, #tpu.memory_space<vmem>>, vector<16xi32>,
      %swap3A_240 = arith.index_cast %mul3A_235 : i32 to index
      %swap3A_241 = tpu.vector_load %arg17[%swap3A_240] {strides = array<i32>} : memref<3136xi32, #tpu.memory_space<vmem>>, vector<16xi32>,
      tpu.vector_store %arg17[%swap3A_240], %or3A_224 {strides = array<i32>} : memref<3136xi32, #tpu.memory_space<vmem>>, vector<16xi32>,
      %scan3A_242 = arith.constant 0 : i32
      scf.yield %scan3A_242 : i32
    }
    %scan3A_71 = arith.constant 196 : i32
    %dma_start3A_72 = arith.constant 0 : i32
    %dma_start3A_73 = tpu.memref_slice %arg24[%dma_start3A_72] : memref<154112xi32, #tpu.memory_space<vmem_shared>> -> memref<154112xi32, #tpu.memory_space<vmem_shared>>
    tpu.enqueue_indirect_dma source(%arg17 : memref<3136xi32, #tpu.memory_space<vmem>>) target(%dma_start3A_73 : memref<154112xi32, #tpu.memory_space<vmem_shared>>) offsets(%arg15 : memref<3136xi32, #tpu.memory_space<vmem>>) semaphore(%arg26 : memref<!tpu.dma_semaphore, #tpu.memory_space<semaphore_mem>>)
    %dma_start3A_74 = arith.constant 0 : i32
    %dma_start3A_75 = tpu.memref_slice %arg25[%dma_start3A_74] : memref<154112xi32, #tpu.memory_space<vmem_shared>> -> memref<154112xi32, #tpu.memory_space<vmem_shared>>
    tpu.enqueue_indirect_dma source(%arg17 : memref<3136xi32, #tpu.memory_space<vmem>>) target(%dma_start3A_75 : memref<154112xi32, #tpu.memory_space<vmem_shared>>) offsets(%arg16 : memref<3136xi32, #tpu.memory_space<vmem>>) semaphore(%arg27 : memref<!tpu.dma_semaphore, #tpu.memory_space<semaphore_mem>>)
    %dma_wait3A_76 = arith.constant 0 : i32
    %dma_wait3A_77 = tpu.memref_slice %arg24[%dma_wait3A_76] : memref<154112xi32, #tpu.memory_space<vmem_shared>> -> memref<154112xi32, #tpu.memory_space<vmem_shared>>
    tpu.wait_indirect_dma semaphore(%arg26 : memref<!tpu.dma_semaphore, #tpu.memory_space<semaphore_mem>>) src(%arg17 : memref<3136xi32, #tpu.memory_space<vmem>>) dst(%dma_wait3A_77 : memref<154112xi32, #tpu.memory_space<vmem_shared>>)
    %dma_wait3A_78 = arith.constant 0 : i32
    %dma_wait3A_79 = tpu.memref_slice %arg25[%dma_wait3A_78] : memref<154112xi32, #tpu.memory_space<vmem_shared>> -> memref<154112xi32, #tpu.memory_space<vmem_shared>>
    tpu.wait_indirect_dma semaphore(%arg27 : memref<!tpu.dma_semaphore, #tpu.memory_space<semaphore_mem>>) src(%arg17 : memref<3136xi32, #tpu.memory_space<vmem>>) dst(%dma_wait3A_79 : memref<154112xi32, #tpu.memory_space<vmem_shared>>)
    %barrier3A_80 = arith.constant 0 : index
    tpu.barrier barrier_id(%barrier3A_80)
    %mul3A_81 = arith.constant 9632 : i32
    %mul3A_82 = arith.muli %arg1, %mul3A_81 : i32
    "tpu.region"() ({
      %run_scoped3A = tpu.sem_alloc : memref<!tpu.dma_semaphore, #tpu.memory_space<semaphore_mem>>
      %dma_start3A_200 = tpu.memref_slice %arg24[%mul3A_82] : memref<154112xi32, #tpu.memory_space<vmem_shared>> -> memref<9632xi32, #tpu.memory_space<vmem_shared>>
      %dma_start3A_201 = tpu.memref_slice %arg24[%mul3A_82] : memref<154112xi32, #tpu.memory_space<vmem_shared>> -> memref<9632xi32, #tpu.memory_space<vmem_shared>>
      tpu.enqueue_dma source(%dma_start3A_201 : memref<9632xi32, #tpu.memory_space<vmem_shared>>) target(%arg18 : memref<9632xi32, #tpu.memory_space<vmem>>) target_semaphore(%run_scoped3A : memref<!tpu.dma_semaphore, #tpu.memory_space<semaphore_mem>>)
      %dma_wait3A_202 = tpu.memref_slice %arg24[%mul3A_82] : memref<154112xi32, #tpu.memory_space<vmem_shared>> -> memref<9632xi32, #tpu.memory_space<vmem_shared>>
      %dma_wait3A_203 = tpu.memref_slice %arg24[%mul3A_82] : memref<154112xi32, #tpu.memory_space<vmem_shared>> -> memref<9632xi32, #tpu.memory_space<vmem_shared>>
      tpu.wait_dma2 semaphore(%run_scoped3A : memref<!tpu.dma_semaphore, #tpu.memory_space<semaphore_mem>>) src(%dma_wait3A_203 : memref<9632xi32, #tpu.memory_space<vmem_shared>>) dst(%arg18 : memref<9632xi32, #tpu.memory_space<vmem>>)
      tpu.yield
    }) : () -> ()
    %mul3A_83 = arith.constant 154112 : i32
    %mul3A_84 = arith.muli %arg0, %mul3A_83 : i32
    %mul3A_85 = arith.constant 9632 : i32
    %mul3A_86 = arith.muli %arg1, %mul3A_85 : i32
    %add3A_87 = arith.addi %mul3A_84, %mul3A_86 : i32
    "tpu.region"() ({
      %run_scoped3A = tpu.sem_alloc : memref<!tpu.dma_semaphore, #tpu.memory_space<semaphore_mem>>
      %dma_start3A_200 = tpu.memref_slice %arg9[%add3A_87] : memref<308224xi32, #tpu.memory_space<hbm>> -> memref<9632xi32, #tpu.memory_space<hbm>>
      %dma_start3A_201 = tpu.memref_slice %arg9[%add3A_87] : memref<308224xi32, #tpu.memory_space<hbm>> -> memref<9632xi32, #tpu.memory_space<hbm>>
      tpu.enqueue_dma source(%arg18 : memref<9632xi32, #tpu.memory_space<vmem>>) target(%dma_start3A_201 : memref<9632xi32, #tpu.memory_space<hbm>>) target_semaphore(%run_scoped3A : memref<!tpu.dma_semaphore, #tpu.memory_space<semaphore_mem>>)
      %dma_wait3A_202 = tpu.memref_slice %arg9[%add3A_87] : memref<308224xi32, #tpu.memory_space<hbm>> -> memref<9632xi32, #tpu.memory_space<hbm>>
      %dma_wait3A_203 = tpu.memref_slice %arg9[%add3A_87] : memref<308224xi32, #tpu.memory_space<hbm>> -> memref<9632xi32, #tpu.memory_space<hbm>>
      tpu.wait_dma2 semaphore(%run_scoped3A : memref<!tpu.dma_semaphore, #tpu.memory_space<semaphore_mem>>) src(%arg18 : memref<9632xi32, #tpu.memory_space<vmem>>) dst(%dma_wait3A_203 : memref<9632xi32, #tpu.memory_space<hbm>>)
      tpu.yield
    }) : () -> ()
    %mul3A_88 = arith.constant 9632 : i32
    %mul3A_89 = arith.muli %arg1, %mul3A_88 : i32
    "tpu.region"() ({
      %run_scoped3A = tpu.sem_alloc : memref<!tpu.dma_semaphore, #tpu.memory_space<semaphore_mem>>
      %dma_start3A_200 = tpu.memref_slice %arg25[%mul3A_89] : memref<154112xi32, #tpu.memory_space<vmem_shared>> -> memref<9632xi32, #tpu.memory_space<vmem_shared>>
      %dma_start3A_201 = tpu.memref_slice %arg25[%mul3A_89] : memref<154112xi32, #tpu.memory_space<vmem_shared>> -> memref<9632xi32, #tpu.memory_space<vmem_shared>>
      tpu.enqueue_dma source(%dma_start3A_201 : memref<9632xi32, #tpu.memory_space<vmem_shared>>) target(%arg18 : memref<9632xi32, #tpu.memory_space<vmem>>) target_semaphore(%run_scoped3A : memref<!tpu.dma_semaphore, #tpu.memory_space<semaphore_mem>>)
      %dma_wait3A_202 = tpu.memref_slice %arg25[%mul3A_89] : memref<154112xi32, #tpu.memory_space<vmem_shared>> -> memref<9632xi32, #tpu.memory_space<vmem_shared>>
      %dma_wait3A_203 = tpu.memref_slice %arg25[%mul3A_89] : memref<154112xi32, #tpu.memory_space<vmem_shared>> -> memref<9632xi32, #tpu.memory_space<vmem_shared>>
      tpu.wait_dma2 semaphore(%run_scoped3A : memref<!tpu.dma_semaphore, #tpu.memory_space<semaphore_mem>>) src(%dma_wait3A_203 : memref<9632xi32, #tpu.memory_space<vmem_shared>>) dst(%arg18 : memref<9632xi32, #tpu.memory_space<vmem>>)
      tpu.yield
    }) : () -> ()
    %mul3A_90 = arith.constant 154112 : i32
    %mul3A_91 = arith.muli %arg0, %mul3A_90 : i32
    %mul3A_92 = arith.constant 9632 : i32
    %mul3A_93 = arith.muli %arg1, %mul3A_92 : i32
    %add3A_94 = arith.addi %mul3A_91, %mul3A_93 : i32
    "tpu.region"() ({
      %run_scoped3A = tpu.sem_alloc : memref<!tpu.dma_semaphore, #tpu.memory_space<semaphore_mem>>
      %dma_start3A_200 = tpu.memref_slice %arg10[%add3A_94] : memref<308224xi32, #tpu.memory_space<hbm>> -> memref<9632xi32, #tpu.memory_space<hbm>>
      %dma_start3A_201 = tpu.memref_slice %arg10[%add3A_94] : memref<308224xi32, #tpu.memory_space<hbm>> -> memref<9632xi32, #tpu.memory_space<hbm>>
      tpu.enqueue_dma source(%arg18 : memref<9632xi32, #tpu.memory_space<vmem>>) target(%dma_start3A_201 : memref<9632xi32, #tpu.memory_space<hbm>>) target_semaphore(%run_scoped3A : memref<!tpu.dma_semaphore, #tpu.memory_space<semaphore_mem>>)
      %dma_wait3A_202 = tpu.memref_slice %arg10[%add3A_94] : memref<308224xi32, #tpu.memory_space<hbm>> -> memref<9632xi32, #tpu.memory_space<hbm>>
      %dma_wait3A_203 = tpu.memref_slice %arg10[%add3A_94] : memref<308224xi32, #tpu.memory_space<hbm>> -> memref<9632xi32, #tpu.memory_space<hbm>>
      tpu.wait_dma2 semaphore(%run_scoped3A : memref<!tpu.dma_semaphore, #tpu.memory_space<semaphore_mem>>) src(%arg18 : memref<9632xi32, #tpu.memory_space<vmem>>) dst(%dma_wait3A_203 : memref<9632xi32, #tpu.memory_space<hbm>>)
      tpu.yield
    }) : () -> ()
    %broadcast_in_dim3A = arith.constant 0.000000e+00 : f32
    %broadcast_in_dim3A_95 = vector.broadcast %broadcast_in_dim3A : f32 to vector<16xf32>
    %scan3A_96 = arith.constant 0 : i32
    %scan3A_97 = arith.constant 4 : i32
    %scan3A_98 = arith.addi %scan3A_96, %scan3A_97 : i32
    %scan3A_99 = arith.constant 1 : i32
    %scan3A_100:8 = scf.for %scan3A_200 = %scan3A_96 to %scan3A_98 step %scan3A_99 iter_args(%scan3A_201 = %broadcast_in_dim3A_95, %scan3A_202 = %broadcast_in_dim3A_95, %scan3A_203 = %broadcast_in_dim3A_95, %scan3A_204 = %broadcast_in_dim3A_95, %scan3A_205 = %broadcast_in_dim3A_95, %scan3A_206 = %broadcast_in_dim3A_95, %scan3A_207 = %broadcast_in_dim3A_95, %scan3A_208 = %broadcast_in_dim3A_95) -> (vector<16xf32>, vector<16xf32>, vector<16xf32>, vector<16xf32>, vector<16xf32>, vector<16xf32>, vector<16xf32>, vector<16xf32>)  : i32 {
      %mul3A_209 = arith.constant 784 : i32
      %mul3A_210 = arith.muli %scan3A_200, %mul3A_209 : i32
      %add3A_211 = arith.addi %mul3A_2, %mul3A_210 : i32
      %mul3A_212 = arith.constant 15 : i32
      %mul3A_213 = arith.muli %add3A_211, %mul3A_212 : i32
      "tpu.region"() ({
        %run_scoped3A = tpu.sem_alloc : memref<!tpu.dma_semaphore, #tpu.memory_space<semaphore_mem>>
        %dma_start3A_222 = tpu.memref_slice %arg5[%mul3A_213] : memref<1505280xf32, #tpu.memory_space<hbm>> -> memref<11760xf32, #tpu.memory_space<hbm>>
        %dma_start3A_223 = tpu.memref_slice %arg5[%mul3A_213] : memref<1505280xf32, #tpu.memory_space<hbm>> -> memref<11760xf32, #tpu.memory_space<hbm>>
        tpu.enqueue_dma source(%dma_start3A_223 : memref<11760xf32, #tpu.memory_space<hbm>>) target(%arg19 : memref<11760xf32, #tpu.memory_space<vmem>>) target_semaphore(%run_scoped3A : memref<!tpu.dma_semaphore, #tpu.memory_space<semaphore_mem>>)
        %dma_wait3A_224 = tpu.memref_slice %arg5[%mul3A_213] : memref<1505280xf32, #tpu.memory_space<hbm>> -> memref<11760xf32, #tpu.memory_space<hbm>>
        %dma_wait3A_225 = tpu.memref_slice %arg5[%mul3A_213] : memref<1505280xf32, #tpu.memory_space<hbm>> -> memref<11760xf32, #tpu.memory_space<hbm>>
        tpu.wait_dma2 semaphore(%run_scoped3A : memref<!tpu.dma_semaphore, #tpu.memory_space<semaphore_mem>>) src(%dma_wait3A_225 : memref<11760xf32, #tpu.memory_space<hbm>>) dst(%arg19 : memref<11760xf32, #tpu.memory_space<vmem>>)
        tpu.yield
      }) : () -> ()
      %mul3A_214 = arith.constant 3 : i32
      %mul3A_215 = arith.muli %add3A_211, %mul3A_214 : i32
      "tpu.region"() ({
        %run_scoped3A = tpu.sem_alloc : memref<!tpu.dma_semaphore, #tpu.memory_space<semaphore_mem>>
        %dma_start3A_222 = tpu.memref_slice %arg6[%mul3A_215] : memref<301056xf32, #tpu.memory_space<hbm>> -> memref<2352xf32, #tpu.memory_space<hbm>>
        %dma_start3A_223 = tpu.memref_slice %arg6[%mul3A_215] : memref<301056xf32, #tpu.memory_space<hbm>> -> memref<2352xf32, #tpu.memory_space<hbm>>
        tpu.enqueue_dma source(%dma_start3A_223 : memref<2352xf32, #tpu.memory_space<hbm>>) target(%arg20 : memref<2352xf32, #tpu.memory_space<vmem>>) target_semaphore(%run_scoped3A : memref<!tpu.dma_semaphore, #tpu.memory_space<semaphore_mem>>)
        %dma_wait3A_224 = tpu.memref_slice %arg6[%mul3A_215] : memref<301056xf32, #tpu.memory_space<hbm>> -> memref<2352xf32, #tpu.memory_space<hbm>>
        %dma_wait3A_225 = tpu.memref_slice %arg6[%mul3A_215] : memref<301056xf32, #tpu.memory_space<hbm>> -> memref<2352xf32, #tpu.memory_space<hbm>>
        tpu.wait_dma2 semaphore(%run_scoped3A : memref<!tpu.dma_semaphore, #tpu.memory_space<semaphore_mem>>) src(%dma_wait3A_225 : memref<2352xf32, #tpu.memory_space<hbm>>) dst(%arg20 : memref<2352xf32, #tpu.memory_space<vmem>>)
        tpu.yield
      }) : () -> ()
      "tpu.region"() ({
        %run_scoped3A = tpu.sem_alloc : memref<!tpu.dma_semaphore, #tpu.memory_space<semaphore_mem>>
        %dma_start3A_222 = tpu.memref_slice %arg7[%add3A_211] : memref<100352xf32, #tpu.memory_space<hbm>> -> memref<784xf32, #tpu.memory_space<hbm>>
        %dma_start3A_223 = tpu.memref_slice %arg7[%add3A_211] : memref<100352xf32, #tpu.memory_space<hbm>> -> memref<784xf32, #tpu.memory_space<hbm>>
        tpu.enqueue_dma source(%dma_start3A_223 : memref<784xf32, #tpu.memory_space<hbm>>) target(%arg21 : memref<784xf32, #tpu.memory_space<vmem>>) target_semaphore(%run_scoped3A : memref<!tpu.dma_semaphore, #tpu.memory_space<semaphore_mem>>)
        %dma_wait3A_224 = tpu.memref_slice %arg7[%add3A_211] : memref<100352xf32, #tpu.memory_space<hbm>> -> memref<784xf32, #tpu.memory_space<hbm>>
        %dma_wait3A_225 = tpu.memref_slice %arg7[%add3A_211] : memref<100352xf32, #tpu.memory_space<hbm>> -> memref<784xf32, #tpu.memory_space<hbm>>
        tpu.wait_dma2 semaphore(%run_scoped3A : memref<!tpu.dma_semaphore, #tpu.memory_space<semaphore_mem>>) src(%dma_wait3A_225 : memref<784xf32, #tpu.memory_space<hbm>>) dst(%arg21 : memref<784xf32, #tpu.memory_space<vmem>>)
        tpu.yield
      }) : () -> ()
      "tpu.region"() ({
        %run_scoped3A = tpu.sem_alloc : memref<!tpu.dma_semaphore, #tpu.memory_space<semaphore_mem>>
        %dma_start3A_222 = tpu.memref_slice %arg8[%add3A_211] : memref<100352xf32, #tpu.memory_space<hbm>> -> memref<784xf32, #tpu.memory_space<hbm>>
        %dma_start3A_223 = tpu.memref_slice %arg8[%add3A_211] : memref<100352xf32, #tpu.memory_space<hbm>> -> memref<784xf32, #tpu.memory_space<hbm>>
        tpu.enqueue_dma source(%dma_start3A_223 : memref<784xf32, #tpu.memory_space<hbm>>) target(%arg22 : memref<784xf32, #tpu.memory_space<vmem>>) target_semaphore(%run_scoped3A : memref<!tpu.dma_semaphore, #tpu.memory_space<semaphore_mem>>)
        %dma_wait3A_224 = tpu.memref_slice %arg8[%add3A_211] : memref<100352xf32, #tpu.memory_space<hbm>> -> memref<784xf32, #tpu.memory_space<hbm>>
        %dma_wait3A_225 = tpu.memref_slice %arg8[%add3A_211] : memref<100352xf32, #tpu.memory_space<hbm>> -> memref<784xf32, #tpu.memory_space<hbm>>
        tpu.wait_dma2 semaphore(%run_scoped3A : memref<!tpu.dma_semaphore, #tpu.memory_space<semaphore_mem>>) src(%dma_wait3A_225 : memref<784xf32, #tpu.memory_space<hbm>>) dst(%arg22 : memref<784xf32, #tpu.memory_space<vmem>>)
        tpu.yield
      }) : () -> ()
      %scan3A_216 = arith.constant 0 : i32
      %scan3A_217 = arith.constant 49 : i32
      %scan3A_218 = arith.addi %scan3A_216, %scan3A_217 : i32
      %scan3A_219 = arith.constant 1 : i32
      %scan3A_220:8 = scf.for %scan3A_222 = %scan3A_216 to %scan3A_218 step %scan3A_219 iter_args(%scan3A_223 = %scan3A_201, %scan3A_224 = %scan3A_202, %scan3A_225 = %scan3A_203, %scan3A_226 = %scan3A_204, %scan3A_227 = %scan3A_205, %scan3A_228 = %scan3A_206, %scan3A_229 = %scan3A_207, %scan3A_230 = %scan3A_208) -> (vector<16xf32>, vector<16xf32>, vector<16xf32>, vector<16xf32>, vector<16xf32>, vector<16xf32>, vector<16xf32>, vector<16xf32>)  : i32 {
        %mul3A_231 = arith.constant 16 : i32
        %mul3A_232 = arith.muli %scan3A_222, %mul3A_231 : i32
        %add3A_233 = vector.broadcast %mul3A_232 : i32 to vector<16xi32>
        %add3A_234 = arith.addi %add3A_233, %iota3A : vector<16xi32>
        %add3A_235 = vector.broadcast %add3A_211 : i32 to vector<16xi32>
        %add3A_236 = arith.addi %add3A_235, %add3A_234 : vector<16xi32>
        %lt3A = arith.constant 100000 : i32
        %lt3A_237 = vector.broadcast %lt3A : i32 to vector<16xi32>
        %lt3A_238 = arith.cmpi slt, %add3A_236, %lt3A_237 : vector<16xi32>
        %convert_element_type3A_239 = arith.extui %lt3A_238 : vector<16xi1> to vector<16xi32>
        %convert_element_type3A_240 = arith.sitofp %convert_element_type3A_239 : vector<16xi32> to vector<16xf32>
        %mul3A_241 = arith.constant 15 : i32
        %mul3A_242 = vector.broadcast %mul3A_241 : i32 to vector<16xi32>
        %mul3A_243 = arith.muli %add3A_234, %mul3A_242 : vector<16xi32>
        %add3A_244 = arith.constant 0 : i32
        %add3A_245 = vector.broadcast %add3A_244 : i32 to vector<16xi32>
        %add3A_246 = arith.addi %mul3A_243, %add3A_245 : vector<16xi32>
        %gather3A = tpu.vector_load_idx %arg19[%add3A_246] : memref<11760xf32, #tpu.memory_space<vmem>>[vector<16xi32>], vector<16xf32>,
        %add3A_247 = arith.constant 1 : i32
        %add3A_248 = vector.broadcast %add3A_247 : i32 to vector<16xi32>
        %add3A_249 = arith.addi %mul3A_243, %add3A_248 : vector<16xi32>
        %gather3A_250 = tpu.vector_load_idx %arg19[%add3A_249] : memref<11760xf32, #tpu.memory_space<vmem>>[vector<16xi32>], vector<16xf32>,
        %add3A_251 = arith.constant 2 : i32
        %add3A_252 = vector.broadcast %add3A_251 : i32 to vector<16xi32>
        %add3A_253 = arith.addi %mul3A_243, %add3A_252 : vector<16xi32>
        %gather3A_254 = tpu.vector_load_idx %arg19[%add3A_253] : memref<11760xf32, #tpu.memory_space<vmem>>[vector<16xi32>], vector<16xf32>,
        %add3A_255 = arith.constant 3 : i32
        %add3A_256 = vector.broadcast %add3A_255 : i32 to vector<16xi32>
        %add3A_257 = arith.addi %mul3A_243, %add3A_256 : vector<16xi32>
        %gather3A_258 = tpu.vector_load_idx %arg19[%add3A_257] : memref<11760xf32, #tpu.memory_space<vmem>>[vector<16xi32>], vector<16xf32>,
        %add3A_259 = arith.constant 4 : i32
        %add3A_260 = vector.broadcast %add3A_259 : i32 to vector<16xi32>
        %add3A_261 = arith.addi %mul3A_243, %add3A_260 : vector<16xi32>
        %gather3A_262 = tpu.vector_load_idx %arg19[%add3A_261] : memref<11760xf32, #tpu.memory_space<vmem>>[vector<16xi32>], vector<16xf32>,
        %add3A_263 = arith.constant 5 : i32
        %add3A_264 = vector.broadcast %add3A_263 : i32 to vector<16xi32>
        %add3A_265 = arith.addi %mul3A_243, %add3A_264 : vector<16xi32>
        %gather3A_266 = tpu.vector_load_idx %arg19[%add3A_265] : memref<11760xf32, #tpu.memory_space<vmem>>[vector<16xi32>], vector<16xf32>,
        %add3A_267 = arith.constant 6 : i32
        %add3A_268 = vector.broadcast %add3A_267 : i32 to vector<16xi32>
        %add3A_269 = arith.addi %mul3A_243, %add3A_268 : vector<16xi32>
        %gather3A_270 = tpu.vector_load_idx %arg19[%add3A_269] : memref<11760xf32, #tpu.memory_space<vmem>>[vector<16xi32>], vector<16xf32>,
        %add3A_271 = arith.constant 7 : i32
        %add3A_272 = vector.broadcast %add3A_271 : i32 to vector<16xi32>
        %add3A_273 = arith.addi %mul3A_243, %add3A_272 : vector<16xi32>
        %gather3A_274 = tpu.vector_load_idx %arg19[%add3A_273] : memref<11760xf32, #tpu.memory_space<vmem>>[vector<16xi32>], vector<16xf32>,
        %add3A_275 = arith.constant 8 : i32
        %add3A_276 = vector.broadcast %add3A_275 : i32 to vector<16xi32>
        %add3A_277 = arith.addi %mul3A_243, %add3A_276 : vector<16xi32>
        %gather3A_278 = tpu.vector_load_idx %arg19[%add3A_277] : memref<11760xf32, #tpu.memory_space<vmem>>[vector<16xi32>], vector<16xf32>,
        %add3A_279 = arith.constant 9 : i32
        %add3A_280 = vector.broadcast %add3A_279 : i32 to vector<16xi32>
        %add3A_281 = arith.addi %mul3A_243, %add3A_280 : vector<16xi32>
        %gather3A_282 = tpu.vector_load_idx %arg19[%add3A_281] : memref<11760xf32, #tpu.memory_space<vmem>>[vector<16xi32>], vector<16xf32>,
        %add3A_283 = arith.constant 10 : i32
        %add3A_284 = vector.broadcast %add3A_283 : i32 to vector<16xi32>
        %add3A_285 = arith.addi %mul3A_243, %add3A_284 : vector<16xi32>
        %gather3A_286 = tpu.vector_load_idx %arg19[%add3A_285] : memref<11760xf32, #tpu.memory_space<vmem>>[vector<16xi32>], vector<16xf32>,
        %add3A_287 = arith.constant 11 : i32
        %add3A_288 = vector.broadcast %add3A_287 : i32 to vector<16xi32>
        %add3A_289 = arith.addi %mul3A_243, %add3A_288 : vector<16xi32>
        %gather3A_290 = tpu.vector_load_idx %arg19[%add3A_289] : memref<11760xf32, #tpu.memory_space<vmem>>[vector<16xi32>], vector<16xf32>,
        %add3A_291 = arith.constant 12 : i32
        %add3A_292 = vector.broadcast %add3A_291 : i32 to vector<16xi32>
        %add3A_293 = arith.addi %mul3A_243, %add3A_292 : vector<16xi32>
        %gather3A_294 = tpu.vector_load_idx %arg19[%add3A_293] : memref<11760xf32, #tpu.memory_space<vmem>>[vector<16xi32>], vector<16xf32>,
        %add3A_295 = arith.constant 13 : i32
        %add3A_296 = vector.broadcast %add3A_295 : i32 to vector<16xi32>
        %add3A_297 = arith.addi %mul3A_243, %add3A_296 : vector<16xi32>
        %gather3A_298 = tpu.vector_load_idx %arg19[%add3A_297] : memref<11760xf32, #tpu.memory_space<vmem>>[vector<16xi32>], vector<16xf32>,
        %add3A_299 = arith.constant 14 : i32
        %add3A_300 = vector.broadcast %add3A_299 : i32 to vector<16xi32>
        %add3A_301 = arith.addi %mul3A_243, %add3A_300 : vector<16xi32>
        %gather3A_302 = tpu.vector_load_idx %arg19[%add3A_301] : memref<11760xf32, #tpu.memory_space<vmem>>[vector<16xi32>], vector<16xf32>,
        %mul3A_303 = arith.constant 3 : i32
        %mul3A_304 = vector.broadcast %mul3A_303 : i32 to vector<16xi32>
        %mul3A_305 = arith.muli %add3A_234, %mul3A_304 : vector<16xi32>
        %add3A_306 = arith.constant 0 : i32
        %add3A_307 = vector.broadcast %add3A_306 : i32 to vector<16xi32>
        %add3A_308 = arith.addi %mul3A_305, %add3A_307 : vector<16xi32>
        %gather3A_309 = tpu.vector_load_idx %arg20[%add3A_308] : memref<2352xf32, #tpu.memory_space<vmem>>[vector<16xi32>], vector<16xf32>,
        %mul3A_310 = arith.constant 3 : i32
        %mul3A_311 = vector.broadcast %mul3A_310 : i32 to vector<16xi32>
        %mul3A_312 = arith.muli %add3A_234, %mul3A_311 : vector<16xi32>
        %add3A_313 = arith.constant 1 : i32
        %add3A_314 = vector.broadcast %add3A_313 : i32 to vector<16xi32>
        %add3A_315 = arith.addi %mul3A_312, %add3A_314 : vector<16xi32>
        %gather3A_316 = tpu.vector_load_idx %arg20[%add3A_315] : memref<2352xf32, #tpu.memory_space<vmem>>[vector<16xi32>], vector<16xf32>,
        %mul3A_317 = arith.constant 3 : i32
        %mul3A_318 = vector.broadcast %mul3A_317 : i32 to vector<16xi32>
        %mul3A_319 = arith.muli %add3A_234, %mul3A_318 : vector<16xi32>
        %add3A_320 = arith.constant 2 : i32
        %add3A_321 = vector.broadcast %add3A_320 : i32 to vector<16xi32>
        %add3A_322 = arith.addi %mul3A_319, %add3A_321 : vector<16xi32>
        %gather3A_323 = tpu.vector_load_idx %arg20[%add3A_322] : memref<2352xf32, #tpu.memory_space<vmem>>[vector<16xi32>], vector<16xf32>,
        %mul3A_324 = arith.constant 16 : i32
        %mul3A_325 = arith.muli %scan3A_222, %mul3A_324 : i32
        %get3A = arith.index_cast %mul3A_325 : i32 to index
        %get3A_326 = tpu.vector_load %arg21[%get3A] {strides = array<i32>} : memref<784xf32, #tpu.memory_space<vmem>>, vector<16xf32>,
        %mul3A_327 = arith.constant 16 : i32
        %mul3A_328 = arith.muli %scan3A_222, %mul3A_327 : i32
        %get3A_329 = arith.index_cast %mul3A_328 : i32 to index
        %get3A_330 = tpu.vector_load %arg22[%get3A_329] {strides = array<i32>} : memref<784xf32, #tpu.memory_space<vmem>>, vector<16xf32>,
        %mul3A_331 = arith.constant 784 : i32
        %mul3A_332 = arith.muli %scan3A_200, %mul3A_331 : i32
        %add3A_333 = vector.broadcast %mul3A_332 : i32 to vector<16xi32>
        %add3A_334 = arith.addi %add3A_333, %add3A_234 : vector<16xi32>
        %mul3A_335 = arith.constant 4 : i32
        %mul3A_336 = vector.broadcast %mul3A_335 : i32 to vector<16xi32>
        %mul3A_337 = arith.muli %add3A_334, %mul3A_336 : vector<16xi32>
        %add3A_338 = arith.constant 0 : i32
        %add3A_339 = vector.broadcast %add3A_338 : i32 to vector<16xi32>
        %add3A_340 = arith.addi %mul3A_337, %add3A_339 : vector<16xi32>
        %gather3A_341 = tpu.vector_load_idx %arg14[%add3A_340] : memref<12544xf32, #tpu.memory_space<vmem>>[vector<16xi32>], vector<16xf32>,
        %add3A_342 = arith.constant 1 : i32
        %add3A_343 = vector.broadcast %add3A_342 : i32 to vector<16xi32>
        %add3A_344 = arith.addi %mul3A_337, %add3A_343 : vector<16xi32>
        %gather3A_345 = tpu.vector_load_idx %arg14[%add3A_344] : memref<12544xf32, #tpu.memory_space<vmem>>[vector<16xi32>], vector<16xf32>,
        %add3A_346 = arith.constant 2 : i32
        %add3A_347 = vector.broadcast %add3A_346 : i32 to vector<16xi32>
        %add3A_348 = arith.addi %mul3A_337, %add3A_347 : vector<16xi32>
        %gather3A_349 = tpu.vector_load_idx %arg14[%add3A_348] : memref<12544xf32, #tpu.memory_space<vmem>>[vector<16xi32>], vector<16xf32>,
        %add3A_350 = arith.constant 3 : i32
        %add3A_351 = vector.broadcast %add3A_350 : i32 to vector<16xi32>
        %add3A_352 = arith.addi %mul3A_337, %add3A_351 : vector<16xi32>
        %gather3A_353 = tpu.vector_load_idx %arg14[%add3A_352] : memref<12544xf32, #tpu.memory_space<vmem>>[vector<16xi32>], vector<16xf32>,
        %add3A_354 = arith.addf %gather3A_258, %gather3A_270 : vector<16xf32>
        %add3A_355 = arith.addf %add3A_354, %gather3A_282 : vector<16xf32>
        %add3A_356 = arith.addf %add3A_355, %gather3A_294 : vector<16xf32>
        %sub3A = arith.subf %add3A_356, %gather3A_309 : vector<16xf32>
        %mul3A_357 = arith.mulf %sub3A, %sub3A : vector<16xf32>
        %add3A_358 = arith.addf %broadcast_in_dim3A_95, %mul3A_357 : vector<16xf32>
        %add3A_359 = arith.addf %gather3A_262, %gather3A_274 : vector<16xf32>
        %add3A_360 = arith.addf %add3A_359, %gather3A_286 : vector<16xf32>
        %add3A_361 = arith.addf %add3A_360, %gather3A_298 : vector<16xf32>
        %sub3A_362 = arith.subf %add3A_361, %gather3A_316 : vector<16xf32>
        %mul3A_363 = arith.mulf %sub3A_362, %sub3A_362 : vector<16xf32>
        %add3A_364 = arith.addf %add3A_358, %mul3A_363 : vector<16xf32>
        %add3A_365 = arith.addf %gather3A_266, %gather3A_278 : vector<16xf32>
        %add3A_366 = arith.addf %add3A_365, %gather3A_290 : vector<16xf32>
        %add3A_367 = arith.addf %add3A_366, %gather3A_302 : vector<16xf32>
        %sub3A_368 = arith.subf %add3A_367, %gather3A_323 : vector<16xf32>
        %mul3A_369 = arith.mulf %sub3A_368, %sub3A_368 : vector<16xf32>
        %add3A_370 = arith.addf %add3A_364, %mul3A_369 : vector<16xf32>
        %lt3A_371 = arith.constant 5.000000e-01 : f32
        %lt3A_372 = vector.broadcast %lt3A_371 : f32 to vector<16xf32>
        %lt3A_373 = arith.cmpf olt, %get3A_326, %lt3A_372 : vector<16xf32>
        %convert_element_type3A_374 = arith.extui %lt3A_373 : vector<16xi1> to vector<16xi32>
        %convert_element_type3A_375 = arith.sitofp %convert_element_type3A_374 : vector<16xi32> to vector<16xf32>
        %mul3A_376 = arith.mulf %convert_element_type3A_375, %convert_element_type3A_240 : vector<16xf32>
        %mul3A_377 = arith.mulf %add3A_370, %mul3A_376 : vector<16xf32>
        %add3A_378 = arith.addf %scan3A_223, %mul3A_377 : vector<16xf32>
        %add3A_379 = arith.addf %scan3A_224, %mul3A_376 : vector<16xf32>
        %mul3A_380 = arith.mulf %gather3A_258, %gather3A_258 : vector<16xf32>
        %mul3A_381 = arith.mulf %gather3A_262, %gather3A_262 : vector<16xf32>
        %add3A_382 = arith.addf %mul3A_380, %mul3A_381 : vector<16xf32>
        %mul3A_383 = arith.mulf %gather3A_266, %gather3A_266 : vector<16xf32>
        %add3A_384 = arith.addf %add3A_382, %mul3A_383 : vector<16xf32>
        %lt3A_385 = arith.constant 5.000000e-01 : f32
        %lt3A_386 = vector.broadcast %lt3A_385 : f32 to vector<16xf32>
        %lt3A_387 = arith.cmpf olt, %gather3A_341, %lt3A_386 : vector<16xf32>
        %convert_element_type3A_388 = arith.extui %lt3A_387 : vector<16xi1> to vector<16xi32>
        %convert_element_type3A_389 = arith.sitofp %convert_element_type3A_388 : vector<16xi32> to vector<16xf32>
        %mul3A_390 = arith.mulf %convert_element_type3A_389, %convert_element_type3A_240 : vector<16xf32>
        %mul3A_391 = arith.mulf %mul3A_390, %add3A_384 : vector<16xf32>
        %add3A_392 = arith.addf %scan3A_225, %mul3A_391 : vector<16xf32>
        %add3A_393 = arith.addf %scan3A_226, %mul3A_390 : vector<16xf32>
        %mul3A_394 = arith.mulf %gather3A_270, %gather3A_270 : vector<16xf32>
        %mul3A_395 = arith.mulf %gather3A_274, %gather3A_274 : vector<16xf32>
        %add3A_396 = arith.addf %mul3A_394, %mul3A_395 : vector<16xf32>
        %mul3A_397 = arith.mulf %gather3A_278, %gather3A_278 : vector<16xf32>
        %add3A_398 = arith.addf %add3A_396, %mul3A_397 : vector<16xf32>
        %lt3A_399 = arith.constant 5.000000e-01 : f32
        %lt3A_400 = vector.broadcast %lt3A_399 : f32 to vector<16xf32>
        %lt3A_401 = arith.cmpf olt, %gather3A_345, %lt3A_400 : vector<16xf32>
        %convert_element_type3A_402 = arith.extui %lt3A_401 : vector<16xi1> to vector<16xi32>
        %convert_element_type3A_403 = arith.sitofp %convert_element_type3A_402 : vector<16xi32> to vector<16xf32>
        %mul3A_404 = arith.mulf %convert_element_type3A_403, %convert_element_type3A_240 : vector<16xf32>
        %mul3A_405 = arith.mulf %mul3A_404, %add3A_398 : vector<16xf32>
        %add3A_406 = arith.addf %add3A_392, %mul3A_405 : vector<16xf32>
        %add3A_407 = arith.addf %add3A_393, %mul3A_404 : vector<16xf32>
        %mul3A_408 = arith.mulf %gather3A_282, %gather3A_282 : vector<16xf32>
        %mul3A_409 = arith.mulf %gather3A_286, %gather3A_286 : vector<16xf32>
        %add3A_410 = arith.addf %mul3A_408, %mul3A_409 : vector<16xf32>
        %mul3A_411 = arith.mulf %gather3A_290, %gather3A_290 : vector<16xf32>
        %add3A_412 = arith.addf %add3A_410, %mul3A_411 : vector<16xf32>
        %lt3A_413 = arith.constant 5.000000e-01 : f32
        %lt3A_414 = vector.broadcast %lt3A_413 : f32 to vector<16xf32>
        %lt3A_415 = arith.cmpf olt, %gather3A_349, %lt3A_414 : vector<16xf32>
        %convert_element_type3A_416 = arith.extui %lt3A_415 : vector<16xi1> to vector<16xi32>
        %convert_element_type3A_417 = arith.sitofp %convert_element_type3A_416 : vector<16xi32> to vector<16xf32>
        %mul3A_418 = arith.mulf %convert_element_type3A_417, %convert_element_type3A_240 : vector<16xf32>
        %mul3A_419 = arith.mulf %mul3A_418, %add3A_412 : vector<16xf32>
        %add3A_420 = arith.addf %add3A_406, %mul3A_419 : vector<16xf32>
        %add3A_421 = arith.addf %add3A_407, %mul3A_418 : vector<16xf32>
        %mul3A_422 = arith.mulf %gather3A_294, %gather3A_294 : vector<16xf32>
        %mul3A_423 = arith.mulf %gather3A_298, %gather3A_298 : vector<16xf32>
        %add3A_424 = arith.addf %mul3A_422, %mul3A_423 : vector<16xf32>
        %mul3A_425 = arith.mulf %gather3A_302, %gather3A_302 : vector<16xf32>
        %add3A_426 = arith.addf %add3A_424, %mul3A_425 : vector<16xf32>
        %lt3A_427 = arith.constant 5.000000e-01 : f32
        %lt3A_428 = vector.broadcast %lt3A_427 : f32 to vector<16xf32>
        %lt3A_429 = arith.cmpf olt, %gather3A_353, %lt3A_428 : vector<16xf32>
        %convert_element_type3A_430 = arith.extui %lt3A_429 : vector<16xi1> to vector<16xi32>
        %convert_element_type3A_431 = arith.sitofp %convert_element_type3A_430 : vector<16xi32> to vector<16xf32>
        %mul3A_432 = arith.mulf %convert_element_type3A_431, %convert_element_type3A_240 : vector<16xf32>
        %mul3A_433 = arith.mulf %mul3A_432, %add3A_426 : vector<16xf32>
        %add3A_434 = arith.addf %add3A_420, %mul3A_433 : vector<16xf32>
        %add3A_435 = arith.addf %add3A_421, %mul3A_432 : vector<16xf32>
        %gt3A = arith.constant 5.000000e-01 : f32
        %gt3A_436 = vector.broadcast %gt3A : f32 to vector<16xf32>
        %gt3A_437 = arith.cmpf ogt, %get3A_326, %gt3A_436 : vector<16xf32>
        %convert_element_type3A_438 = arith.extui %gt3A_437 : vector<16xi1> to vector<16xi32>
        %convert_element_type3A_439 = arith.sitofp %convert_element_type3A_438 : vector<16xi32> to vector<16xf32>
        %mul3A_440 = arith.mulf %convert_element_type3A_439, %convert_element_type3A_240 : vector<16xf32>
        %gt3A_441 = arith.constant 5.000000e-01 : f32
        %gt3A_442 = vector.broadcast %gt3A_441 : f32 to vector<16xf32>
        %gt3A_443 = arith.cmpf ogt, %get3A_330, %gt3A_442 : vector<16xf32>
        %convert_element_type3A_444 = arith.extui %gt3A_443 : vector<16xi1> to vector<16xi32>
        %convert_element_type3A_445 = arith.sitofp %convert_element_type3A_444 : vector<16xi32> to vector<16xf32>
        %mul3A_446 = arith.mulf %convert_element_type3A_445, %convert_element_type3A_240 : vector<16xf32>
        %mul3A_447 = arith.mulf %gather3A, %gather3A : vector<16xf32>
        %mul3A_448 = arith.mulf %gather3A_250, %gather3A_250 : vector<16xf32>
        %add3A_449 = arith.addf %mul3A_447, %mul3A_448 : vector<16xf32>
        %mul3A_450 = arith.mulf %mul3A_440, %add3A_449 : vector<16xf32>
        %add3A_451 = arith.addf %scan3A_227, %mul3A_450 : vector<16xf32>
        %add3A_452 = arith.addf %scan3A_228, %mul3A_440 : vector<16xf32>
        %mul3A_453 = arith.mulf %mul3A_446, %gather3A_254 : vector<16xf32>
        %mul3A_454 = arith.mulf %mul3A_453, %gather3A_254 : vector<16xf32>
        %add3A_455 = arith.addf %scan3A_229, %mul3A_454 : vector<16xf32>
        %add3A_456 = arith.addf %scan3A_230, %mul3A_446 : vector<16xf32>
        scf.yield %add3A_378, %add3A_379, %add3A_434, %add3A_435, %add3A_451, %add3A_452, %add3A_455, %add3A_456 : vector<16xf32>, vector<16xf32>, vector<16xf32>, vector<16xf32>, vector<16xf32>, vector<16xf32>, vector<16xf32>, vector<16xf32>
      }
      %scan3A_221 = arith.constant 49 : i32
      scf.yield %scan3A_220#0, %scan3A_220#1, %scan3A_220#2, %scan3A_220#3, %scan3A_220#4, %scan3A_220#5, %scan3A_220#6, %scan3A_220#7 : vector<16xf32>, vector<16xf32>, vector<16xf32>, vector<16xf32>, vector<16xf32>, vector<16xf32>, vector<16xf32>, vector<16xf32>
    }
    %scan3A_101 = arith.constant 4 : i32
    %reduce_sum3A = arith.constant true
    %reduce_sum3A_102 = vector.broadcast %reduce_sum3A : i1 to vector<16xi1>
    %reduce_sum3A_103 = tpu.scan <sum>, %scan3A_100#0 masked %reduce_sum3A_102 : vector<16xf32>, vector<16xi1> -> vector<16xf32>
    %reduce_sum3A_104 = vector.extract %reduce_sum3A_103[15] : f32 from vector<16xf32>
    %reduce_sum3A_105 = arith.constant true
    %reduce_sum3A_106 = vector.broadcast %reduce_sum3A_105 : i1 to vector<16xi1>
    %reduce_sum3A_107 = tpu.scan <sum>, %scan3A_100#1 masked %reduce_sum3A_106 : vector<16xf32>, vector<16xi1> -> vector<16xf32>
    %reduce_sum3A_108 = vector.extract %reduce_sum3A_107[15] : f32 from vector<16xf32>
    %reduce_sum3A_109 = arith.constant true
    %reduce_sum3A_110 = vector.broadcast %reduce_sum3A_109 : i1 to vector<16xi1>
    %reduce_sum3A_111 = tpu.scan <sum>, %scan3A_100#2 masked %reduce_sum3A_110 : vector<16xf32>, vector<16xi1> -> vector<16xf32>
    %reduce_sum3A_112 = vector.extract %reduce_sum3A_111[15] : f32 from vector<16xf32>
    %reduce_sum3A_113 = arith.constant true
    %reduce_sum3A_114 = vector.broadcast %reduce_sum3A_113 : i1 to vector<16xi1>
    %reduce_sum3A_115 = tpu.scan <sum>, %scan3A_100#3 masked %reduce_sum3A_114 : vector<16xf32>, vector<16xi1> -> vector<16xf32>
    %reduce_sum3A_116 = vector.extract %reduce_sum3A_115[15] : f32 from vector<16xf32>
    %reduce_sum3A_117 = arith.constant true
    %reduce_sum3A_118 = vector.broadcast %reduce_sum3A_117 : i1 to vector<16xi1>
    %reduce_sum3A_119 = tpu.scan <sum>, %scan3A_100#4 masked %reduce_sum3A_118 : vector<16xf32>, vector<16xi1> -> vector<16xf32>
    %reduce_sum3A_120 = vector.extract %reduce_sum3A_119[15] : f32 from vector<16xf32>
    %reduce_sum3A_121 = arith.constant true
    %reduce_sum3A_122 = vector.broadcast %reduce_sum3A_121 : i1 to vector<16xi1>
    %reduce_sum3A_123 = tpu.scan <sum>, %scan3A_100#5 masked %reduce_sum3A_122 : vector<16xf32>, vector<16xi1> -> vector<16xf32>
    %reduce_sum3A_124 = vector.extract %reduce_sum3A_123[15] : f32 from vector<16xf32>
    %reduce_sum3A_125 = arith.constant true
    %reduce_sum3A_126 = vector.broadcast %reduce_sum3A_125 : i1 to vector<16xi1>
    %reduce_sum3A_127 = tpu.scan <sum>, %scan3A_100#6 masked %reduce_sum3A_126 : vector<16xf32>, vector<16xi1> -> vector<16xf32>
    %reduce_sum3A_128 = vector.extract %reduce_sum3A_127[15] : f32 from vector<16xf32>
    %reduce_sum3A_129 = arith.constant true
    %reduce_sum3A_130 = vector.broadcast %reduce_sum3A_129 : i1 to vector<16xi1>
    %reduce_sum3A_131 = tpu.scan <sum>, %scan3A_100#7 masked %reduce_sum3A_130 : vector<16xf32>, vector<16xi1> -> vector<16xf32>
    %reduce_sum3A_132 = vector.extract %reduce_sum3A_131[15] : f32 from vector<16xf32>
    %broadcast_in_dim3A_133 = arith.constant 0.000000e+00 : f32
    %broadcast_in_dim3A_134 = vector.broadcast %broadcast_in_dim3A_133 : f32 to vector<16xf32>
    %eq3A = arith.constant 0 : i32
    %eq3A_135 = vector.broadcast %eq3A : i32 to vector<16xi32>
    %eq3A_136 = arith.cmpi eq, %iota3A, %eq3A_135 : vector<16xi32>
    %convert_element_type3A = arith.extui %eq3A_136 : vector<16xi1> to vector<16xi32>
    %convert_element_type3A_137 = arith.sitofp %convert_element_type3A : vector<16xi32> to vector<16xf32>
    %mul3A_138 = vector.broadcast %reduce_sum3A_104 : f32 to vector<16xf32>
    %mul3A_139 = arith.mulf %mul3A_138, %convert_element_type3A_137 : vector<16xf32>
    %add3A_140 = arith.addf %broadcast_in_dim3A_134, %mul3A_139 : vector<16xf32>
    %eq3A_141 = arith.constant 1 : i32
    %eq3A_142 = vector.broadcast %eq3A_141 : i32 to vector<16xi32>
    %eq3A_143 = arith.cmpi eq, %iota3A, %eq3A_142 : vector<16xi32>
    %convert_element_type3A_144 = arith.extui %eq3A_143 : vector<16xi1> to vector<16xi32>
    %convert_element_type3A_145 = arith.sitofp %convert_element_type3A_144 : vector<16xi32> to vector<16xf32>
    %mul3A_146 = vector.broadcast %reduce_sum3A_108 : f32 to vector<16xf32>
    %mul3A_147 = arith.mulf %mul3A_146, %convert_element_type3A_145 : vector<16xf32>
    %add3A_148 = arith.addf %add3A_140, %mul3A_147 : vector<16xf32>
    %eq3A_149 = arith.constant 2 : i32
    %eq3A_150 = vector.broadcast %eq3A_149 : i32 to vector<16xi32>
    %eq3A_151 = arith.cmpi eq, %iota3A, %eq3A_150 : vector<16xi32>
    %convert_element_type3A_152 = arith.extui %eq3A_151 : vector<16xi1> to vector<16xi32>
    %convert_element_type3A_153 = arith.sitofp %convert_element_type3A_152 : vector<16xi32> to vector<16xf32>
    %mul3A_154 = vector.broadcast %reduce_sum3A_112 : f32 to vector<16xf32>
    %mul3A_155 = arith.mulf %mul3A_154, %convert_element_type3A_153 : vector<16xf32>
    %add3A_156 = arith.addf %add3A_148, %mul3A_155 : vector<16xf32>
    %eq3A_157 = arith.constant 3 : i32
    %eq3A_158 = vector.broadcast %eq3A_157 : i32 to vector<16xi32>
    %eq3A_159 = arith.cmpi eq, %iota3A, %eq3A_158 : vector<16xi32>
    %convert_element_type3A_160 = arith.extui %eq3A_159 : vector<16xi1> to vector<16xi32>
    %convert_element_type3A_161 = arith.sitofp %convert_element_type3A_160 : vector<16xi32> to vector<16xf32>
    %mul3A_162 = vector.broadcast %reduce_sum3A_116 : f32 to vector<16xf32>
    %mul3A_163 = arith.mulf %mul3A_162, %convert_element_type3A_161 : vector<16xf32>
    %add3A_164 = arith.addf %add3A_156, %mul3A_163 : vector<16xf32>
    %eq3A_165 = arith.constant 4 : i32
    %eq3A_166 = vector.broadcast %eq3A_165 : i32 to vector<16xi32>
    %eq3A_167 = arith.cmpi eq, %iota3A, %eq3A_166 : vector<16xi32>
    %convert_element_type3A_168 = arith.extui %eq3A_167 : vector<16xi1> to vector<16xi32>
    %convert_element_type3A_169 = arith.sitofp %convert_element_type3A_168 : vector<16xi32> to vector<16xf32>
    %mul3A_170 = vector.broadcast %reduce_sum3A_120 : f32 to vector<16xf32>
    %mul3A_171 = arith.mulf %mul3A_170, %convert_element_type3A_169 : vector<16xf32>
    %add3A_172 = arith.addf %add3A_164, %mul3A_171 : vector<16xf32>
    %eq3A_173 = arith.constant 5 : i32
    %eq3A_174 = vector.broadcast %eq3A_173 : i32 to vector<16xi32>
    %eq3A_175 = arith.cmpi eq, %iota3A, %eq3A_174 : vector<16xi32>
    %convert_element_type3A_176 = arith.extui %eq3A_175 : vector<16xi1> to vector<16xi32>
    %convert_element_type3A_177 = arith.sitofp %convert_element_type3A_176 : vector<16xi32> to vector<16xf32>
    %mul3A_178 = vector.broadcast %reduce_sum3A_124 : f32 to vector<16xf32>
    %mul3A_179 = arith.mulf %mul3A_178, %convert_element_type3A_177 : vector<16xf32>
    %add3A_180 = arith.addf %add3A_172, %mul3A_179 : vector<16xf32>
    %eq3A_181 = arith.constant 6 : i32
    %eq3A_182 = vector.broadcast %eq3A_181 : i32 to vector<16xi32>
    %eq3A_183 = arith.cmpi eq, %iota3A, %eq3A_182 : vector<16xi32>
    %convert_element_type3A_184 = arith.extui %eq3A_183 : vector<16xi1> to vector<16xi32>
    %convert_element_type3A_185 = arith.sitofp %convert_element_type3A_184 : vector<16xi32> to vector<16xf32>
    %mul3A_186 = vector.broadcast %reduce_sum3A_128 : f32 to vector<16xf32>
    %mul3A_187 = arith.mulf %mul3A_186, %convert_element_type3A_185 : vector<16xf32>
    %add3A_188 = arith.addf %add3A_180, %mul3A_187 : vector<16xf32>
    %eq3A_189 = arith.constant 7 : i32
    %eq3A_190 = vector.broadcast %eq3A_189 : i32 to vector<16xi32>
    %eq3A_191 = arith.cmpi eq, %iota3A, %eq3A_190 : vector<16xi32>
    %convert_element_type3A_192 = arith.extui %eq3A_191 : vector<16xi1> to vector<16xi32>
    %convert_element_type3A_193 = arith.sitofp %convert_element_type3A_192 : vector<16xi32> to vector<16xf32>
    %mul3A_194 = vector.broadcast %reduce_sum3A_132 : f32 to vector<16xf32>
    %mul3A_195 = arith.mulf %mul3A_194, %convert_element_type3A_193 : vector<16xf32>
    %add3A_196 = arith.addf %add3A_188, %mul3A_195 : vector<16xf32>
    %swap3A = arith.constant 0 : index
    %swap3A_197 = tpu.vector_load %arg23[%swap3A] {strides = array<i32>} : memref<16xf32, #tpu.memory_space<vmem>>, vector<16xf32>,
    tpu.vector_store %arg23[%swap3A], %add3A_196 {strides = array<i32>} : memref<16xf32, #tpu.memory_space<vmem>>, vector<16xf32>,
    %mul3A_198 = arith.constant 16 : i32
    %mul3A_199 = arith.muli %add3A, %mul3A_198 : i32
    "tpu.region"() ({
      %run_scoped3A = tpu.sem_alloc : memref<!tpu.dma_semaphore, #tpu.memory_space<semaphore_mem>>
      %dma_start3A_200 = tpu.memref_slice %arg11[%mul3A_199] : memref<512xf32, #tpu.memory_space<hbm>> -> memref<16xf32, #tpu.memory_space<hbm>>
      %dma_start3A_201 = tpu.memref_slice %arg11[%mul3A_199] : memref<512xf32, #tpu.memory_space<hbm>> -> memref<16xf32, #tpu.memory_space<hbm>>
      tpu.enqueue_dma source(%arg23 : memref<16xf32, #tpu.memory_space<vmem>>) target(%dma_start3A_201 : memref<16xf32, #tpu.memory_space<hbm>>) target_semaphore(%run_scoped3A : memref<!tpu.dma_semaphore, #tpu.memory_space<semaphore_mem>>)
      %dma_wait3A_202 = tpu.memref_slice %arg11[%mul3A_199] : memref<512xf32, #tpu.memory_space<hbm>> -> memref<16xf32, #tpu.memory_space<hbm>>
      %dma_wait3A_203 = tpu.memref_slice %arg11[%mul3A_199] : memref<512xf32, #tpu.memory_space<hbm>> -> memref<16xf32, #tpu.memory_space<hbm>>
      tpu.wait_dma2 semaphore(%run_scoped3A : memref<!tpu.dma_semaphore, #tpu.memory_space<semaphore_mem>>) src(%arg23 : memref<16xf32, #tpu.memory_space<vmem>>) dst(%dma_wait3A_203 : memref<16xf32, #tpu.memory_space<hbm>>)
      tpu.yield
    }) : () -> ()
    return
  }
}

#map = affine_map<(d0, d1) -> (0)>
module attributes {stable_mosaic.version = 14 : i64} {
  func.func @_k2_body(%arg0: i32, %arg1: i32, %arg2: memref<1505280xf32, #tpu.memory_space<hbm>>, %arg3: memref<308224xi32, #tpu.memory_space<hbm>>, %arg4: memref<308224xi32, #tpu.memory_space<hbm>>, %arg5: memref<300032xi32, #tpu.memory_space<hbm>>, %arg6: memref<450048xf32, #tpu.memory_space<hbm>>, %arg7: memref<512xf32, #tpu.memory_space<hbm>>, %arg8: memref<4688xi32, #tpu.memory_space<vmem>>, %arg9: memref<4688xi32, #tpu.memory_space<vmem>>, %arg10: memref<4688xi32, #tpu.memory_space<vmem>>, %arg11: memref<9376xi32, #tpu.memory_space<vmem>>, %arg12: memref<14064xf32, #tpu.memory_space<vmem>>, %arg13: memref<4688xi32, #tpu.memory_space<vmem>>, %arg14: memref<4688xi32, #tpu.memory_space<vmem>>, %arg15: memref<4688xi32, #tpu.memory_space<vmem>>, %arg16: memref<4688xi32, #tpu.memory_space<vmem>>, %arg17: memref<14064xf32, #tpu.memory_space<vmem>>, %arg18: memref<14064xf32, #tpu.memory_space<vmem>>, %arg19: memref<14064xf32, #tpu.memory_space<vmem>>, %arg20: memref<14064xf32, #tpu.memory_space<vmem>>, %arg21: memref<16xf32, #tpu.memory_space<vmem>>, %arg22: memref<!tpu.dma_semaphore, #tpu.memory_space<semaphore_mem>>, %arg23: memref<!tpu.dma_semaphore, #tpu.memory_space<semaphore_mem>>, %arg24: memref<!tpu.dma_semaphore, #tpu.memory_space<semaphore_mem>>, %arg25: memref<!tpu.dma_semaphore, #tpu.memory_space<semaphore_mem>>) attributes {dimension_semantics = [#tpu.dimension_semantics<core_parallel>, #tpu.dimension_semantics<subcore_parallel>], iteration_bounds = array<i64: 2, 16>, scalar_prefetch = 0 : i64, scratch_operands = 18 : i64, tpu.core_type = #tpu.core_type<sc_vector_subcore>, window_params = [{transform_indices = #map}, {transform_indices = #map}, {transform_indices = #map}, {transform_indices = #map}, {transform_indices = #map}, {transform_indices = #map}]} {
    %mul3A = arith.constant 2 : i32
    %mul3A_0 = arith.muli %arg1, %mul3A : i32
    %add3A = arith.addi %mul3A_0, %arg0 : i32
    %mul3A_1 = arith.constant 4688 : i32
    %mul3A_2 = arith.muli %add3A, %mul3A_1 : i32
    %iota3A = tpu.iota {dimensions = array<i32: 0>} : vector<16xi32>
    "tpu.region"() ({
      %run_scoped3A = tpu.sem_alloc : memref<!tpu.dma_semaphore, #tpu.memory_space<semaphore_mem>>
      %dma_start3A_184 = tpu.memref_slice %arg3[%mul3A_2] : memref<308224xi32, #tpu.memory_space<hbm>> -> memref<4688xi32, #tpu.memory_space<hbm>>
      %dma_start3A_185 = tpu.memref_slice %arg3[%mul3A_2] : memref<308224xi32, #tpu.memory_space<hbm>> -> memref<4688xi32, #tpu.memory_space<hbm>>
      tpu.enqueue_dma source(%dma_start3A_185 : memref<4688xi32, #tpu.memory_space<hbm>>) target(%arg8 : memref<4688xi32, #tpu.memory_space<vmem>>) target_semaphore(%run_scoped3A : memref<!tpu.dma_semaphore, #tpu.memory_space<semaphore_mem>>)
      %dma_wait3A_186 = tpu.memref_slice %arg3[%mul3A_2] : memref<308224xi32, #tpu.memory_space<hbm>> -> memref<4688xi32, #tpu.memory_space<hbm>>
      %dma_wait3A_187 = tpu.memref_slice %arg3[%mul3A_2] : memref<308224xi32, #tpu.memory_space<hbm>> -> memref<4688xi32, #tpu.memory_space<hbm>>
      tpu.wait_dma2 semaphore(%run_scoped3A : memref<!tpu.dma_semaphore, #tpu.memory_space<semaphore_mem>>) src(%dma_wait3A_187 : memref<4688xi32, #tpu.memory_space<hbm>>) dst(%arg8 : memref<4688xi32, #tpu.memory_space<vmem>>)
      tpu.yield
    }) : () -> ()
    %add3A_3 = arith.constant 154112 : i32
    %add3A_4 = arith.addi %add3A_3, %mul3A_2 : i32
    "tpu.region"() ({
      %run_scoped3A = tpu.sem_alloc : memref<!tpu.dma_semaphore, #tpu.memory_space<semaphore_mem>>
      %dma_start3A_184 = tpu.memref_slice %arg3[%add3A_4] : memref<308224xi32, #tpu.memory_space<hbm>> -> memref<4688xi32, #tpu.memory_space<hbm>>
      %dma_start3A_185 = tpu.memref_slice %arg3[%add3A_4] : memref<308224xi32, #tpu.memory_space<hbm>> -> memref<4688xi32, #tpu.memory_space<hbm>>
      tpu.enqueue_dma source(%dma_start3A_185 : memref<4688xi32, #tpu.memory_space<hbm>>) target(%arg10 : memref<4688xi32, #tpu.memory_space<vmem>>) target_semaphore(%run_scoped3A : memref<!tpu.dma_semaphore, #tpu.memory_space<semaphore_mem>>)
      %dma_wait3A_186 = tpu.memref_slice %arg3[%add3A_4] : memref<308224xi32, #tpu.memory_space<hbm>> -> memref<4688xi32, #tpu.memory_space<hbm>>
      %dma_wait3A_187 = tpu.memref_slice %arg3[%add3A_4] : memref<308224xi32, #tpu.memory_space<hbm>> -> memref<4688xi32, #tpu.memory_space<hbm>>
      tpu.wait_dma2 semaphore(%run_scoped3A : memref<!tpu.dma_semaphore, #tpu.memory_space<semaphore_mem>>) src(%dma_wait3A_187 : memref<4688xi32, #tpu.memory_space<hbm>>) dst(%arg10 : memref<4688xi32, #tpu.memory_space<vmem>>)
      tpu.yield
    }) : () -> ()
    %scan3A = arith.constant 0 : i32
    %scan3A_5 = arith.constant 0 : i32
    %scan3A_6 = arith.constant 293 : i32
    %scan3A_7 = arith.addi %scan3A_5, %scan3A_6 : i32
    %scan3A_8 = arith.constant 1 : i32
    %scan3A_9 = scf.for %scan3A_184 = %scan3A_5 to %scan3A_7 step %scan3A_8 iter_args(%scan3A_185 = %scan3A) -> (i32)  : i32 {
      %mul3A_186 = arith.constant 16 : i32
      %mul3A_187 = arith.muli %scan3A_184, %mul3A_186 : i32
      %get3A = arith.index_cast %mul3A_187 : i32 to index
      %get3A_188 = tpu.vector_load %arg8[%get3A] {strides = array<i32>} : memref<4688xi32, #tpu.memory_space<vmem>>, vector<16xi32>,
      %get3A_189 = arith.index_cast %mul3A_187 : i32 to index
      %get3A_190 = tpu.vector_load %arg10[%get3A_189] {strides = array<i32>} : memref<4688xi32, #tpu.memory_space<vmem>>, vector<16xi32>,
      %max3A = arith.maxsi %get3A_188, %get3A_190 : vector<16xi32>
      %swap3A_191 = arith.index_cast %mul3A_187 : i32 to index
      %swap3A_192 = tpu.vector_load %arg8[%swap3A_191] {strides = array<i32>} : memref<4688xi32, #tpu.memory_space<vmem>>, vector<16xi32>,
      tpu.vector_store %arg8[%swap3A_191], %max3A {strides = array<i32>} : memref<4688xi32, #tpu.memory_space<vmem>>, vector<16xi32>,
      %scan3A_193 = arith.constant 0 : i32
      scf.yield %scan3A_193 : i32
    }
    %scan3A_10 = arith.constant 293 : i32
    "tpu.region"() ({
      %run_scoped3A = tpu.sem_alloc : memref<!tpu.dma_semaphore, #tpu.memory_space<semaphore_mem>>
      %dma_start3A_184 = tpu.memref_slice %arg4[%mul3A_2] : memref<308224xi32, #tpu.memory_space<hbm>> -> memref<4688xi32, #tpu.memory_space<hbm>>
      %dma_start3A_185 = tpu.memref_slice %arg4[%mul3A_2] : memref<308224xi32, #tpu.memory_space<hbm>> -> memref<4688xi32, #tpu.memory_space<hbm>>
      tpu.enqueue_dma source(%dma_start3A_185 : memref<4688xi32, #tpu.memory_space<hbm>>) target(%arg9 : memref<4688xi32, #tpu.memory_space<vmem>>) target_semaphore(%run_scoped3A : memref<!tpu.dma_semaphore, #tpu.memory_space<semaphore_mem>>)
      %dma_wait3A_186 = tpu.memref_slice %arg4[%mul3A_2] : memref<308224xi32, #tpu.memory_space<hbm>> -> memref<4688xi32, #tpu.memory_space<hbm>>
      %dma_wait3A_187 = tpu.memref_slice %arg4[%mul3A_2] : memref<308224xi32, #tpu.memory_space<hbm>> -> memref<4688xi32, #tpu.memory_space<hbm>>
      tpu.wait_dma2 semaphore(%run_scoped3A : memref<!tpu.dma_semaphore, #tpu.memory_space<semaphore_mem>>) src(%dma_wait3A_187 : memref<4688xi32, #tpu.memory_space<hbm>>) dst(%arg9 : memref<4688xi32, #tpu.memory_space<vmem>>)
      tpu.yield
    }) : () -> ()
    %add3A_11 = arith.constant 154112 : i32
    %add3A_12 = arith.addi %add3A_11, %mul3A_2 : i32
    "tpu.region"() ({
      %run_scoped3A = tpu.sem_alloc : memref<!tpu.dma_semaphore, #tpu.memory_space<semaphore_mem>>
      %dma_start3A_184 = tpu.memref_slice %arg4[%add3A_12] : memref<308224xi32, #tpu.memory_space<hbm>> -> memref<4688xi32, #tpu.memory_space<hbm>>
      %dma_start3A_185 = tpu.memref_slice %arg4[%add3A_12] : memref<308224xi32, #tpu.memory_space<hbm>> -> memref<4688xi32, #tpu.memory_space<hbm>>
      tpu.enqueue_dma source(%dma_start3A_185 : memref<4688xi32, #tpu.memory_space<hbm>>) target(%arg10 : memref<4688xi32, #tpu.memory_space<vmem>>) target_semaphore(%run_scoped3A : memref<!tpu.dma_semaphore, #tpu.memory_space<semaphore_mem>>)
      %dma_wait3A_186 = tpu.memref_slice %arg4[%add3A_12] : memref<308224xi32, #tpu.memory_space<hbm>> -> memref<4688xi32, #tpu.memory_space<hbm>>
      %dma_wait3A_187 = tpu.memref_slice %arg4[%add3A_12] : memref<308224xi32, #tpu.memory_space<hbm>> -> memref<4688xi32, #tpu.memory_space<hbm>>
      tpu.wait_dma2 semaphore(%run_scoped3A : memref<!tpu.dma_semaphore, #tpu.memory_space<semaphore_mem>>) src(%dma_wait3A_187 : memref<4688xi32, #tpu.memory_space<hbm>>) dst(%arg10 : memref<4688xi32, #tpu.memory_space<vmem>>)
      tpu.yield
    }) : () -> ()
    %scan3A_13 = arith.constant 0 : i32
    %scan3A_14 = arith.constant 0 : i32
    %scan3A_15 = arith.constant 293 : i32
    %scan3A_16 = arith.addi %scan3A_14, %scan3A_15 : i32
    %scan3A_17 = arith.constant 1 : i32
    %scan3A_18 = scf.for %scan3A_184 = %scan3A_14 to %scan3A_16 step %scan3A_17 iter_args(%scan3A_185 = %scan3A_13) -> (i32)  : i32 {
      %mul3A_186 = arith.constant 16 : i32
      %mul3A_187 = arith.muli %scan3A_184, %mul3A_186 : i32
      %get3A = arith.index_cast %mul3A_187 : i32 to index
      %get3A_188 = tpu.vector_load %arg9[%get3A] {strides = array<i32>} : memref<4688xi32, #tpu.memory_space<vmem>>, vector<16xi32>,
      %get3A_189 = arith.index_cast %mul3A_187 : i32 to index
      %get3A_190 = tpu.vector_load %arg10[%get3A_189] {strides = array<i32>} : memref<4688xi32, #tpu.memory_space<vmem>>, vector<16xi32>,
      %max3A = arith.maxsi %get3A_188, %get3A_190 : vector<16xi32>
      %swap3A_191 = arith.index_cast %mul3A_187 : i32 to index
      %swap3A_192 = tpu.vector_load %arg9[%swap3A_191] {strides = array<i32>} : memref<4688xi32, #tpu.memory_space<vmem>>, vector<16xi32>,
      tpu.vector_store %arg9[%swap3A_191], %max3A {strides = array<i32>} : memref<4688xi32, #tpu.memory_space<vmem>>, vector<16xi32>,
      %scan3A_193 = arith.constant 0 : i32
      scf.yield %scan3A_193 : i32
    }
    %scan3A_19 = arith.constant 293 : i32
    %mul3A_20 = arith.constant 2 : i32
    %mul3A_21 = arith.muli %mul3A_2, %mul3A_20 : i32
    "tpu.region"() ({
      %run_scoped3A = tpu.sem_alloc : memref<!tpu.dma_semaphore, #tpu.memory_space<semaphore_mem>>
      %dma_start3A_184 = tpu.memref_slice %arg5[%mul3A_21] : memref<300032xi32, #tpu.memory_space<hbm>> -> memref<9376xi32, #tpu.memory_space<hbm>>
      %dma_start3A_185 = tpu.memref_slice %arg5[%mul3A_21] : memref<300032xi32, #tpu.memory_space<hbm>> -> memref<9376xi32, #tpu.memory_space<hbm>>
      tpu.enqueue_dma source(%dma_start3A_185 : memref<9376xi32, #tpu.memory_space<hbm>>) target(%arg11 : memref<9376xi32, #tpu.memory_space<vmem>>) target_semaphore(%run_scoped3A : memref<!tpu.dma_semaphore, #tpu.memory_space<semaphore_mem>>)
      %dma_wait3A_186 = tpu.memref_slice %arg5[%mul3A_21] : memref<300032xi32, #tpu.memory_space<hbm>> -> memref<9376xi32, #tpu.memory_space<hbm>>
      %dma_wait3A_187 = tpu.memref_slice %arg5[%mul3A_21] : memref<300032xi32, #tpu.memory_space<hbm>> -> memref<9376xi32, #tpu.memory_space<hbm>>
      tpu.wait_dma2 semaphore(%run_scoped3A : memref<!tpu.dma_semaphore, #tpu.memory_space<semaphore_mem>>) src(%dma_wait3A_187 : memref<9376xi32, #tpu.memory_space<hbm>>) dst(%arg11 : memref<9376xi32, #tpu.memory_space<vmem>>)
      tpu.yield
    }) : () -> ()
    %mul3A_22 = arith.constant 3 : i32
    %mul3A_23 = arith.muli %mul3A_2, %mul3A_22 : i32
    "tpu.region"() ({
      %run_scoped3A = tpu.sem_alloc : memref<!tpu.dma_semaphore, #tpu.memory_space<semaphore_mem>>
      %dma_start3A_184 = tpu.memref_slice %arg6[%mul3A_23] : memref<450048xf32, #tpu.memory_space<hbm>> -> memref<14064xf32, #tpu.memory_space<hbm>>
      %dma_start3A_185 = tpu.memref_slice %arg6[%mul3A_23] : memref<450048xf32, #tpu.memory_space<hbm>> -> memref<14064xf32, #tpu.memory_space<hbm>>
      tpu.enqueue_dma source(%dma_start3A_185 : memref<14064xf32, #tpu.memory_space<hbm>>) target(%arg12 : memref<14064xf32, #tpu.memory_space<vmem>>) target_semaphore(%run_scoped3A : memref<!tpu.dma_semaphore, #tpu.memory_space<semaphore_mem>>)
      %dma_wait3A_186 = tpu.memref_slice %arg6[%mul3A_23] : memref<450048xf32, #tpu.memory_space<hbm>> -> memref<14064xf32, #tpu.memory_space<hbm>>
      %dma_wait3A_187 = tpu.memref_slice %arg6[%mul3A_23] : memref<450048xf32, #tpu.memory_space<hbm>> -> memref<14064xf32, #tpu.memory_space<hbm>>
      tpu.wait_dma2 semaphore(%run_scoped3A : memref<!tpu.dma_semaphore, #tpu.memory_space<semaphore_mem>>) src(%dma_wait3A_187 : memref<14064xf32, #tpu.memory_space<hbm>>) dst(%arg12 : memref<14064xf32, #tpu.memory_space<vmem>>)
      tpu.yield
    }) : () -> ()
    %scan3A_24 = arith.constant 0 : i32
    %scan3A_25 = arith.constant 0 : i32
    %scan3A_26 = arith.constant 293 : i32
    %scan3A_27 = arith.addi %scan3A_25, %scan3A_26 : i32
    %scan3A_28 = arith.constant 1 : i32
    %scan3A_29 = scf.for %scan3A_184 = %scan3A_25 to %scan3A_27 step %scan3A_28 iter_args(%scan3A_185 = %scan3A_24) -> (i32)  : i32 {
      %mul3A_186 = arith.constant 16 : i32
      %mul3A_187 = arith.muli %scan3A_184, %mul3A_186 : i32
      %mul3A_188 = arith.constant 16 : i32
      %mul3A_189 = arith.muli %scan3A_184, %mul3A_188 : i32
      %add3A_190 = vector.broadcast %mul3A_189 : i32 to vector<16xi32>
      %add3A_191 = arith.addi %add3A_190, %iota3A : vector<16xi32>
      %add3A_192 = vector.broadcast %mul3A_2 : i32 to vector<16xi32>
      %add3A_193 = arith.addi %add3A_192, %add3A_191 : vector<16xi32>
      %lt3A = arith.constant 150000 : i32
      %lt3A_194 = vector.broadcast %lt3A : i32 to vector<16xi32>
      %lt3A_195 = arith.cmpi slt, %add3A_193, %lt3A_194 : vector<16xi32>
      %get3A = arith.index_cast %mul3A_187 : i32 to index
      %get3A_196 = tpu.vector_load %arg8[%get3A] {strides = array<i32>} : memref<4688xi32, #tpu.memory_space<vmem>>, vector<16xi32>,
      %get3A_197 = arith.index_cast %mul3A_187 : i32 to index
      %get3A_198 = tpu.vector_load %arg9[%get3A_197] {strides = array<i32>} : memref<4688xi32, #tpu.memory_space<vmem>>, vector<16xi32>,
      %and3A = arith.constant 131071 : i32
      %and3A_199 = vector.broadcast %and3A : i32 to vector<16xi32>
      %and3A_200 = arith.andi %get3A_196, %and3A_199 : vector<16xi32>
      %shift_right_arithmetic3A = arith.constant 17 : i32
      %shift_right_arithmetic3A_201 = vector.broadcast %shift_right_arithmetic3A : i32 to vector<16xi32>
      %shift_right_arithmetic3A_202 = arith.shrsi %get3A_196, %shift_right_arithmetic3A_201 : vector<16xi32>
      %and3A_203 = arith.constant 131071 : i32
      %and3A_204 = vector.broadcast %and3A_203 : i32 to vector<16xi32>
      %and3A_205 = arith.andi %get3A_198, %and3A_204 : vector<16xi32>
      %shift_right_arithmetic3A_206 = arith.constant 17 : i32
      %shift_right_arithmetic3A_207 = vector.broadcast %shift_right_arithmetic3A_206 : i32 to vector<16xi32>
      %shift_right_arithmetic3A_208 = arith.shrsi %get3A_198, %shift_right_arithmetic3A_207 : vector<16xi32>
      %mul3A_209 = arith.constant 10 : i32
      %mul3A_210 = vector.broadcast %mul3A_209 : i32 to vector<16xi32>
      %mul3A_211 = arith.muli %add3A_193, %mul3A_210 : vector<16xi32>
      %ge3A = arith.constant 0 : i32
      %ge3A_212 = vector.broadcast %ge3A : i32 to vector<16xi32>
      %ge3A_213 = arith.cmpi sge, %get3A_196, %ge3A_212 : vector<16xi32>
      %and3A_214 = arith.andi %ge3A_213, %lt3A_195 : vector<16xi1>
      %mul3A_215 = arith.constant 15 : i32
      %mul3A_216 = vector.broadcast %mul3A_215 : i32 to vector<16xi32>
      %mul3A_217 = arith.muli %and3A_200, %mul3A_216 : vector<16xi32>
      %add3A_218 = arith.constant 3 : i32
      %add3A_219 = vector.broadcast %add3A_218 : i32 to vector<16xi32>
      %add3A_220 = arith.addi %mul3A_217, %add3A_219 : vector<16xi32>
      %mul3A_221 = arith.constant 3 : i32
      %mul3A_222 = vector.broadcast %mul3A_221 : i32 to vector<16xi32>
      %mul3A_223 = arith.muli %mul3A_222, %shift_right_arithmetic3A_202 : vector<16xi32>
      %add3A_224 = arith.addi %add3A_220, %mul3A_223 : vector<16xi32>
      %select_n3A = arith.select %and3A_214, %add3A_224, %mul3A_211 : vector<16xi1>, vector<16xi32>
      %swap3A_225 = arith.index_cast %mul3A_187 : i32 to index
      %swap3A_226 = tpu.vector_load %arg13[%swap3A_225] {strides = array<i32>} : memref<4688xi32, #tpu.memory_space<vmem>>, vector<16xi32>,
      tpu.vector_store %arg13[%swap3A_225], %select_n3A {strides = array<i32>} : memref<4688xi32, #tpu.memory_space<vmem>>, vector<16xi32>,
      %ge3A_227 = arith.constant 0 : i32
      %ge3A_228 = vector.broadcast %ge3A_227 : i32 to vector<16xi32>
      %ge3A_229 = arith.cmpi sge, %get3A_198, %ge3A_228 : vector<16xi32>
      %and3A_230 = arith.andi %ge3A_229, %lt3A_195 : vector<16xi1>
      %mul3A_231 = arith.constant 15 : i32
      %mul3A_232 = vector.broadcast %mul3A_231 : i32 to vector<16xi32>
      %mul3A_233 = arith.muli %and3A_205, %mul3A_232 : vector<16xi32>
      %add3A_234 = arith.constant 3 : i32
      %add3A_235 = vector.broadcast %add3A_234 : i32 to vector<16xi32>
      %add3A_236 = arith.addi %mul3A_233, %add3A_235 : vector<16xi32>
      %mul3A_237 = arith.constant 3 : i32
      %mul3A_238 = vector.broadcast %mul3A_237 : i32 to vector<16xi32>
      %mul3A_239 = arith.muli %mul3A_238, %shift_right_arithmetic3A_208 : vector<16xi32>
      %add3A_240 = arith.addi %add3A_236, %mul3A_239 : vector<16xi32>
      %select_n3A_241 = arith.select %and3A_230, %add3A_240, %mul3A_211 : vector<16xi1>, vector<16xi32>
      %swap3A_242 = arith.index_cast %mul3A_187 : i32 to index
      %swap3A_243 = tpu.vector_load %arg14[%swap3A_242] {strides = array<i32>} : memref<4688xi32, #tpu.memory_space<vmem>>, vector<16xi32>,
      tpu.vector_store %arg14[%swap3A_242], %select_n3A_241 {strides = array<i32>} : memref<4688xi32, #tpu.memory_space<vmem>>, vector<16xi32>,
      %mul3A_244 = arith.constant 2 : i32
      %mul3A_245 = vector.broadcast %mul3A_244 : i32 to vector<16xi32>
      %mul3A_246 = arith.muli %add3A_191, %mul3A_245 : vector<16xi32>
      %gather3A = tpu.vector_load_idx %arg11[%mul3A_246] : memref<9376xi32, #tpu.memory_space<vmem>>[vector<16xi32>], vector<16xi32>,
      %mul3A_247 = arith.constant 2 : i32
      %mul3A_248 = vector.broadcast %mul3A_247 : i32 to vector<16xi32>
      %mul3A_249 = arith.muli %add3A_191, %mul3A_248 : vector<16xi32>
      %add3A_250 = arith.constant 1 : i32
      %add3A_251 = vector.broadcast %add3A_250 : i32 to vector<16xi32>
      %add3A_252 = arith.addi %mul3A_249, %add3A_251 : vector<16xi32>
      %gather3A_253 = tpu.vector_load_idx %arg11[%add3A_252] : memref<9376xi32, #tpu.memory_space<vmem>>[vector<16xi32>], vector<16xi32>,
      %mul3A_254 = arith.constant 15 : i32
      %mul3A_255 = vector.broadcast %mul3A_254 : i32 to vector<16xi32>
      %mul3A_256 = arith.muli %gather3A, %mul3A_255 : vector<16xi32>
      %select_n3A_257 = arith.select %lt3A_195, %mul3A_256, %mul3A_211 : vector<16xi1>, vector<16xi32>
      %swap3A_258 = arith.index_cast %mul3A_187 : i32 to index
      %swap3A_259 = tpu.vector_load %arg15[%swap3A_258] {strides = array<i32>} : memref<4688xi32, #tpu.memory_space<vmem>>, vector<16xi32>,
      tpu.vector_store %arg15[%swap3A_258], %select_n3A_257 {strides = array<i32>} : memref<4688xi32, #tpu.memory_space<vmem>>, vector<16xi32>,
      %mul3A_260 = arith.constant 15 : i32
      %mul3A_261 = vector.broadcast %mul3A_260 : i32 to vector<16xi32>
      %mul3A_262 = arith.muli %gather3A_253, %mul3A_261 : vector<16xi32>
      %select_n3A_263 = arith.select %lt3A_195, %mul3A_262, %mul3A_211 : vector<16xi1>, vector<16xi32>
      %swap3A_264 = arith.index_cast %mul3A_187 : i32 to index
      %swap3A_265 = tpu.vector_load %arg16[%swap3A_264] {strides = array<i32>} : memref<4688xi32, #tpu.memory_space<vmem>>, vector<16xi32>,
      tpu.vector_store %arg16[%swap3A_264], %select_n3A_263 {strides = array<i32>} : memref<4688xi32, #tpu.memory_space<vmem>>, vector<16xi32>,
      %scan3A_266 = arith.constant 0 : i32
      scf.yield %scan3A_266 : i32
    }
    %scan3A_30 = arith.constant 293 : i32
    %dma_start3A = arith.constant 0 : i32
    %dma_start3A_31 = tpu.memref_slice %arg17[%dma_start3A] : memref<14064xf32, #tpu.memory_space<vmem>> -> memref<4688xf32, #tpu.memory_space<vmem>>
    %dma_start3A_32 = arith.constant 0 : i32
    %dma_start3A_33 = tpu.memref_slice %arg2[%dma_start3A_32] : memref<1505280xf32, #tpu.memory_space<hbm>> -> memref<1505280xf32, #tpu.memory_space<hbm>>
    tpu.enqueue_indirect_dma source(%dma_start3A_33 : memref<1505280xf32, #tpu.memory_space<hbm>>) target(%dma_start3A_31 : memref<4688xf32, #tpu.memory_space<vmem>>) offsets(%arg13 : memref<4688xi32, #tpu.memory_space<vmem>>) semaphore(%arg22 : memref<!tpu.dma_semaphore, #tpu.memory_space<semaphore_mem>>)
    %dma_start3A_34 = arith.constant 0 : i32
    %dma_start3A_35 = tpu.memref_slice %arg18[%dma_start3A_34] : memref<14064xf32, #tpu.memory_space<vmem>> -> memref<4688xf32, #tpu.memory_space<vmem>>
    %dma_start3A_36 = arith.constant 0 : i32
    %dma_start3A_37 = tpu.memref_slice %arg2[%dma_start3A_36] : memref<1505280xf32, #tpu.memory_space<hbm>> -> memref<1505280xf32, #tpu.memory_space<hbm>>
    tpu.enqueue_indirect_dma source(%dma_start3A_37 : memref<1505280xf32, #tpu.memory_space<hbm>>) target(%dma_start3A_35 : memref<4688xf32, #tpu.memory_space<vmem>>) offsets(%arg14 : memref<4688xi32, #tpu.memory_space<vmem>>) semaphore(%arg23 : memref<!tpu.dma_semaphore, #tpu.memory_space<semaphore_mem>>)
    %dma_start3A_38 = arith.constant 0 : i32
    %dma_start3A_39 = tpu.memref_slice %arg19[%dma_start3A_38] : memref<14064xf32, #tpu.memory_space<vmem>> -> memref<4688xf32, #tpu.memory_space<vmem>>
    %dma_start3A_40 = arith.constant 0 : i32
    %dma_start3A_41 = tpu.memref_slice %arg2[%dma_start3A_40] : memref<1505280xf32, #tpu.memory_space<hbm>> -> memref<1505280xf32, #tpu.memory_space<hbm>>
    tpu.enqueue_indirect_dma source(%dma_start3A_41 : memref<1505280xf32, #tpu.memory_space<hbm>>) target(%dma_start3A_39 : memref<4688xf32, #tpu.memory_space<vmem>>) offsets(%arg15 : memref<4688xi32, #tpu.memory_space<vmem>>) semaphore(%arg24 : memref<!tpu.dma_semaphore, #tpu.memory_space<semaphore_mem>>)
    %dma_start3A_42 = arith.constant 0 : i32
    %dma_start3A_43 = tpu.memref_slice %arg20[%dma_start3A_42] : memref<14064xf32, #tpu.memory_space<vmem>> -> memref<4688xf32, #tpu.memory_space<vmem>>
    %dma_start3A_44 = arith.constant 0 : i32
    %dma_start3A_45 = tpu.memref_slice %arg2[%dma_start3A_44] : memref<1505280xf32, #tpu.memory_space<hbm>> -> memref<1505280xf32, #tpu.memory_space<hbm>>
    tpu.enqueue_indirect_dma source(%dma_start3A_45 : memref<1505280xf32, #tpu.memory_space<hbm>>) target(%dma_start3A_43 : memref<4688xf32, #tpu.memory_space<vmem>>) offsets(%arg16 : memref<4688xi32, #tpu.memory_space<vmem>>) semaphore(%arg25 : memref<!tpu.dma_semaphore, #tpu.memory_space<semaphore_mem>>)
    %dma_wait3A = arith.constant 0 : i32
    %dma_wait3A_46 = tpu.memref_slice %arg17[%dma_wait3A] : memref<14064xf32, #tpu.memory_space<vmem>> -> memref<4688xf32, #tpu.memory_space<vmem>>
    %dma_wait3A_47 = arith.constant 0 : i32
    %dma_wait3A_48 = tpu.memref_slice %arg2[%dma_wait3A_47] : memref<1505280xf32, #tpu.memory_space<hbm>> -> memref<1505280xf32, #tpu.memory_space<hbm>>
    tpu.wait_indirect_dma semaphore(%arg22 : memref<!tpu.dma_semaphore, #tpu.memory_space<semaphore_mem>>) src(%dma_wait3A_48 : memref<1505280xf32, #tpu.memory_space<hbm>>) dst(%dma_wait3A_46 : memref<4688xf32, #tpu.memory_space<vmem>>)
    %dma_wait3A_49 = arith.constant 0 : i32
    %dma_wait3A_50 = tpu.memref_slice %arg18[%dma_wait3A_49] : memref<14064xf32, #tpu.memory_space<vmem>> -> memref<4688xf32, #tpu.memory_space<vmem>>
    %dma_wait3A_51 = arith.constant 0 : i32
    %dma_wait3A_52 = tpu.memref_slice %arg2[%dma_wait3A_51] : memref<1505280xf32, #tpu.memory_space<hbm>> -> memref<1505280xf32, #tpu.memory_space<hbm>>
    tpu.wait_indirect_dma semaphore(%arg23 : memref<!tpu.dma_semaphore, #tpu.memory_space<semaphore_mem>>) src(%dma_wait3A_52 : memref<1505280xf32, #tpu.memory_space<hbm>>) dst(%dma_wait3A_50 : memref<4688xf32, #tpu.memory_space<vmem>>)
    %dma_wait3A_53 = arith.constant 0 : i32
    %dma_wait3A_54 = tpu.memref_slice %arg19[%dma_wait3A_53] : memref<14064xf32, #tpu.memory_space<vmem>> -> memref<4688xf32, #tpu.memory_space<vmem>>
    %dma_wait3A_55 = arith.constant 0 : i32
    %dma_wait3A_56 = tpu.memref_slice %arg2[%dma_wait3A_55] : memref<1505280xf32, #tpu.memory_space<hbm>> -> memref<1505280xf32, #tpu.memory_space<hbm>>
    tpu.wait_indirect_dma semaphore(%arg24 : memref<!tpu.dma_semaphore, #tpu.memory_space<semaphore_mem>>) src(%dma_wait3A_56 : memref<1505280xf32, #tpu.memory_space<hbm>>) dst(%dma_wait3A_54 : memref<4688xf32, #tpu.memory_space<vmem>>)
    %dma_wait3A_57 = arith.constant 0 : i32
    %dma_wait3A_58 = tpu.memref_slice %arg20[%dma_wait3A_57] : memref<14064xf32, #tpu.memory_space<vmem>> -> memref<4688xf32, #tpu.memory_space<vmem>>
    %dma_wait3A_59 = arith.constant 0 : i32
    %dma_wait3A_60 = tpu.memref_slice %arg2[%dma_wait3A_59] : memref<1505280xf32, #tpu.memory_space<hbm>> -> memref<1505280xf32, #tpu.memory_space<hbm>>
    tpu.wait_indirect_dma semaphore(%arg25 : memref<!tpu.dma_semaphore, #tpu.memory_space<semaphore_mem>>) src(%dma_wait3A_60 : memref<1505280xf32, #tpu.memory_space<hbm>>) dst(%dma_wait3A_58 : memref<4688xf32, #tpu.memory_space<vmem>>)
    %scan3A_61 = arith.constant 0 : i32
    %scan3A_62 = arith.constant 0 : i32
    %scan3A_63 = arith.constant 293 : i32
    %scan3A_64 = arith.addi %scan3A_62, %scan3A_63 : i32
    %scan3A_65 = arith.constant 1 : i32
    %scan3A_66 = scf.for %scan3A_184 = %scan3A_62 to %scan3A_64 step %scan3A_65 iter_args(%scan3A_185 = %scan3A_61) -> (i32)  : i32 {
      %mul3A_186 = arith.constant 16 : i32
      %mul3A_187 = arith.muli %scan3A_184, %mul3A_186 : i32
      %get3A = arith.index_cast %mul3A_187 : i32 to index
      %get3A_188 = tpu.vector_load %arg13[%get3A] {strides = array<i32>} : memref<4688xi32, #tpu.memory_space<vmem>>, vector<16xi32>,
      %add3A_189 = arith.constant 1 : i32
      %add3A_190 = vector.broadcast %add3A_189 : i32 to vector<16xi32>
      %add3A_191 = arith.addi %get3A_188, %add3A_190 : vector<16xi32>
      %swap3A_192 = arith.index_cast %mul3A_187 : i32 to index
      %swap3A_193 = tpu.vector_load %arg13[%swap3A_192] {strides = array<i32>} : memref<4688xi32, #tpu.memory_space<vmem>>, vector<16xi32>,
      tpu.vector_store %arg13[%swap3A_192], %add3A_191 {strides = array<i32>} : memref<4688xi32, #tpu.memory_space<vmem>>, vector<16xi32>,
      %get3A_194 = arith.index_cast %mul3A_187 : i32 to index
      %get3A_195 = tpu.vector_load %arg14[%get3A_194] {strides = array<i32>} : memref<4688xi32, #tpu.memory_space<vmem>>, vector<16xi32>,
      %add3A_196 = arith.constant 1 : i32
      %add3A_197 = vector.broadcast %add3A_196 : i32 to vector<16xi32>
      %add3A_198 = arith.addi %get3A_195, %add3A_197 : vector<16xi32>
      %swap3A_199 = arith.index_cast %mul3A_187 : i32 to index
      %swap3A_200 = tpu.vector_load %arg14[%swap3A_199] {strides = array<i32>} : memref<4688xi32, #tpu.memory_space<vmem>>, vector<16xi32>,
      tpu.vector_store %arg14[%swap3A_199], %add3A_198 {strides = array<i32>} : memref<4688xi32, #tpu.memory_space<vmem>>, vector<16xi32>,
      %get3A_201 = arith.index_cast %mul3A_187 : i32 to index
      %get3A_202 = tpu.vector_load %arg15[%get3A_201] {strides = array<i32>} : memref<4688xi32, #tpu.memory_space<vmem>>, vector<16xi32>,
      %add3A_203 = arith.constant 1 : i32
      %add3A_204 = vector.broadcast %add3A_203 : i32 to vector<16xi32>
      %add3A_205 = arith.addi %get3A_202, %add3A_204 : vector<16xi32>
      %swap3A_206 = arith.index_cast %mul3A_187 : i32 to index
      %swap3A_207 = tpu.vector_load %arg15[%swap3A_206] {strides = array<i32>} : memref<4688xi32, #tpu.memory_space<vmem>>, vector<16xi32>,
      tpu.vector_store %arg15[%swap3A_206], %add3A_205 {strides = array<i32>} : memref<4688xi32, #tpu.memory_space<vmem>>, vector<16xi32>,
      %get3A_208 = arith.index_cast %mul3A_187 : i32 to index
      %get3A_209 = tpu.vector_load %arg16[%get3A_208] {strides = array<i32>} : memref<4688xi32, #tpu.memory_space<vmem>>, vector<16xi32>,
      %add3A_210 = arith.constant 1 : i32
      %add3A_211 = vector.broadcast %add3A_210 : i32 to vector<16xi32>
      %add3A_212 = arith.addi %get3A_209, %add3A_211 : vector<16xi32>
      %swap3A_213 = arith.index_cast %mul3A_187 : i32 to index
      %swap3A_214 = tpu.vector_load %arg16[%swap3A_213] {strides = array<i32>} : memref<4688xi32, #tpu.memory_space<vmem>>, vector<16xi32>,
      tpu.vector_store %arg16[%swap3A_213], %add3A_212 {strides = array<i32>} : memref<4688xi32, #tpu.memory_space<vmem>>, vector<16xi32>,
      %scan3A_215 = arith.constant 0 : i32
      scf.yield %scan3A_215 : i32
    }
    %scan3A_67 = arith.constant 293 : i32
    %dma_start3A_68 = arith.constant 4688 : i32
    %dma_start3A_69 = tpu.memref_slice %arg17[%dma_start3A_68] : memref<14064xf32, #tpu.memory_space<vmem>> -> memref<4688xf32, #tpu.memory_space<vmem>>
    %dma_start3A_70 = arith.constant 0 : i32
    %dma_start3A_71 = tpu.memref_slice %arg2[%dma_start3A_70] : memref<1505280xf32, #tpu.memory_space<hbm>> -> memref<1505280xf32, #tpu.memory_space<hbm>>
    tpu.enqueue_indirect_dma source(%dma_start3A_71 : memref<1505280xf32, #tpu.memory_space<hbm>>) target(%dma_start3A_69 : memref<4688xf32, #tpu.memory_space<vmem>>) offsets(%arg13 : memref<4688xi32, #tpu.memory_space<vmem>>) semaphore(%arg22 : memref<!tpu.dma_semaphore, #tpu.memory_space<semaphore_mem>>)
    %dma_start3A_72 = arith.constant 4688 : i32
    %dma_start3A_73 = tpu.memref_slice %arg18[%dma_start3A_72] : memref<14064xf32, #tpu.memory_space<vmem>> -> memref<4688xf32, #tpu.memory_space<vmem>>
    %dma_start3A_74 = arith.constant 0 : i32
    %dma_start3A_75 = tpu.memref_slice %arg2[%dma_start3A_74] : memref<1505280xf32, #tpu.memory_space<hbm>> -> memref<1505280xf32, #tpu.memory_space<hbm>>
    tpu.enqueue_indirect_dma source(%dma_start3A_75 : memref<1505280xf32, #tpu.memory_space<hbm>>) target(%dma_start3A_73 : memref<4688xf32, #tpu.memory_space<vmem>>) offsets(%arg14 : memref<4688xi32, #tpu.memory_space<vmem>>) semaphore(%arg23 : memref<!tpu.dma_semaphore, #tpu.memory_space<semaphore_mem>>)
    %dma_start3A_76 = arith.constant 4688 : i32
    %dma_start3A_77 = tpu.memref_slice %arg19[%dma_start3A_76] : memref<14064xf32, #tpu.memory_space<vmem>> -> memref<4688xf32, #tpu.memory_space<vmem>>
    %dma_start3A_78 = arith.constant 0 : i32
    %dma_start3A_79 = tpu.memref_slice %arg2[%dma_start3A_78] : memref<1505280xf32, #tpu.memory_space<hbm>> -> memref<1505280xf32, #tpu.memory_space<hbm>>
    tpu.enqueue_indirect_dma source(%dma_start3A_79 : memref<1505280xf32, #tpu.memory_space<hbm>>) target(%dma_start3A_77 : memref<4688xf32, #tpu.memory_space<vmem>>) offsets(%arg15 : memref<4688xi32, #tpu.memory_space<vmem>>) semaphore(%arg24 : memref<!tpu.dma_semaphore, #tpu.memory_space<semaphore_mem>>)
    %dma_start3A_80 = arith.constant 4688 : i32
    %dma_start3A_81 = tpu.memref_slice %arg20[%dma_start3A_80] : memref<14064xf32, #tpu.memory_space<vmem>> -> memref<4688xf32, #tpu.memory_space<vmem>>
    %dma_start3A_82 = arith.constant 0 : i32
    %dma_start3A_83 = tpu.memref_slice %arg2[%dma_start3A_82] : memref<1505280xf32, #tpu.memory_space<hbm>> -> memref<1505280xf32, #tpu.memory_space<hbm>>
    tpu.enqueue_indirect_dma source(%dma_start3A_83 : memref<1505280xf32, #tpu.memory_space<hbm>>) target(%dma_start3A_81 : memref<4688xf32, #tpu.memory_space<vmem>>) offsets(%arg16 : memref<4688xi32, #tpu.memory_space<vmem>>) semaphore(%arg25 : memref<!tpu.dma_semaphore, #tpu.memory_space<semaphore_mem>>)
    %dma_wait3A_84 = arith.constant 4688 : i32
    %dma_wait3A_85 = tpu.memref_slice %arg17[%dma_wait3A_84] : memref<14064xf32, #tpu.memory_space<vmem>> -> memref<4688xf32, #tpu.memory_space<vmem>>
    %dma_wait3A_86 = arith.constant 0 : i32
    %dma_wait3A_87 = tpu.memref_slice %arg2[%dma_wait3A_86] : memref<1505280xf32, #tpu.memory_space<hbm>> -> memref<1505280xf32, #tpu.memory_space<hbm>>
    tpu.wait_indirect_dma semaphore(%arg22 : memref<!tpu.dma_semaphore, #tpu.memory_space<semaphore_mem>>) src(%dma_wait3A_87 : memref<1505280xf32, #tpu.memory_space<hbm>>) dst(%dma_wait3A_85 : memref<4688xf32, #tpu.memory_space<vmem>>)
    %dma_wait3A_88 = arith.constant 4688 : i32
    %dma_wait3A_89 = tpu.memref_slice %arg18[%dma_wait3A_88] : memref<14064xf32, #tpu.memory_space<vmem>> -> memref<4688xf32, #tpu.memory_space<vmem>>
    %dma_wait3A_90 = arith.constant 0 : i32
    %dma_wait3A_91 = tpu.memref_slice %arg2[%dma_wait3A_90] : memref<1505280xf32, #tpu.memory_space<hbm>> -> memref<1505280xf32, #tpu.memory_space<hbm>>
    tpu.wait_indirect_dma semaphore(%arg23 : memref<!tpu.dma_semaphore, #tpu.memory_space<semaphore_mem>>) src(%dma_wait3A_91 : memref<1505280xf32, #tpu.memory_space<hbm>>) dst(%dma_wait3A_89 : memref<4688xf32, #tpu.memory_space<vmem>>)
    %dma_wait3A_92 = arith.constant 4688 : i32
    %dma_wait3A_93 = tpu.memref_slice %arg19[%dma_wait3A_92] : memref<14064xf32, #tpu.memory_space<vmem>> -> memref<4688xf32, #tpu.memory_space<vmem>>
    %dma_wait3A_94 = arith.constant 0 : i32
    %dma_wait3A_95 = tpu.memref_slice %arg2[%dma_wait3A_94] : memref<1505280xf32, #tpu.memory_space<hbm>> -> memref<1505280xf32, #tpu.memory_space<hbm>>
    tpu.wait_indirect_dma semaphore(%arg24 : memref<!tpu.dma_semaphore, #tpu.memory_space<semaphore_mem>>) src(%dma_wait3A_95 : memref<1505280xf32, #tpu.memory_space<hbm>>) dst(%dma_wait3A_93 : memref<4688xf32, #tpu.memory_space<vmem>>)
    %dma_wait3A_96 = arith.constant 4688 : i32
    %dma_wait3A_97 = tpu.memref_slice %arg20[%dma_wait3A_96] : memref<14064xf32, #tpu.memory_space<vmem>> -> memref<4688xf32, #tpu.memory_space<vmem>>
    %dma_wait3A_98 = arith.constant 0 : i32
    %dma_wait3A_99 = tpu.memref_slice %arg2[%dma_wait3A_98] : memref<1505280xf32, #tpu.memory_space<hbm>> -> memref<1505280xf32, #tpu.memory_space<hbm>>
    tpu.wait_indirect_dma semaphore(%arg25 : memref<!tpu.dma_semaphore, #tpu.memory_space<semaphore_mem>>) src(%dma_wait3A_99 : memref<1505280xf32, #tpu.memory_space<hbm>>) dst(%dma_wait3A_97 : memref<4688xf32, #tpu.memory_space<vmem>>)
    %scan3A_100 = arith.constant 0 : i32
    %scan3A_101 = arith.constant 0 : i32
    %scan3A_102 = arith.constant 293 : i32
    %scan3A_103 = arith.addi %scan3A_101, %scan3A_102 : i32
    %scan3A_104 = arith.constant 1 : i32
    %scan3A_105 = scf.for %scan3A_184 = %scan3A_101 to %scan3A_103 step %scan3A_104 iter_args(%scan3A_185 = %scan3A_100) -> (i32)  : i32 {
      %mul3A_186 = arith.constant 16 : i32
      %mul3A_187 = arith.muli %scan3A_184, %mul3A_186 : i32
      %get3A = arith.index_cast %mul3A_187 : i32 to index
      %get3A_188 = tpu.vector_load %arg13[%get3A] {strides = array<i32>} : memref<4688xi32, #tpu.memory_space<vmem>>, vector<16xi32>,
      %add3A_189 = arith.constant 1 : i32
      %add3A_190 = vector.broadcast %add3A_189 : i32 to vector<16xi32>
      %add3A_191 = arith.addi %get3A_188, %add3A_190 : vector<16xi32>
      %swap3A_192 = arith.index_cast %mul3A_187 : i32 to index
      %swap3A_193 = tpu.vector_load %arg13[%swap3A_192] {strides = array<i32>} : memref<4688xi32, #tpu.memory_space<vmem>>, vector<16xi32>,
      tpu.vector_store %arg13[%swap3A_192], %add3A_191 {strides = array<i32>} : memref<4688xi32, #tpu.memory_space<vmem>>, vector<16xi32>,
      %get3A_194 = arith.index_cast %mul3A_187 : i32 to index
      %get3A_195 = tpu.vector_load %arg14[%get3A_194] {strides = array<i32>} : memref<4688xi32, #tpu.memory_space<vmem>>, vector<16xi32>,
      %add3A_196 = arith.constant 1 : i32
      %add3A_197 = vector.broadcast %add3A_196 : i32 to vector<16xi32>
      %add3A_198 = arith.addi %get3A_195, %add3A_197 : vector<16xi32>
      %swap3A_199 = arith.index_cast %mul3A_187 : i32 to index
      %swap3A_200 = tpu.vector_load %arg14[%swap3A_199] {strides = array<i32>} : memref<4688xi32, #tpu.memory_space<vmem>>, vector<16xi32>,
      tpu.vector_store %arg14[%swap3A_199], %add3A_198 {strides = array<i32>} : memref<4688xi32, #tpu.memory_space<vmem>>, vector<16xi32>,
      %get3A_201 = arith.index_cast %mul3A_187 : i32 to index
      %get3A_202 = tpu.vector_load %arg15[%get3A_201] {strides = array<i32>} : memref<4688xi32, #tpu.memory_space<vmem>>, vector<16xi32>,
      %add3A_203 = arith.constant 1 : i32
      %add3A_204 = vector.broadcast %add3A_203 : i32 to vector<16xi32>
      %add3A_205 = arith.addi %get3A_202, %add3A_204 : vector<16xi32>
      %swap3A_206 = arith.index_cast %mul3A_187 : i32 to index
      %swap3A_207 = tpu.vector_load %arg15[%swap3A_206] {strides = array<i32>} : memref<4688xi32, #tpu.memory_space<vmem>>, vector<16xi32>,
      tpu.vector_store %arg15[%swap3A_206], %add3A_205 {strides = array<i32>} : memref<4688xi32, #tpu.memory_space<vmem>>, vector<16xi32>,
      %get3A_208 = arith.index_cast %mul3A_187 : i32 to index
      %get3A_209 = tpu.vector_load %arg16[%get3A_208] {strides = array<i32>} : memref<4688xi32, #tpu.memory_space<vmem>>, vector<16xi32>,
      %add3A_210 = arith.constant 1 : i32
      %add3A_211 = vector.broadcast %add3A_210 : i32 to vector<16xi32>
      %add3A_212 = arith.addi %get3A_209, %add3A_211 : vector<16xi32>
      %swap3A_213 = arith.index_cast %mul3A_187 : i32 to index
      %swap3A_214 = tpu.vector_load %arg16[%swap3A_213] {strides = array<i32>} : memref<4688xi32, #tpu.memory_space<vmem>>, vector<16xi32>,
      tpu.vector_store %arg16[%swap3A_213], %add3A_212 {strides = array<i32>} : memref<4688xi32, #tpu.memory_space<vmem>>, vector<16xi32>,
      %scan3A_215 = arith.constant 0 : i32
      scf.yield %scan3A_215 : i32
    }
    %scan3A_106 = arith.constant 293 : i32
    %dma_start3A_107 = arith.constant 9376 : i32
    %dma_start3A_108 = tpu.memref_slice %arg17[%dma_start3A_107] : memref<14064xf32, #tpu.memory_space<vmem>> -> memref<4688xf32, #tpu.memory_space<vmem>>
    %dma_start3A_109 = arith.constant 0 : i32
    %dma_start3A_110 = tpu.memref_slice %arg2[%dma_start3A_109] : memref<1505280xf32, #tpu.memory_space<hbm>> -> memref<1505280xf32, #tpu.memory_space<hbm>>
    tpu.enqueue_indirect_dma source(%dma_start3A_110 : memref<1505280xf32, #tpu.memory_space<hbm>>) target(%dma_start3A_108 : memref<4688xf32, #tpu.memory_space<vmem>>) offsets(%arg13 : memref<4688xi32, #tpu.memory_space<vmem>>) semaphore(%arg22 : memref<!tpu.dma_semaphore, #tpu.memory_space<semaphore_mem>>)
    %dma_start3A_111 = arith.constant 9376 : i32
    %dma_start3A_112 = tpu.memref_slice %arg18[%dma_start3A_111] : memref<14064xf32, #tpu.memory_space<vmem>> -> memref<4688xf32, #tpu.memory_space<vmem>>
    %dma_start3A_113 = arith.constant 0 : i32
    %dma_start3A_114 = tpu.memref_slice %arg2[%dma_start3A_113] : memref<1505280xf32, #tpu.memory_space<hbm>> -> memref<1505280xf32, #tpu.memory_space<hbm>>
    tpu.enqueue_indirect_dma source(%dma_start3A_114 : memref<1505280xf32, #tpu.memory_space<hbm>>) target(%dma_start3A_112 : memref<4688xf32, #tpu.memory_space<vmem>>) offsets(%arg14 : memref<4688xi32, #tpu.memory_space<vmem>>) semaphore(%arg23 : memref<!tpu.dma_semaphore, #tpu.memory_space<semaphore_mem>>)
    %dma_start3A_115 = arith.constant 9376 : i32
    %dma_start3A_116 = tpu.memref_slice %arg19[%dma_start3A_115] : memref<14064xf32, #tpu.memory_space<vmem>> -> memref<4688xf32, #tpu.memory_space<vmem>>
    %dma_start3A_117 = arith.constant 0 : i32
    %dma_start3A_118 = tpu.memref_slice %arg2[%dma_start3A_117] : memref<1505280xf32, #tpu.memory_space<hbm>> -> memref<1505280xf32, #tpu.memory_space<hbm>>
    tpu.enqueue_indirect_dma source(%dma_start3A_118 : memref<1505280xf32, #tpu.memory_space<hbm>>) target(%dma_start3A_116 : memref<4688xf32, #tpu.memory_space<vmem>>) offsets(%arg15 : memref<4688xi32, #tpu.memory_space<vmem>>) semaphore(%arg24 : memref<!tpu.dma_semaphore, #tpu.memory_space<semaphore_mem>>)
    %dma_start3A_119 = arith.constant 9376 : i32
    %dma_start3A_120 = tpu.memref_slice %arg20[%dma_start3A_119] : memref<14064xf32, #tpu.memory_space<vmem>> -> memref<4688xf32, #tpu.memory_space<vmem>>
    %dma_start3A_121 = arith.constant 0 : i32
    %dma_start3A_122 = tpu.memref_slice %arg2[%dma_start3A_121] : memref<1505280xf32, #tpu.memory_space<hbm>> -> memref<1505280xf32, #tpu.memory_space<hbm>>
    tpu.enqueue_indirect_dma source(%dma_start3A_122 : memref<1505280xf32, #tpu.memory_space<hbm>>) target(%dma_start3A_120 : memref<4688xf32, #tpu.memory_space<vmem>>) offsets(%arg16 : memref<4688xi32, #tpu.memory_space<vmem>>) semaphore(%arg25 : memref<!tpu.dma_semaphore, #tpu.memory_space<semaphore_mem>>)
    %dma_wait3A_123 = arith.constant 9376 : i32
    %dma_wait3A_124 = tpu.memref_slice %arg17[%dma_wait3A_123] : memref<14064xf32, #tpu.memory_space<vmem>> -> memref<4688xf32, #tpu.memory_space<vmem>>
    %dma_wait3A_125 = arith.constant 0 : i32
    %dma_wait3A_126 = tpu.memref_slice %arg2[%dma_wait3A_125] : memref<1505280xf32, #tpu.memory_space<hbm>> -> memref<1505280xf32, #tpu.memory_space<hbm>>
    tpu.wait_indirect_dma semaphore(%arg22 : memref<!tpu.dma_semaphore, #tpu.memory_space<semaphore_mem>>) src(%dma_wait3A_126 : memref<1505280xf32, #tpu.memory_space<hbm>>) dst(%dma_wait3A_124 : memref<4688xf32, #tpu.memory_space<vmem>>)
    %dma_wait3A_127 = arith.constant 9376 : i32
    %dma_wait3A_128 = tpu.memref_slice %arg18[%dma_wait3A_127] : memref<14064xf32, #tpu.memory_space<vmem>> -> memref<4688xf32, #tpu.memory_space<vmem>>
    %dma_wait3A_129 = arith.constant 0 : i32
    %dma_wait3A_130 = tpu.memref_slice %arg2[%dma_wait3A_129] : memref<1505280xf32, #tpu.memory_space<hbm>> -> memref<1505280xf32, #tpu.memory_space<hbm>>
    tpu.wait_indirect_dma semaphore(%arg23 : memref<!tpu.dma_semaphore, #tpu.memory_space<semaphore_mem>>) src(%dma_wait3A_130 : memref<1505280xf32, #tpu.memory_space<hbm>>) dst(%dma_wait3A_128 : memref<4688xf32, #tpu.memory_space<vmem>>)
    %dma_wait3A_131 = arith.constant 9376 : i32
    %dma_wait3A_132 = tpu.memref_slice %arg19[%dma_wait3A_131] : memref<14064xf32, #tpu.memory_space<vmem>> -> memref<4688xf32, #tpu.memory_space<vmem>>
    %dma_wait3A_133 = arith.constant 0 : i32
    %dma_wait3A_134 = tpu.memref_slice %arg2[%dma_wait3A_133] : memref<1505280xf32, #tpu.memory_space<hbm>> -> memref<1505280xf32, #tpu.memory_space<hbm>>
    tpu.wait_indirect_dma semaphore(%arg24 : memref<!tpu.dma_semaphore, #tpu.memory_space<semaphore_mem>>) src(%dma_wait3A_134 : memref<1505280xf32, #tpu.memory_space<hbm>>) dst(%dma_wait3A_132 : memref<4688xf32, #tpu.memory_space<vmem>>)
    %dma_wait3A_135 = arith.constant 9376 : i32
    %dma_wait3A_136 = tpu.memref_slice %arg20[%dma_wait3A_135] : memref<14064xf32, #tpu.memory_space<vmem>> -> memref<4688xf32, #tpu.memory_space<vmem>>
    %dma_wait3A_137 = arith.constant 0 : i32
    %dma_wait3A_138 = tpu.memref_slice %arg2[%dma_wait3A_137] : memref<1505280xf32, #tpu.memory_space<hbm>> -> memref<1505280xf32, #tpu.memory_space<hbm>>
    tpu.wait_indirect_dma semaphore(%arg25 : memref<!tpu.dma_semaphore, #tpu.memory_space<semaphore_mem>>) src(%dma_wait3A_138 : memref<1505280xf32, #tpu.memory_space<hbm>>) dst(%dma_wait3A_136 : memref<4688xf32, #tpu.memory_space<vmem>>)
    %broadcast_in_dim3A = arith.constant 0.000000e+00 : f32
    %broadcast_in_dim3A_139 = vector.broadcast %broadcast_in_dim3A : f32 to vector<16xf32>
    %scan3A_140 = arith.constant 0 : i32
    %scan3A_141 = arith.constant 293 : i32
    %scan3A_142 = arith.addi %scan3A_140, %scan3A_141 : i32
    %scan3A_143 = arith.constant 1 : i32
    %scan3A_144:3 = scf.for %scan3A_184 = %scan3A_140 to %scan3A_142 step %scan3A_143 iter_args(%scan3A_185 = %broadcast_in_dim3A_139, %scan3A_186 = %broadcast_in_dim3A_139, %scan3A_187 = %broadcast_in_dim3A_139) -> (vector<16xf32>, vector<16xf32>, vector<16xf32>)  : i32 {
      %mul3A_188 = arith.constant 16 : i32
      %mul3A_189 = arith.muli %scan3A_184, %mul3A_188 : i32
      %mul3A_190 = arith.constant 16 : i32
      %mul3A_191 = arith.muli %scan3A_184, %mul3A_190 : i32
      %add3A_192 = vector.broadcast %mul3A_191 : i32 to vector<16xi32>
      %add3A_193 = arith.addi %add3A_192, %iota3A : vector<16xi32>
      %add3A_194 = vector.broadcast %mul3A_2 : i32 to vector<16xi32>
      %add3A_195 = arith.addi %add3A_194, %add3A_193 : vector<16xi32>
      %lt3A = arith.constant 150000 : i32
      %lt3A_196 = vector.broadcast %lt3A : i32 to vector<16xi32>
      %lt3A_197 = arith.cmpi slt, %add3A_195, %lt3A_196 : vector<16xi32>
      %convert_element_type3A_198 = arith.extui %lt3A_197 : vector<16xi1> to vector<16xi32>
      %convert_element_type3A_199 = arith.sitofp %convert_element_type3A_198 : vector<16xi32> to vector<16xf32>
      %get3A = arith.index_cast %mul3A_189 : i32 to index
      %get3A_200 = tpu.vector_load %arg8[%get3A] {strides = array<i32>} : memref<4688xi32, #tpu.memory_space<vmem>>, vector<16xi32>,
      %get3A_201 = arith.index_cast %mul3A_189 : i32 to index
      %get3A_202 = tpu.vector_load %arg9[%get3A_201] {strides = array<i32>} : memref<4688xi32, #tpu.memory_space<vmem>>, vector<16xi32>,
      %ge3A = arith.constant 0 : i32
      %ge3A_203 = vector.broadcast %ge3A : i32 to vector<16xi32>
      %ge3A_204 = arith.cmpi sge, %get3A_200, %ge3A_203 : vector<16xi32>
      %convert_element_type3A_205 = arith.extui %ge3A_204 : vector<16xi1> to vector<16xi32>
      %convert_element_type3A_206 = arith.sitofp %convert_element_type3A_205 : vector<16xi32> to vector<16xf32>
      %ge3A_207 = arith.constant 0 : i32
      %ge3A_208 = vector.broadcast %ge3A_207 : i32 to vector<16xi32>
      %ge3A_209 = arith.cmpi sge, %get3A_202, %ge3A_208 : vector<16xi32>
      %convert_element_type3A_210 = arith.extui %ge3A_209 : vector<16xi1> to vector<16xi32>
      %convert_element_type3A_211 = arith.sitofp %convert_element_type3A_210 : vector<16xi32> to vector<16xf32>
      %mul3A_212 = arith.constant 3 : i32
      %mul3A_213 = vector.broadcast %mul3A_212 : i32 to vector<16xi32>
      %mul3A_214 = arith.muli %add3A_193, %mul3A_213 : vector<16xi32>
      %mul3A_215 = arith.constant 16 : i32
      %mul3A_216 = arith.muli %scan3A_184, %mul3A_215 : i32
      %add3A_217 = arith.constant 0 : i32
      %add3A_218 = arith.addi %add3A_217, %mul3A_216 : i32
      %get3A_219 = arith.index_cast %add3A_218 : i32 to index
      %get3A_220 = tpu.vector_load %arg17[%get3A_219] {strides = array<i32>} : memref<14064xf32, #tpu.memory_space<vmem>>, vector<16xf32>,
      %mul3A_221 = arith.constant 16 : i32
      %mul3A_222 = arith.muli %scan3A_184, %mul3A_221 : i32
      %add3A_223 = arith.constant 4688 : i32
      %add3A_224 = arith.addi %add3A_223, %mul3A_222 : i32
      %get3A_225 = arith.index_cast %add3A_224 : i32 to index
      %get3A_226 = tpu.vector_load %arg17[%get3A_225] {strides = array<i32>} : memref<14064xf32, #tpu.memory_space<vmem>>, vector<16xf32>,
      %mul3A_227 = arith.constant 16 : i32
      %mul3A_228 = arith.muli %scan3A_184, %mul3A_227 : i32
      %add3A_229 = arith.constant 9376 : i32
      %add3A_230 = arith.addi %add3A_229, %mul3A_228 : i32
      %get3A_231 = arith.index_cast %add3A_230 : i32 to index
      %get3A_232 = tpu.vector_load %arg17[%get3A_231] {strides = array<i32>} : memref<14064xf32, #tpu.memory_space<vmem>>, vector<16xf32>,
      %mul3A_233 = arith.constant 16 : i32
      %mul3A_234 = arith.muli %scan3A_184, %mul3A_233 : i32
      %add3A_235 = arith.constant 0 : i32
      %add3A_236 = arith.addi %add3A_235, %mul3A_234 : i32
      %get3A_237 = arith.index_cast %add3A_236 : i32 to index
      %get3A_238 = tpu.vector_load %arg18[%get3A_237] {strides = array<i32>} : memref<14064xf32, #tpu.memory_space<vmem>>, vector<16xf32>,
      %mul3A_239 = arith.constant 16 : i32
      %mul3A_240 = arith.muli %scan3A_184, %mul3A_239 : i32
      %add3A_241 = arith.constant 4688 : i32
      %add3A_242 = arith.addi %add3A_241, %mul3A_240 : i32
      %get3A_243 = arith.index_cast %add3A_242 : i32 to index
      %get3A_244 = tpu.vector_load %arg18[%get3A_243] {strides = array<i32>} : memref<14064xf32, #tpu.memory_space<vmem>>, vector<16xf32>,
      %mul3A_245 = arith.constant 16 : i32
      %mul3A_246 = arith.muli %scan3A_184, %mul3A_245 : i32
      %add3A_247 = arith.constant 9376 : i32
      %add3A_248 = arith.addi %add3A_247, %mul3A_246 : i32
      %get3A_249 = arith.index_cast %add3A_248 : i32 to index
      %get3A_250 = tpu.vector_load %arg18[%get3A_249] {strides = array<i32>} : memref<14064xf32, #tpu.memory_space<vmem>>, vector<16xf32>,
      %mul3A_251 = arith.constant 16 : i32
      %mul3A_252 = arith.muli %scan3A_184, %mul3A_251 : i32
      %add3A_253 = arith.constant 0 : i32
      %add3A_254 = arith.addi %add3A_253, %mul3A_252 : i32
      %get3A_255 = arith.index_cast %add3A_254 : i32 to index
      %get3A_256 = tpu.vector_load %arg19[%get3A_255] {strides = array<i32>} : memref<14064xf32, #tpu.memory_space<vmem>>, vector<16xf32>,
      %mul3A_257 = arith.constant 16 : i32
      %mul3A_258 = arith.muli %scan3A_184, %mul3A_257 : i32
      %add3A_259 = arith.constant 4688 : i32
      %add3A_260 = arith.addi %add3A_259, %mul3A_258 : i32
      %get3A_261 = arith.index_cast %add3A_260 : i32 to index
      %get3A_262 = tpu.vector_load %arg19[%get3A_261] {strides = array<i32>} : memref<14064xf32, #tpu.memory_space<vmem>>, vector<16xf32>,
      %mul3A_263 = arith.constant 16 : i32
      %mul3A_264 = arith.muli %scan3A_184, %mul3A_263 : i32
      %add3A_265 = arith.constant 9376 : i32
      %add3A_266 = arith.addi %add3A_265, %mul3A_264 : i32
      %get3A_267 = arith.index_cast %add3A_266 : i32 to index
      %get3A_268 = tpu.vector_load %arg19[%get3A_267] {strides = array<i32>} : memref<14064xf32, #tpu.memory_space<vmem>>, vector<16xf32>,
      %mul3A_269 = arith.constant 16 : i32
      %mul3A_270 = arith.muli %scan3A_184, %mul3A_269 : i32
      %add3A_271 = arith.constant 0 : i32
      %add3A_272 = arith.addi %add3A_271, %mul3A_270 : i32
      %get3A_273 = arith.index_cast %add3A_272 : i32 to index
      %get3A_274 = tpu.vector_load %arg20[%get3A_273] {strides = array<i32>} : memref<14064xf32, #tpu.memory_space<vmem>>, vector<16xf32>,
      %mul3A_275 = arith.constant 16 : i32
      %mul3A_276 = arith.muli %scan3A_184, %mul3A_275 : i32
      %add3A_277 = arith.constant 4688 : i32
      %add3A_278 = arith.addi %add3A_277, %mul3A_276 : i32
      %get3A_279 = arith.index_cast %add3A_278 : i32 to index
      %get3A_280 = tpu.vector_load %arg20[%get3A_279] {strides = array<i32>} : memref<14064xf32, #tpu.memory_space<vmem>>, vector<16xf32>,
      %mul3A_281 = arith.constant 16 : i32
      %mul3A_282 = arith.muli %scan3A_184, %mul3A_281 : i32
      %add3A_283 = arith.constant 9376 : i32
      %add3A_284 = arith.addi %add3A_283, %mul3A_282 : i32
      %get3A_285 = arith.index_cast %add3A_284 : i32 to index
      %get3A_286 = tpu.vector_load %arg20[%get3A_285] {strides = array<i32>} : memref<14064xf32, #tpu.memory_space<vmem>>, vector<16xf32>,
      %mul3A_287 = arith.mulf %get3A_220, %convert_element_type3A_206 : vector<16xf32>
      %mul3A_288 = arith.mulf %get3A_226, %convert_element_type3A_206 : vector<16xf32>
      %mul3A_289 = arith.mulf %get3A_232, %convert_element_type3A_206 : vector<16xf32>
      %mul3A_290 = arith.mulf %get3A_238, %convert_element_type3A_211 : vector<16xf32>
      %mul3A_291 = arith.mulf %get3A_244, %convert_element_type3A_211 : vector<16xf32>
      %mul3A_292 = arith.mulf %get3A_250, %convert_element_type3A_211 : vector<16xf32>
      %gather3A = tpu.vector_load_idx %arg12[%mul3A_214] : memref<14064xf32, #tpu.memory_space<vmem>>[vector<16xi32>], vector<16xf32>,
      %add3A_293 = arith.constant 2 : i32
      %add3A_294 = vector.broadcast %add3A_293 : i32 to vector<16xi32>
      %add3A_295 = arith.addi %mul3A_214, %add3A_294 : vector<16xi32>
      %gather3A_296 = tpu.vector_load_idx %arg12[%add3A_295] : memref<14064xf32, #tpu.memory_space<vmem>>[vector<16xi32>], vector<16xf32>,
      %mul3A_297 = arith.mulf %mul3A_287, %gather3A : vector<16xf32>
      %mul3A_298 = arith.mulf %mul3A_288, %gather3A_296 : vector<16xf32>
      %add3A_299 = arith.addf %mul3A_297, %mul3A_298 : vector<16xf32>
      %mul3A_300 = arith.mulf %mul3A_290, %gather3A : vector<16xf32>
      %mul3A_301 = arith.mulf %mul3A_291, %gather3A_296 : vector<16xf32>
      %add3A_302 = arith.addf %mul3A_300, %mul3A_301 : vector<16xf32>
      %add3A_303 = arith.addf %add3A_299, %add3A_302 : vector<16xf32>
      %mul3A_304 = arith.mulf %get3A_274, %gather3A : vector<16xf32>
      %mul3A_305 = arith.mulf %get3A_280, %gather3A_296 : vector<16xf32>
      %add3A_306 = arith.addf %mul3A_304, %mul3A_305 : vector<16xf32>
      %mul3A_307 = arith.mulf %get3A_256, %gather3A : vector<16xf32>
      %mul3A_308 = arith.mulf %get3A_262, %gather3A_296 : vector<16xf32>
      %add3A_309 = arith.addf %mul3A_307, %mul3A_308 : vector<16xf32>
      %sub3A = arith.subf %add3A_306, %add3A_309 : vector<16xf32>
      %add3A_310 = arith.addf %add3A_303, %sub3A : vector<16xf32>
      %neg3A = arith.constant 0.000000e+00 : f32
      %neg3A_311 = vector.broadcast %neg3A : f32 to vector<16xf32>
      %neg3A_312 = arith.subf %neg3A_311, %mul3A_287 : vector<16xf32>
      %mul3A_313 = arith.mulf %neg3A_312, %gather3A_296 : vector<16xf32>
      %mul3A_314 = arith.mulf %mul3A_288, %gather3A : vector<16xf32>
      %add3A_315 = arith.addf %mul3A_313, %mul3A_314 : vector<16xf32>
      %neg3A_316 = arith.constant 0.000000e+00 : f32
      %neg3A_317 = vector.broadcast %neg3A_316 : f32 to vector<16xf32>
      %neg3A_318 = arith.subf %neg3A_317, %mul3A_290 : vector<16xf32>
      %mul3A_319 = arith.mulf %neg3A_318, %gather3A_296 : vector<16xf32>
      %mul3A_320 = arith.mulf %mul3A_291, %gather3A : vector<16xf32>
      %add3A_321 = arith.addf %mul3A_319, %mul3A_320 : vector<16xf32>
      %add3A_322 = arith.addf %add3A_315, %add3A_321 : vector<16xf32>
      %add3A_323 = arith.addf %mul3A_289, %mul3A_292 : vector<16xf32>
      %sub3A_324 = arith.subf %get3A_286, %get3A_268 : vector<16xf32>
      %add3A_325 = arith.addf %add3A_323, %sub3A_324 : vector<16xf32>
      %mul3A_326 = arith.mulf %add3A_310, %add3A_310 : vector<16xf32>
      %mul3A_327 = arith.mulf %mul3A_326, %convert_element_type3A_199 : vector<16xf32>
      %add3A_328 = arith.addf %scan3A_185, %mul3A_327 : vector<16xf32>
      %mul3A_329 = arith.mulf %add3A_322, %add3A_322 : vector<16xf32>
      %mul3A_330 = arith.mulf %mul3A_329, %convert_element_type3A_199 : vector<16xf32>
      %add3A_331 = arith.addf %scan3A_186, %mul3A_330 : vector<16xf32>
      %mul3A_332 = arith.mulf %add3A_325, %add3A_325 : vector<16xf32>
      %mul3A_333 = arith.mulf %mul3A_332, %convert_element_type3A_199 : vector<16xf32>
      %add3A_334 = arith.addf %scan3A_187, %mul3A_333 : vector<16xf32>
      scf.yield %add3A_328, %add3A_331, %add3A_334 : vector<16xf32>, vector<16xf32>, vector<16xf32>
    }
    %scan3A_145 = arith.constant 293 : i32
    %reduce_sum3A = arith.constant true
    %reduce_sum3A_146 = vector.broadcast %reduce_sum3A : i1 to vector<16xi1>
    %reduce_sum3A_147 = tpu.scan <sum>, %scan3A_144#0 masked %reduce_sum3A_146 : vector<16xf32>, vector<16xi1> -> vector<16xf32>
    %reduce_sum3A_148 = vector.extract %reduce_sum3A_147[15] : f32 from vector<16xf32>
    %reduce_sum3A_149 = arith.constant true
    %reduce_sum3A_150 = vector.broadcast %reduce_sum3A_149 : i1 to vector<16xi1>
    %reduce_sum3A_151 = tpu.scan <sum>, %scan3A_144#1 masked %reduce_sum3A_150 : vector<16xf32>, vector<16xi1> -> vector<16xf32>
    %reduce_sum3A_152 = vector.extract %reduce_sum3A_151[15] : f32 from vector<16xf32>
    %reduce_sum3A_153 = arith.constant true
    %reduce_sum3A_154 = vector.broadcast %reduce_sum3A_153 : i1 to vector<16xi1>
    %reduce_sum3A_155 = tpu.scan <sum>, %scan3A_144#2 masked %reduce_sum3A_154 : vector<16xf32>, vector<16xi1> -> vector<16xf32>
    %reduce_sum3A_156 = vector.extract %reduce_sum3A_155[15] : f32 from vector<16xf32>
    %broadcast_in_dim3A_157 = arith.constant 0.000000e+00 : f32
    %broadcast_in_dim3A_158 = vector.broadcast %broadcast_in_dim3A_157 : f32 to vector<16xf32>
    %eq3A = arith.constant 0 : i32
    %eq3A_159 = vector.broadcast %eq3A : i32 to vector<16xi32>
    %eq3A_160 = arith.cmpi eq, %iota3A, %eq3A_159 : vector<16xi32>
    %convert_element_type3A = arith.extui %eq3A_160 : vector<16xi1> to vector<16xi32>
    %convert_element_type3A_161 = arith.sitofp %convert_element_type3A : vector<16xi32> to vector<16xf32>
    %mul3A_162 = vector.broadcast %reduce_sum3A_148 : f32 to vector<16xf32>
    %mul3A_163 = arith.mulf %mul3A_162, %convert_element_type3A_161 : vector<16xf32>
    %add3A_164 = arith.addf %broadcast_in_dim3A_158, %mul3A_163 : vector<16xf32>
    %eq3A_165 = arith.constant 1 : i32
    %eq3A_166 = vector.broadcast %eq3A_165 : i32 to vector<16xi32>
    %eq3A_167 = arith.cmpi eq, %iota3A, %eq3A_166 : vector<16xi32>
    %convert_element_type3A_168 = arith.extui %eq3A_167 : vector<16xi1> to vector<16xi32>
    %convert_element_type3A_169 = arith.sitofp %convert_element_type3A_168 : vector<16xi32> to vector<16xf32>
    %mul3A_170 = vector.broadcast %reduce_sum3A_152 : f32 to vector<16xf32>
    %mul3A_171 = arith.mulf %mul3A_170, %convert_element_type3A_169 : vector<16xf32>
    %add3A_172 = arith.addf %add3A_164, %mul3A_171 : vector<16xf32>
    %eq3A_173 = arith.constant 2 : i32
    %eq3A_174 = vector.broadcast %eq3A_173 : i32 to vector<16xi32>
    %eq3A_175 = arith.cmpi eq, %iota3A, %eq3A_174 : vector<16xi32>
    %convert_element_type3A_176 = arith.extui %eq3A_175 : vector<16xi1> to vector<16xi32>
    %convert_element_type3A_177 = arith.sitofp %convert_element_type3A_176 : vector<16xi32> to vector<16xf32>
    %mul3A_178 = vector.broadcast %reduce_sum3A_156 : f32 to vector<16xf32>
    %mul3A_179 = arith.mulf %mul3A_178, %convert_element_type3A_177 : vector<16xf32>
    %add3A_180 = arith.addf %add3A_172, %mul3A_179 : vector<16xf32>
    %swap3A = arith.constant 0 : index
    %swap3A_181 = tpu.vector_load %arg21[%swap3A] {strides = array<i32>} : memref<16xf32, #tpu.memory_space<vmem>>, vector<16xf32>,
    tpu.vector_store %arg21[%swap3A], %add3A_180 {strides = array<i32>} : memref<16xf32, #tpu.memory_space<vmem>>, vector<16xf32>,
    %mul3A_182 = arith.constant 16 : i32
    %mul3A_183 = arith.muli %add3A, %mul3A_182 : i32
    "tpu.region"() ({
      %run_scoped3A = tpu.sem_alloc : memref<!tpu.dma_semaphore, #tpu.memory_space<semaphore_mem>>
      %dma_start3A_184 = tpu.memref_slice %arg7[%mul3A_183] : memref<512xf32, #tpu.memory_space<hbm>> -> memref<16xf32, #tpu.memory_space<hbm>>
      %dma_start3A_185 = tpu.memref_slice %arg7[%mul3A_183] : memref<512xf32, #tpu.memory_space<hbm>> -> memref<16xf32, #tpu.memory_space<hbm>>
      tpu.enqueue_dma source(%arg21 : memref<16xf32, #tpu.memory_space<vmem>>) target(%dma_start3A_185 : memref<16xf32, #tpu.memory_space<hbm>>) target_semaphore(%run_scoped3A : memref<!tpu.dma_semaphore, #tpu.memory_space<semaphore_mem>>)
      %dma_wait3A_186 = tpu.memref_slice %arg7[%mul3A_183] : memref<512xf32, #tpu.memory_space<hbm>> -> memref<16xf32, #tpu.memory_space<hbm>>
      %dma_wait3A_187 = tpu.memref_slice %arg7[%mul3A_183] : memref<512xf32, #tpu.memory_space<hbm>> -> memref<16xf32, #tpu.memory_space<hbm>>
      tpu.wait_dma2 semaphore(%run_scoped3A : memref<!tpu.dma_semaphore, #tpu.memory_space<semaphore_mem>>) src(%arg21 : memref<16xf32, #tpu.memory_space<vmem>>) dst(%dma_wait3A_187 : memref<16xf32, #tpu.memory_space<hbm>>)
      tpu.yield
    }) : () -> ()
    return
  }
}

</mosaic_0001>

<sc_bundles>
// kernel: kernel.4.cloned.1.call-start
scs
__scs_entry_jumppad:
0x0: {  	(pc) =	sbr.rel $0x88, $3  }
0x1: {  	(tag) =	ssettag $0x0;
	lr =	simm.s32 $0x1  }
0x2: {  	[smem:$0x3F98] =	sst lr;
	_ =	strace $0xD0000000  }
0x3: {  	_ = 	snop  }
0x4: {  	_ = 	snop  }
0x5: {  	_ = 	snop  }
0x6: {  	_ = 	snop  }
0x7: {  	_ = 	snop  }
__scs_overlays_trampoline_lowered:
0x8: {  	[smem:$0x3FA7] =	sst s0  }
0x9: {  	[smem:$0x3FA8] =	sst s1  }
0xa: {  	[smem:$0x3FA9] =	sst s2  }
0xb: {  	[smem:$0x3FAA] =	sst s3  }
0xc: {  	[smem:$0x3FAB] =	sst s4  }
0xd: {  	[smem:$0x3FAC] =	sst s5  }
0xe: {  	[smem:$0x3FAD] =	sst s6  }
0xf: {  	[smem:$0x3FAE] =	sst s7  }
0x10: {  	[smem:$0x3FAF] =	sst s8  }
0x11: {  	[smem:$0x3FB0] =	sst s9;
	s0 =	simm.s32 @!p0 $0x0  }
0x12: {  	s1 =	sld [smem:$0x3F96];
	s0 =	simm.s32 @p0 $0x1  }
0x13: {  	[smem:$0x3FB1] =	sst s0;
	s0 =	simm.s32 @!p1 $0x0  }
0x14: {  	s2 =	sld [smem:$0x3F95];
	s0 =	simm.s32 @p1 $0x1  }
0x15: {  	[smem:$0x3FB2] =	sst s0;
	s0 =	simm.s32 @!p2 $0x0  }
0x16: {  	s3 =	sld [smem:$0x3FDB];
	s0 =	simm.s32 @p2 $0x1  }
0x17: {  	s4 =	simm.s32 $0x1BF5;
	[smem:$0x3FB4] =	sst s0  }
0x18: {  	s0 =	sld [smem:$0x3F97];
	_ =	swait.ge [sflag:s4], $0x0  }
0x19: {  	s7 =	sld [smem:$0x3F98]  }
0x1a: {  	s8 =	sadd.s32 $0xFFFFE003, lr  }
0x1b: {  	s9 =	sadd.s32 $0xFFFFFEF7, lr;
	s5 =	simm.s32 $0xFFFFFFFF;
	p2 =	slt.u32 s8, $0xFFFFF086  }
0x1c: {  	p1 =	slt.u32 s9, $0xF7A;
	s5 =	simm.s32 @!p2 $0x0  }
0x1d: {  	s5 =	simm.s32 @p1 $0x1;
	p0 =	seq.s32 s7, s2  }
0x1e: {  	s7 =	smul.u32 @!p0 $0xF7A, s2;
	p2 =	seq.s32 @!p0 s5, $0x0  }
0x1f: {  	s9 =	smul.u32 $0xF7A, s1;
	s8 =	simm.s32 @!p0 $0x1BF5;
	p2 =	por !p2, p0  }
0x20: {  	[sflag:s8] =	ssyncset.s32 @!p0 $0xFFFFF086;
	s6 =	sadd.s32 @!p0 s3, s7;
	s7 =	simm.s32 @!p0 $0x108  }
0x21: {  	s3 =	sadd.s32 s3, s9;
	s6 =	sadd.s32 @!p0 $0x88, s6;
	s7 =	simm.s32 @p2 $0x1082  }
0x22: {  	[simem:s7], [sflag:s8] =	dma.local @!p0 [hbm:s6], $0xF7A  }
0x23: {  	s9 =	sor.u32 $0xD0000000, s2;
	s6 =	simm.s32 $0x108;
	_ =	swait.ge @!p0 [sflag:s8], $0x0  }
0x24: {  	s3 =	sadd.s32 $0x88, s3;
	s6 =	simm.s32 @!p1 $0x1082;
	[sflag:s4] =	ssyncset.s32 $0xFFFFF086  }
0x25: {  	[simem:s6], [sflag:s4] =	dma.local [hbm:s3], $0xF7A  }
0x26: {  	[smem:$0x3F98] =	sst s1;
	(tag) =	ssettag s2;
	_ =	strace s9  }
0x27: {  	s1 =	sld [smem:$0x3FA8]  }
0x28: {  	s2 =	sld [smem:$0x3FA9]  }
0x29: {  	s4 =	sld [smem:$0x3FAB]  }
0x2a: {  	p0 =	seq.s32 s5, $0x0;
	s5 =	sld [smem:$0x3FAC]  }
0x2b: {  	s6 =	sld [smem:$0x3FAD]  }
0x2c: {  	s7 =	sld [smem:$0x3FAE]  }
0x2d: {  	s3 =	simm.s32 $0x108;
	s8 =	sld [smem:$0x3FAF]  }
0x2e: {  	s3 =	simm.s32 @!p0 $0x1082;
	s9 =	sld [smem:$0x3FB0]  }
0x2f: {  	lr =	sadd.s32 s0, s3;
	s0 =	sld [smem:$0x3FA7]  }
0x30: {  	s3 =	sld [smem:$0x3FAA]  }
0x31: {  	[smem:$0x3FB3] =	sst s10  }
0x32: {  	s10 =	sld [smem:$0x3FB1];
	_ =	sdelay $0x3  }
0x33: {  	p0 =	seq.s32 s10, $0x1;
	s10 =	sld [smem:$0x3FB3];
	_ =	sdelay $0x3  }
0x34: {  	[smem:$0x3FB3] =	sst s10  }
0x35: {  	s10 =	sld [smem:$0x3FB2];
	_ =	sdelay $0x3  }
0x36: {  	p1 =	seq.s32 s10, $0x1;
	s10 =	sld [smem:$0x3FB3];
	_ =	sdelay $0x3  }
0x37: {  	[smem:$0x3FB3] =	sst s10  }
0x38: {  	s10 =	sld [smem:$0x3FB4]  }
0x39: {  	_ = 	snop;
	(pc) =	sbr.ind lr, $3  }
0x3a: {  	_ = 	snop  }
0x3b: {  	_ = 	snop  }
0x3c: {  	p2 =	seq.s32 s10, $0x1;
	s10 =	sld [smem:$0x3FB3]  }
0x3d: {  	_ =	shalt  }
0x3e: {  	_ =	shalt  }
0x3f: {  	_ =	shalt  }
0x40: {  	_ =	shalt  }
0x41: {  	_ =	shalt  }
0x42: {  	_ =	shalt  }
0x43: {  	_ =	shalt  }
0x44: {  	_ =	shalt  }
0x45: {  	_ =	shalt  }
0x46: {  	_ =	shalt  }
0x47: {  	_ =	shalt  }
0x48: {  	_ =	shalt  }
0x49: {  	_ =	shalt  }
0x4a: {  	_ =	shalt  }
0x4b: {  	_ =	shalt  }
0x4c: {  	_ =	shalt  }
0x4d: {  	_ =	shalt  }
0x4e: {  	_ =	shalt  }
0x4f: {  	_ =	shalt  }
0x50: {  	_ =	shalt  }
0x51: {  	_ =	shalt  }
0x52: {  	_ =	shalt  }
0x53: {  	_ =	shalt  }
0x54: {  	_ =	shalt  }
0x55: {  	_ =	shalt  }
0x56: {  	_ =	shalt  }
0x57: {  	_ =	shalt  }
0x58: {  	_ =	shalt  }
0x59: {  	_ =	shalt  }
0x5a: {  	_ =	shalt  }
0x5b: {  	_ =	shalt  }
0x5c: {  	_ =	shalt  }
0x5d: {  	_ =	shalt  }
0x5e: {  	_ =	shalt  }
0x5f: {  	_ =	shalt  }
0x60: {  	_ =	shalt  }
0x61: {  	_ =	shalt  }
0x62: {  	_ =	shalt  }
0x63: {  	_ =	shalt  }
0x64: {  	_ =	shalt  }
0x65: {  	_ =	shalt  }
0x66: {  	_ =	shalt  }
0x67: {  	_ =	shalt  }
0x68: {  	_ =	shalt  }
0x69: {  	_ =	shalt  }
0x6a: {  	_ =	shalt  }
0x6b: {  	_ =	shalt  }
0x6c: {  	_ =	shalt  }
0x6d: {  	_ =	shalt  }
0x6e: {  	_ =	shalt  }
0x6f: {  	_ =	shalt  }
0x70: {  	_ =	shalt  }
0x71: {  	_ =	shalt  }
0x72: {  	_ =	shalt  }
0x73: {  	_ =	shalt  }
0x74: {  	_ =	shalt  }
0x75: {  	_ =	shalt  }
0x76: {  	_ =	shalt  }
0x77: {  	_ =	shalt  }
0x78: {  	_ =	shalt  }
0x79: {  	_ =	shalt  }
0x7a: {  	_ =	shalt  }
0x7b: {  	_ =	shalt  }
0x7c: {  	_ =	shalt  }
0x7d: {  	_ =	shalt  }
0x7e: {  	_ =	shalt  }
0x7f: {  	_ =	shalt  }
0x80: {  	_ =	shalt  }
0x81: {  	_ =	shalt  }
0x82: {  	_ =	shalt  }
0x83: {  	_ =	shalt  }
0x84: {  	_ =	shalt  }
0x85: {  	_ =	shalt  }
0x86: {  	_ =	shalt  }
0x87: {  	_ =	shalt  }
.Lfunc_end0:
.L_simem_size_0:
called_computation_lowered:
.L_overlay_start_0:
0x88: {  	s2 =	sld [smem:$0x3FD9]  }
0x89: {  	s3 =	sld [smem:$0x3FFE];
	_ =	sdelay $0x1  }
0x8a: {  	s1 =	srdreg.scid  }
0x8b: {  	s0 =	sand.u32 $0x1, s1  }
0x8c: {  	s16 =	sshll.u32 s0, $0xA;
	s2 =	sadd.s32 s3, s2  }
0x8d: {  	s2 =	sadd.s32 s2, s16  }
0x8e: {  	[smem:$0x3FBF] =	sst s2  }
0x8f: {  	_ = 	snop  }
0x90: {  	(tm) =	ssettm $0x1  }
0x91: {  	s17 =	sld [smem:$0x3FFB];
	_ =	sdelay $0x3  }
0x92: {  	_ =	strace s17  }
0x93: {  	s2 =	sld [smem:$0x3FFC];
	_ =	sdelay $0x3  }
0x94: {  	_ =	strace s2  }
0x95: {  	s2 =	sld [smem:$0x3FFD];
	_ =	sdelay $0x3  }
0x96: {  	_ =	strace s2  }
0x97: {  	_ =	strace $0x8FFFFFFF  }
0x98: {  	s18 =	sld [smem:$0x3FDB];
	_ =	sdelay $0x1  }
0x99: {  	s19 =	simm.s32 $_scs_section_size  }
0x9a: {  	s4 =	simm.s32 $_size__tile_overlayer_lowered;
	s5 =	simm.s32 $_tile_overlayer_lowered  }
0x9b: {  	s22 =	simm.s32 $0x1BFF;
	s21 =	sshll.u32 s5, $0x1;
	s2 =	sadd.s32 s19, s18  }
0x9c: {  	s6 =	simm.s32 $0x0;
	s20 =	sshll.u32 s4, $0x1;
	s4 =	sadd.s32 s21, s2  }
0x9d: {  	[timem:s6], [sflag:s22] =	dma.local [hbm:s4], s20  }
0x9e: {  	_ =	swait.ge [sflag:s22], s20  }
0x9f: {  	s3 =	ssub.s32 $0x0, s20;
	[sflag:s22] =	ssyncset.done $0x0  }
0xa0: {  	[sflag:s22] =	ssyncadd.s32 s3;
	_ =	sdelay $0x1  }
0xa1: {  	s23 =	simm.s32 $0x1B8B  }
0xa2: {  	_ =	swait.ge [sflag:s23], $0x1  }
0xa3: {  	[sflag:s23] =	ssyncset.done $0x0  }
0xa4: {  	s25 =	simm.s32 $0x1B8E;
	s24 =	sld [smem:$0x3FFE];
	[sflag:s23] =	ssyncadd.s32 $0xFFFFFFFF  }
0xa5: {  	s26 =	simm.s32 $execute0_lowered;
	[smem:$0x3FD2] =	sst s25  }
0xa6: {  	s4 =	sshll.u32 s26, $0x1;
	_ =	strace $0x80000046;
	[dreg:$0x1] =	wrdreg $0xFFFFFFFF  }
0xa7: {  	s28 =	simm.s32 $_size_execute0_lowered;
	s2 =	sadd.s32 s2, s4;
	[dreg:$0x0] =	wrdreg $0x0  }
0xa8: {  	s4 =	sshll.u32 s28, $0x1;
	[dreg:$0x2] =	wrdreg s2  }
0xa9: {  	[dreg:$0x3] =	wrdreg s4  }
0xaa: {  	[dreg:$0x4] =	wrdreg $0xC0  }
0xab: {  	_ =	task [dreg:s6], $0x5FFFF  }
0xac: {  	[dreg:$0x1] =	wrdreg $0xFFFFFFFF  }
0xad: {  	[dreg:$0x0] =	wrdreg $0x60  }
0xae: {  	[dreg:$0x2] =	wrdreg s24  }
0xaf: {  	[dreg:$0x3] =	wrdreg $0x11D800  }
0xb0: {  	[dreg:$0x4] =	wrdreg $0x143200  }
0xb1: {  	[dreg:$0x5] =	wrdreg $0x9  }
0xb2: {  	_ =	task.clear_ibuf [dreg:s6], $0x6FFFF;
	_ =	strace $0x90000046  }
0xb3: {  	s29 =	simm.s32 $0x9;
	_ =	strace $0x80000048  }
0xb4: {  	_ =	swait.ge [sflag:s29], $0x1  }
0xb5: {  	[sflag:s29] =	ssyncadd.s32 $0xFFFFFFFF  }
0xb6: {  	_ =	strace $0x90000048  }
0xb7: {  	_ =	sfence  }
0xb8: {  	s30 =	sld [smem:$0x0];
	_ =	sdelay $0x2  }
0xb9: {  	s31 =	sshll.u32 s1, $0xD;
	s1 =	sshrl.u32 s1, $0x2  }
0xba: {  	s3 =	sand.u32 $0x4000, s31;
	s1 =	sadd.s32 s1, s30  }
0xbb: {  	s0 =	sor.u32 s3, s0;
	s1 =	sshll.u32 s1, $0x11  }
0xbc: {  	s0 =	sor.u32 s1, s0  }
0xbd: {  	s0 =	sadd.s32 $0x8F2B, s0  }
0xbe: {  	[sflag:s0] =	ssyncadd.remote.s32 $0x1  }
0xbf: {  	_ =	sfence.sel $0xFFFF  }
0xc0: {  	[dreg:$0x0] =	wrdreg $0xFFFFFFFF;
	(pc) =	sbr.abs _section_cstart, $3  }
0xc1: {  	[dreg:$0x1] =	wrdreg $0xFFFFFFFF  }
0xc2: {  	_ =	task.clear_ibuf [dreg:s6], $0x2FFFF;
	_ =	strace $0x9FFFFFFF  }
0xc3: {  	(tm) =	ssettm $0x7FFFFFFF  }
tec
execute0_lowered:
.L_overlay_start_1:
0x0: {  	(tag) =	ssettag $0x1  }
0x1: {  	s0 =	rddreg [dreg:$0x0]  }
0x2: {  	s1 =	srdreg.scid;
	s2 =	rddreg [dreg:$0x1]  }
0x3: {  	s6 =	stileid.u32;
	s3 =	rddreg [dreg:$0x2];
	s19 =	simm.s32 $0x3  }
0x4: {  	s20 =	simm.s32 $0x3100;
	s21 =	simm.s32 $0x6200;
	s22 =	simm.s32 $0xB880  }
0x5: {  	s23 =	simm.s32 $0xC40;
	s28 =	simm.s32 $0xAC00;
	s30 =	simm.s32 $0xDE80  }
0x6: {  	s31 =	simm.s32 $0x10C80;
	s1 =	sand.u32 $0x1, s1;
	s4 =	sshll.u32 s6, $0x1  }
0x7: {  	s10 =	smul.u32 $0x25A0, s6;
	s6 =	sadd.s32 $0x5A400, s0;
	s7 =	sadd.s32 $0x1400, s0  }
0x8: {  	s8 =	sadd.s32 $0x4600, s0;
	s9 =	sor.u32 s1, s4;
	s12 =	smul.u32 $0x25A00, s1  }
0x9: {  	s4 =	simm.s32 $0x0;
	s1 =	ssub.s32 $0x2, s1;
	s5 =	smul.u32 $0x620, s9  }
0xa: {  	[smem:$0x7FF] =	sst s4;
	s13 =	sshll.u32 s9, $0x1;
	s14 =	sshrl.u32 s1, $0x1  }
0xb: {  	s9 =	smul.u32 $0xC40, s9;
	_ =	strace $0x80000047;
	s12 =	sadd.s32 s10, s12  }
0xc: {  	s1 =	ssub.s32 s1, s14;
	s14 =	sadd.s32 s10, s3;
	s11 =	sadd.s32 s5, s0  }
0xd: {  	s5 =	sadd.s32 $0x7800, s0;
	s12 =	sshrl.u32 s12, $0x3;
	s24 =	sadd.s32 $0x35800, s11  }
0xe: {  	s18 =	smax.u32 s1, $0x1;
	s25 =	sadd.s32 $0x41C00, s11;
	[dreg:$0x4] =	wrdreg s24  }
0xf: {  	v1 =	vimm.s32 $0xFFFFFFFF;
	v2 =	vlaneseq.u32;
	s12 =	sadd.s32 s12, s0;
	s11 =	sadd.s32 $0x4E000, s11;
	[dreg:$0x5] =	wrdreg s25  }
0x10: {  	vm0 =	vmxor vm0, vm0;
	v3 =	vimm.s32 $0x0;
	vm1 =	vcmask $0x300;
	s0 =	sadd.s32 s13, s0;
	s13 =	sadd.s32 s10, s2;
	[dreg:$0x6] =	wrdreg s11  }
0x11: {  	v4 =	vimm.f32 $0.0e+00;
	vm2 =	vcmask $0x704;
	vm3 =	vcmask $0xB08;
	s26 =	sadd.s32 $0x63A00, s12;
	s29 =	sadd.s32 $0x6D200, s12;
	s17 =	sadd.s32 $0x63800, s0  }
0x12: {  	vm4 =	vcmask $0xF0C;
	vm5 =	vcmask $0x1310;
	vm6 =	vcmask $0x1714;
	s24 =	simm.s32 $0x1;
	s25 =	simm.s32 $0x2;
	[dreg:$0x7] =	wrdreg s26  }
0x13: {  	vm7 =	vcmask $0x1B18;
	vm8 =	vcmask $0x1F1C;
	v0 =	vmov s9;
	s0 =	simm.s32 $0x0;
	[dreg:$0x8] =	wrdreg s29;
	s26 =	simm.s32 $0x0  }
.LBB2_1:
0x14: {  	s1 =	rddreg [dreg:$0x4]  }
0x15: {  	[tilespmem:s4], [sflag:$0x3] =	stream.linear.gather [hbm4b:s1+s4], $0x3100, $0x38;
	[tilespmem:$0x168C0] =	vst v63  }
0x16: {  	_ =	swait.ge [sflag:s19], $0x3100  }
0x17: {  	[sflag:s19] =	ssyncset.done $0x0  }
0x18: {  	s16 =	rddreg [dreg:$0x5];
	[sflag:s19] =	ssyncadd.s32 $0xFFFFCF00  }
0x19: {  	[tilespmem:s20], [sflag:$0x3] =	stream.linear.gather [hbm4b:s16+s4], $0x3100, $0x38;
	[tilespmem:$0x168C0] =	vst v63  }
0x1a: {  	_ =	swait.ge [sflag:s19], $0x3100  }
0x1b: {  	[sflag:s19] =	ssyncset.done $0x0  }
0x1c: {  	s29 =	rddreg [dreg:$0x6];
	[sflag:s19] =	ssyncadd.s32 $0xFFFFCF00  }
0x1d: {  	[tilespmem:s21], [sflag:$0x3] =	stream.linear.gather [hbm4b:s29+s4], $0x3100, $0x38;
	[tilespmem:$0x168C0] =	vst v63  }
0x1e: {  	_ =	swait.ge [sflag:s19], $0x3100  }
0x1f: {  	[sflag:s19] =	ssyncset.done $0x0  }
0x20: {  	s10 =	simm.s32 $0x0;
	s1 =	simm.s32 $0x40;
	[sflag:s19] =	ssyncadd.s32 $0xFFFFCF00  }
.LBB2_2:
0x21: {  	p0 =	sne.s32 s1, $0x9640;
	[tilespmem:s10+$0xB880] =	vst v1;
	s10 =	smov.u32 s1;
	s1 =	sadd.s32 $0x40, s1  }
.Ltmp0:
0x22: {  	(pc) =	sbr.rel @p0 .LBB2_2-.Ltmp0, $2  }
0x23: {  	_ =	sdelay $0x2  }
0x24: {  	s10 =	sshra.s32 s10, $0x2  }
0x25: {  	[tilespmem:s10+$0xB880] =	vst v1  }
0x26: {  	[spmem:s13] =	stream.linear.scatter [tilespmem:s22], [sflag:$0x3], $0x25A0, $0x38;
	[tilespmem:$0x168C0] =	vst v63  }
0x27: {  	_ =	swait.ge [sflag:s19], $0x25A0  }
0x28: {  	s1 =	simm.s32 $0x0;
	[sflag:s19] =	ssyncset.done $0x0  }
0x29: {  	v5 =	vor.u32 s1, v2;
	[sflag:s19] =	ssyncadd.s32 $0xFFFFDA60  }
0x2a: {  	v6 =	vshll.u32 v5, $0x2;
	[spmem:s14] =	stream.linear.scatter [tilespmem:s22], [sflag:$0x3], $0x25A0, $0x38;
	[tilespmem:$0x168C0] =	vst v63  }
0x2b: {  	_ =	swait.ge [sflag:s19], $0x25A0  }
0x2c: {  	[sflag:s19] =	ssyncset.done $0x0  }
0x2d: {  	[sflag:s19] =	ssyncadd.s32 $0xFFFFDA60  }
0x2e: {  	[bflag:$0x0] =	sbarrier.arrive $0xFFFF  }
0x2f: {  	v7 =	vld.idx.msk [tilespmem:v6+s21+$0x0], $0xffff  }
0x30: {  	v8 =	vld.idx.msk [tilespmem:v6+s20+$0x0], $0xffff;
	_ =	sdelay $0x1  }
0x31: {  	s12 =	simm.s32 $0x10;
	v6 =	vld.idx.msk [tilespmem:v6+s4+$0x0], $0xffff  }
0x32: {  	v9 =	vor.u32 s12, v2  }
0x33: {  	v10 =	vshll.u32 v9, $0x2;
	v5 =	vadd.s32 v0, v5  }
0x34: {  	vm9 =	vgt.f32 v7, $5.000000000e-01;
	v7 =	vand.u32 $0xFFF, v5;
	vm10 =	veq.s32 v8, $0x1  }
0x35: {  	vm11 =	veq.s32 v8, $0x0;
	v7 =	vadd.s32 $0x249F0, v7;
	vm10 =	vmand vm10, vm9  }
0x36: {  	s15 =	simm.s32 $0x9300;
	vm9 =	vmand vm11, vm9;
	v8 =	vsel vm10, v6, v7  }
0x37: {  	s16 =	simm.s32 $0x9F80;
	v6 =	vsel vm9, v6, v7;
	[tilespmem:s15+$0x0] =	vst v8  }
0x38: {  	s1 =	simm.s32 $0xAC00;
	[tilespmem:s16+$0x0] =	vst v6  }
0x39: {  	[tilespmem:s1+$0x0] =	vst v5  }
0x3a: {  	v5 =	vld.idx.msk [tilespmem:v10+s21+$0x0], $0xffff  }
0x3b: {  	v7 =	vld.idx.msk [tilespmem:v10+s20+$0x0], $0xffff;
	_ =	sdelay $0x1  }
0x3c: {  	v8 =	vld.idx.msk [tilespmem:v10+s4+$0x0], $0xffff  }
0x3d: {  	v6 =	vadd.s32 v0, v9  }
0x3e: {  	s29 =	simm.s32 $0x20;
	vm9 =	vgt.f32 v5, $5.000000000e-01;
	v5 =	vand.u32 $0xFFF, v6  }
0x3f: {  	vm10 =	veq.s32 v7, $0x1;
	v9 =	vadd.s32 $0x249F0, v5;
	v5 =	vor.u32 s29, v2  }
0x40: {  	vm11 =	veq.s32 v7, $0x0;
	vm10 =	vmand vm10, vm9;
	v7 =	vshll.u32 v5, $0x2  }
0x41: {  	s10 =	simm.s32 $0x9310;
	vm9 =	vmand vm11, vm9;
	v10 =	vsel vm10, v8, v9  }
0x42: {  	s11 =	simm.s32 $0x9F90;
	s12 =	simm.s32 $0x30;
	v8 =	vsel vm9, v8, v9;
	[tilespmem:s10+$0x0] =	vst v10  }
.LBB2_4:
0x43: {  	p0 =	sne.s32 s12, $0xC30;
	[tilespmem:s11+$0x0] =	vst v8;
	s1 =	sadd.s32 $0x10, s1  }
0x44: {  	[tilespmem:s1+$0x0] =	vst v6  }
0x45: {  	v8 =	vld.idx.msk [tilespmem:v7+s21+$0x0], $0xffff  }
0x46: {  	v9 =	vld.idx.msk [tilespmem:v7+s20+$0x0], $0xffff  }
0x47: {  	v10 =	vld.idx.msk [tilespmem:v7+s4+$0x0], $0xffff;
	_ =	sdelay $0x2  }
0x48: {  	v11 =	vor.u32 s12, v2  }
.Ltmp1:
0x49: {  	v6 =	vadd.s32 v0, v5;
	v5 =	vmov v11;
	v7 =	vshll.u32 v11, $0x2;
	(pc) =	sbr.rel @p0 .LBB2_4-.Ltmp1, $4  }
0x4a: {  	vm9 =	vgt.f32 v8, $5.000000000e-01;
	v8 =	vand.u32 $0xFFF, v6;
	vm10 =	veq.s32 v9, $0x1  }
0x4b: {  	v8 =	vadd.s32 $0x249F0, v8;
	vm11 =	veq.s32 v9, $0x0;
	vm10 =	vmand vm10, vm9  }
0x4c: {  	s10 =	sadd.s32 $0x10, s10;
	vm9 =	vmand vm11, vm9;
	v9 =	vsel vm10, v10, v8  }
0x4d: {  	s12 =	sadd.s32 $0x10, s12;
	s11 =	sadd.s32 $0x10, s11;
	v8 =	vsel vm9, v10, v8;
	[tilespmem:s10+$0x0] =	vst v9  }
0x4e: {  	_ =	sdelay $0x1  }
0x4f: {  	[tilespmem:s11+$0x0] =	vst v8;
	s1 =	sadd.s32 $0x10, s1  }
0x50: {  	[tilespmem:s1+$0x0] =	vst v6  }
0x51: {  	v6 =	vld.idx.msk [tilespmem:v7+s21+$0x0], $0xffff  }
0x52: {  	v8 =	vld.idx.msk [tilespmem:v7+s20+$0x0], $0xffff;
	_ =	sdelay $0x1  }
0x53: {  	v7 =	vld.idx.msk [tilespmem:v7+s4+$0x0], $0xffff;
	_ =	sdelay $0x1  }
0x54: {  	v5 =	vadd.s32 v0, v5  }
0x55: {  	vm9 =	vgt.f32 v6, $5.000000000e-01;
	v6 =	vand.u32 $0xFFF, v5;
	vm10 =	veq.s32 v8, $0x1  }
0x56: {  	vm11 =	veq.s32 v8, $0x0;
	v6 =	vadd.s32 $0x249F0, v6;
	vm10 =	vmand vm10, vm9  }
0x57: {  	s10 =	sadd.s32 $0x10, s10;
	vm9 =	vmand vm11, vm9;
	v8 =	vsel vm10, v7, v6  }
0x58: {  	s12 =	sadd.s32 $0x10, s11;
	v6 =	vsel vm9, v7, v6;
	[tilespmem:s10+$0x0] =	vst v8  }
0x59: {  	s1 =	sadd.s32 $0x10, s1;
	[tilespmem:s12+$0x0] =	vst v6  }
0x5a: {  	s15 =	simm.s32 $0x9300;
	[tilespmem:s1+$0x0] =	vst v5;
	s1 =	simm.s32 $0xAC00  }
0x5b: {  	[spmem:s2] =	stream.indirect.scatter [tilespmem:s1], [sflag:$0x1], $0x1, s15, s23, $0xb8;
	[tilespmem:$0x168C0] =	vst v63  }
0x5c: {  	s10 =	simm.s32 $0x9F80;
	s12 =	simm.s32 $0x0  }
0x5d: {  	[spmem:s3] =	stream.indirect.scatter [tilespmem:s1], [sflag:$0x2], $0x1, s10, s23, $0xb8;
	[tilespmem:$0x168C0] =	vst v63  }
0x5e: {  	v5 =	vor.u32 s12, v2;
	_ =	swait.ge [sflag:s24], $0xC40  }
0x5f: {  	v6 =	vshll.u32 v5, $0x2;
	[sflag:s24] =	ssyncset.done $0x0  }
0x60: {  	v6 =	vor.u32 $0x1, v6;
	[sflag:s24] =	ssyncadd.s32 $0xFFFFF3C0  }
0x61: {  	_ =	swait.ge [sflag:s25], $0xC40  }
0x62: {  	[sflag:s25] =	ssyncset.done $0x0  }
0x63: {  	[sflag:s25] =	ssyncadd.s32 $0xFFFFF3C0  }
0x64: {  	[bflag:$0x0] =	sbarrier.arrive $0xFFFF  }
0x65: {  	v7 =	vld.idx.msk [tilespmem:v6+s21+$0x0], $0xffff  }
0x66: {  	v8 =	vld.idx.msk [tilespmem:v6+s20+$0x0], $0xffff  }
0x67: {  	s16 =	simm.s32 $0x10  }
0x68: {  	v9 =	vor.u32 s16, v2;
	v6 =	vld.idx.msk [tilespmem:v6+s4+$0x0], $0xffff  }
0x69: {  	v10 =	vshll.u32 v9, $0x2  }
0x6a: {  	v10 =	vor.u32 $0x1, v10;
	v5 =	vadd.s32 v0, v5  }
0x6b: {  	v11 =	vand.u32 $0xFFF, v5;
	vm9 =	vgt.f32 v7, $5.000000000e-01;
	vm10 =	veq.s32 v8, $0x1  }
0x6c: {  	v7 =	vadd.s32 $0x249F0, v11;
	vm11 =	veq.s32 v8, $0x0;
	vm10 =	vmand vm10, vm9  }
0x6d: {  	vm9 =	vmand vm11, vm9;
	v8 =	vsel vm10, v6, v7  }
0x6e: {  	v6 =	vsel vm9, v6, v7;
	[tilespmem:s15+$0x0] =	vst v8  }
0x6f: {  	v5 =	vor.u32 $0x20000, v5;
	[tilespmem:s10+$0x0] =	vst v6  }
0x70: {  	[tilespmem:s1+$0x0] =	vst v5  }
0x71: {  	v6 =	vld.idx.msk [tilespmem:v10+s21+$0x0], $0xffff  }
0x72: {  	v11 =	vld.idx.msk [tilespmem:v10+s20+$0x0], $0xffff;
	_ =	sdelay $0x1  }
0x73: {  	v7 =	vadd.s32 v0, v9;
	v8 =	vld.idx.msk [tilespmem:v10+s4+$0x0], $0xffff  }
0x74: {  	s29 =	simm.s32 $0x20;
	v9 =	vand.u32 $0xFFF, v7  }
0x75: {  	v9 =	vadd.s32 $0x249F0, v9;
	v5 =	vor.u32 s29, v2  }
0x76: {  	v10 =	vshll.u32 v5, $0x2;
	vm9 =	vgt.f32 v6, $5.000000000e-01;
	vm10 =	veq.s32 v11, $0x1  }
0x77: {  	vm11 =	veq.s32 v11, $0x0;
	v6 =	vor.u32 $0x1, v10;
	vm10 =	vmand vm10, vm9  }
0x78: {  	s11 =	simm.s32 $0x9310;
	s12 =	simm.s32 $0x30;
	vm9 =	vmand vm11, vm9;
	v10 =	vsel vm10, v8, v9  }
.LBB2_6:
0x79: {  	p0 =	sne.s32 s12, $0xC30;
	v8 =	vsel vm9, v8, v9;
	[tilespmem:s11+$0x0] =	vst v10;
	s10 =	sadd.s32 $0x10, s10  }
0x7a: {  	v7 =	vor.u32 $0x20000, v7;
	s1 =	sadd.s32 $0x10, s1;
	[tilespmem:s10+$0x0] =	vst v8  }
0x7b: {  	[tilespmem:s1+$0x0] =	vst v7  }
0x7c: {  	v9 =	vld.idx.msk [tilespmem:v6+s21+$0x0], $0xffff  }
0x7d: {  	v10 =	vld.idx.msk [tilespmem:v6+s20+$0x0], $0xffff  }
0x7e: {  	v8 =	vld.idx.msk [tilespmem:v6+s4+$0x0], $0xffff;
	_ =	sdelay $0x2  }
.Ltmp2:
0x7f: {  	v7 =	vadd.s32 v0, v5;
	v5 =	vor.u32 s12, v2;
	(pc) =	sbr.rel @p0 .LBB2_6-.Ltmp2, $4  }
0x80: {  	v11 =	vand.u32 $0xFFF, v7;
	v6 =	vshll.u32 v5, $0x2  }
0x81: {  	v6 =	vor.u32 $0x1, v6;
	vm9 =	vgt.f32 v9, $5.000000000e-01;
	vm10 =	veq.s32 v10, $0x1  }
0x82: {  	v9 =	vadd.s32 $0x249F0, v11;
	vm11 =	veq.s32 v10, $0x0;
	vm10 =	vmand vm10, vm9  }
0x83: {  	s11 =	sadd.s32 $0x10, s11;
	s12 =	sadd.s32 $0x10, s12;
	vm9 =	vmand vm11, vm9;
	v10 =	vsel vm10, v8, v9  }
0x84: {  	_ = 	snop  }
0x85: {  	v8 =	vsel vm9, v8, v9;
	[tilespmem:s11+$0x0] =	vst v10;
	s10 =	sadd.s32 $0x10, s10  }
0x86: {  	v7 =	vor.u32 $0x20000, v7;
	s1 =	sadd.s32 $0x10, s1;
	[tilespmem:s10+$0x0] =	vst v8  }
0x87: {  	[tilespmem:s1+$0x0] =	vst v7  }
0x88: {  	v7 =	vld.idx.msk [tilespmem:v6+s21+$0x0], $0xffff  }
0x89: {  	v8 =	vld.idx.msk [tilespmem:v6+s20+$0x0], $0xffff;
	_ =	sdelay $0x1  }
0x8a: {  	v6 =	vld.idx.msk [tilespmem:v6+s4+$0x0], $0xffff;
	_ =	sdelay $0x1  }
0x8b: {  	v5 =	vadd.s32 v0, v5  }
0x8c: {  	v9 =	vand.u32 $0xFFF, v5;
	vm9 =	vgt.f32 v7, $5.000000000e-01;
	vm10 =	veq.s32 v8, $0x1  }
0x8d: {  	v7 =	vadd.s32 $0x249F0, v9;
	vm11 =	veq.s32 v8, $0x0;
	vm10 =	vmand vm10, vm9  }
0x8e: {  	s12 =	sadd.s32 $0x10, s11;
	vm9 =	vmand vm11, vm9;
	v8 =	vsel vm10, v6, v7  }
0x8f: {  	s10 =	sadd.s32 $0x10, s10;
	v6 =	vsel vm9, v6, v7;
	[tilespmem:s12+$0x0] =	vst v8  }
0x90: {  	v5 =	vor.u32 $0x20000, v5;
	s1 =	sadd.s32 $0x10, s1;
	[tilespmem:s10+$0x0] =	vst v6  }
0x91: {  	s15 =	simm.s32 $0x9300;
	[tilespmem:s1+$0x0] =	vst v5;
	s1 =	simm.s32 $0xAC00  }
0x92: {  	[spmem:s2] =	stream.indirect.scatter [tilespmem:s1], [sflag:$0x1], $0x1, s15, s23, $0xb8;
	[tilespmem:$0x168C0] =	vst v63  }
0x93: {  	s12 =	simm.s32 $0x0;
	s10 =	simm.s32 $0x9F80  }
0x94: {  	[spmem:s3] =	stream.indirect.scatter [tilespmem:s1], [sflag:$0x2], $0x1, s10, s23, $0xb8;
	[tilespmem:$0x168C0] =	vst v63  }
0x95: {  	v5 =	vor.u32 s12, v2;
	_ =	swait.ge [sflag:s24], $0xC40  }
0x96: {  	v6 =	vshll.u32 v5, $0x2;
	[sflag:s24] =	ssyncset.done $0x0  }
0x97: {  	v6 =	vor.u32 $0x2, v6;
	[sflag:s24] =	ssyncadd.s32 $0xFFFFF3C0  }
0x98: {  	_ =	swait.ge [sflag:s25], $0xC40  }
0x99: {  	[sflag:s25] =	ssyncset.done $0x0  }
0x9a: {  	[sflag:s25] =	ssyncadd.s32 $0xFFFFF3C0  }
0x9b: {  	[bflag:$0x0] =	sbarrier.arrive $0xFFFF  }
0x9c: {  	v7 =	vld.idx.msk [tilespmem:v6+s21+$0x0], $0xffff  }
0x9d: {  	v8 =	vld.idx.msk [tilespmem:v6+s20+$0x0], $0xffff  }
0x9e: {  	s16 =	simm.s32 $0x10  }
0x9f: {  	v9 =	vor.u32 s16, v2;
	v6 =	vld.idx.msk [tilespmem:v6+s4+$0x0], $0xffff  }
0xa0: {  	v10 =	vshll.u32 v9, $0x2  }
0xa1: {  	v10 =	vor.u32 $0x2, v10;
	v5 =	vadd.s32 v0, v5  }
0xa2: {  	v11 =	vand.u32 $0xFFF, v5;
	vm9 =	vgt.f32 v7, $5.000000000e-01;
	vm10 =	veq.s32 v8, $0x1  }
0xa3: {  	v7 =	vadd.s32 $0x249F0, v11;
	vm11 =	veq.s32 v8, $0x0;
	vm10 =	vmand vm10, vm9  }
0xa4: {  	vm9 =	vmand vm11, vm9;
	v8 =	vsel vm10, v6, v7  }
0xa5: {  	v6 =	vsel vm9, v6, v7;
	[tilespmem:s15+$0x0] =	vst v8  }
0xa6: {  	v5 =	vor.u32 $0x40000, v5;
	[tilespmem:s10+$0x0] =	vst v6  }
0xa7: {  	[tilespmem:s1+$0x0] =	vst v5  }
0xa8: {  	v6 =	vld.idx.msk [tilespmem:v10+s21+$0x0], $0xffff  }
0xa9: {  	v11 =	vld.idx.msk [tilespmem:v10+s20+$0x0], $0xffff;
	_ =	sdelay $0x1  }
0xaa: {  	v7 =	vadd.s32 v0, v9;
	v8 =	vld.idx.msk [tilespmem:v10+s4+$0x0], $0xffff  }
0xab: {  	s29 =	simm.s32 $0x20;
	v9 =	vand.u32 $0xFFF, v7  }
0xac: {  	v9 =	vadd.s32 $0x249F0, v9;
	v5 =	vor.u32 s29, v2  }
0xad: {  	v10 =	vshll.u32 v5, $0x2;
	vm9 =	vgt.f32 v6, $5.000000000e-01;
	vm10 =	veq.s32 v11, $0x1  }
0xae: {  	vm11 =	veq.s32 v11, $0x0;
	v6 =	vor.u32 $0x2, v10;
	vm10 =	vmand vm10, vm9  }
0xaf: {  	s11 =	simm.s32 $0x9310;
	s12 =	simm.s32 $0x30;
	vm9 =	vmand vm11, vm9;
	v10 =	vsel vm10, v8, v9  }
.LBB2_8:
0xb0: {  	p0 =	sne.s32 s12, $0xC30;
	v8 =	vsel vm9, v8, v9;
	[tilespmem:s11+$0x0] =	vst v10;
	s10 =	sadd.s32 $0x10, s10  }
0xb1: {  	v7 =	vor.u32 $0x40000, v7;
	s1 =	sadd.s32 $0x10, s1;
	[tilespmem:s10+$0x0] =	vst v8  }
0xb2: {  	[tilespmem:s1+$0x0] =	vst v7  }
0xb3: {  	v9 =	vld.idx.msk [tilespmem:v6+s21+$0x0], $0xffff  }
0xb4: {  	v10 =	vld.idx.msk [tilespmem:v6+s20+$0x0], $0xffff  }
0xb5: {  	v8 =	vld.idx.msk [tilespmem:v6+s4+$0x0], $0xffff;
	_ =	sdelay $0x2  }
.Ltmp3:
0xb6: {  	v7 =	vadd.s32 v0, v5;
	v5 =	vor.u32 s12, v2;
	(pc) =	sbr.rel @p0 .LBB2_8-.Ltmp3, $4  }
0xb7: {  	v11 =	vand.u32 $0xFFF, v7;
	v6 =	vshll.u32 v5, $0x2  }
0xb8: {  	v6 =	vor.u32 $0x2, v6;
	vm9 =	vgt.f32 v9, $5.000000000e-01;
	vm10 =	veq.s32 v10, $0x1  }
0xb9: {  	v9 =	vadd.s32 $0x249F0, v11;
	vm11 =	veq.s32 v10, $0x0;
	vm10 =	vmand vm10, vm9  }
0xba: {  	s11 =	sadd.s32 $0x10, s11;
	s12 =	sadd.s32 $0x10, s12;
	vm9 =	vmand vm11, vm9;
	v10 =	vsel vm10, v8, v9  }
0xbb: {  	_ = 	snop  }
0xbc: {  	v8 =	vsel vm9, v8, v9;
	[tilespmem:s11+$0x0] =	vst v10;
	s10 =	sadd.s32 $0x10, s10  }
0xbd: {  	v7 =	vor.u32 $0x40000, v7;
	s1 =	sadd.s32 $0x10, s1;
	[tilespmem:s10+$0x0] =	vst v8  }
0xbe: {  	[tilespmem:s1+$0x0] =	vst v7  }
0xbf: {  	v7 =	vld.idx.msk [tilespmem:v6+s21+$0x0], $0xffff  }
0xc0: {  	v8 =	vld.idx.msk [tilespmem:v6+s20+$0x0], $0xffff;
	_ =	sdelay $0x1  }
0xc1: {  	v6 =	vld.idx.msk [tilespmem:v6+s4+$0x0], $0xffff;
	_ =	sdelay $0x1  }
0xc2: {  	v5 =	vadd.s32 v0, v5  }
0xc3: {  	v9 =	vand.u32 $0xFFF, v5;
	vm9 =	vgt.f32 v7, $5.000000000e-01;
	vm10 =	veq.s32 v8, $0x1  }
0xc4: {  	v7 =	vadd.s32 $0x249F0, v9;
	vm11 =	veq.s32 v8, $0x0;
	vm10 =	vmand vm10, vm9  }
0xc5: {  	s12 =	sadd.s32 $0x10, s11;
	vm9 =	vmand vm11, vm9;
	v8 =	vsel vm10, v6, v7  }
0xc6: {  	s10 =	sadd.s32 $0x10, s10;
	v6 =	vsel vm9, v6, v7;
	[tilespmem:s12+$0x0] =	vst v8  }
0xc7: {  	v5 =	vor.u32 $0x40000, v5;
	s1 =	sadd.s32 $0x10, s1;
	[tilespmem:s10+$0x0] =	vst v6  }
0xc8: {  	s15 =	simm.s32 $0x9300;
	[tilespmem:s1+$0x0] =	vst v5;
	s1 =	simm.s32 $0xAC00  }
0xc9: {  	[spmem:s2] =	stream.indirect.scatter [tilespmem:s1], [sflag:$0x1], $0x1, s15, s23, $0xb8;
	[tilespmem:$0x168C0] =	vst v63  }
0xca: {  	s12 =	simm.s32 $0x0;
	s10 =	simm.s32 $0x9F80  }
0xcb: {  	[spmem:s3] =	stream.indirect.scatter [tilespmem:s1], [sflag:$0x2], $0x1, s10, s23, $0xb8;
	[tilespmem:$0x168C0] =	vst v63  }
0xcc: {  	v5 =	vor.u32 s12, v2;
	_ =	swait.ge [sflag:s24], $0xC40  }
0xcd: {  	v6 =	vshll.u32 v5, $0x2;
	[sflag:s24] =	ssyncset.done $0x0  }
0xce: {  	v6 =	vor.u32 $0x3, v6;
	[sflag:s24] =	ssyncadd.s32 $0xFFFFF3C0  }
0xcf: {  	_ =	swait.ge [sflag:s25], $0xC40  }
0xd0: {  	[sflag:s25] =	ssyncset.done $0x0  }
0xd1: {  	[sflag:s25] =	ssyncadd.s32 $0xFFFFF3C0  }
0xd2: {  	[bflag:$0x0] =	sbarrier.arrive $0xFFFF  }
0xd3: {  	v7 =	vld.idx.msk [tilespmem:v6+s21+$0x0], $0xffff  }
0xd4: {  	v8 =	vld.idx.msk [tilespmem:v6+s20+$0x0], $0xffff  }
0xd5: {  	s16 =	simm.s32 $0x10  }
0xd6: {  	v9 =	vor.u32 s16, v2;
	v6 =	vld.idx.msk [tilespmem:v6+s4+$0x0], $0xffff  }
0xd7: {  	v10 =	vshll.u32 v9, $0x2  }
0xd8: {  	v10 =	vor.u32 $0x3, v10;
	v5 =	vadd.s32 v0, v5  }
0xd9: {  	v11 =	vand.u32 $0xFFF, v5;
	vm9 =	vgt.f32 v7, $5.000000000e-01;
	vm10 =	veq.s32 v8, $0x1  }
0xda: {  	v7 =	vadd.s32 $0x249F0, v11;
	vm11 =	veq.s32 v8, $0x0;
	vm10 =	vmand vm10, vm9  }
0xdb: {  	vm9 =	vmand vm11, vm9;
	v8 =	vsel vm10, v6, v7  }
0xdc: {  	v6 =	vsel vm9, v6, v7;
	[tilespmem:s15+$0x0] =	vst v8  }
0xdd: {  	v5 =	vor.u32 $0x60000, v5;
	[tilespmem:s10+$0x0] =	vst v6  }
0xde: {  	[tilespmem:s1+$0x0] =	vst v5  }
0xdf: {  	v6 =	vld.idx.msk [tilespmem:v10+s21+$0x0], $0xffff  }
0xe0: {  	v11 =	vld.idx.msk [tilespmem:v10+s20+$0x0], $0xffff;
	_ =	sdelay $0x1  }
0xe1: {  	v7 =	vadd.s32 v0, v9;
	v8 =	vld.idx.msk [tilespmem:v10+s4+$0x0], $0xffff  }
0xe2: {  	s29 =	simm.s32 $0x20;
	v9 =	vand.u32 $0xFFF, v7  }
0xe3: {  	v9 =	vadd.s32 $0x249F0, v9;
	v5 =	vor.u32 s29, v2  }
0xe4: {  	v10 =	vshll.u32 v5, $0x2;
	vm9 =	vgt.f32 v6, $5.000000000e-01;
	vm10 =	veq.s32 v11, $0x1  }
0xe5: {  	vm11 =	veq.s32 v11, $0x0;
	v6 =	vor.u32 $0x3, v10;
	vm10 =	vmand vm10, vm9  }
0xe6: {  	s11 =	simm.s32 $0x9310;
	s12 =	simm.s32 $0x30;
	vm9 =	vmand vm11, vm9;
	v10 =	vsel vm10, v8, v9  }
.LBB2_10:
0xe7: {  	p0 =	sne.s32 s12, $0xC30;
	v8 =	vsel vm9, v8, v9;
	[tilespmem:s11+$0x0] =	vst v10;
	s10 =	sadd.s32 $0x10, s10  }
0xe8: {  	v7 =	vor.u32 $0x60000, v7;
	s1 =	sadd.s32 $0x10, s1;
	[tilespmem:s10+$0x0] =	vst v8  }
0xe9: {  	[tilespmem:s1+$0x0] =	vst v7  }
0xea: {  	v9 =	vld.idx.msk [tilespmem:v6+s21+$0x0], $0xffff  }
0xeb: {  	v10 =	vld.idx.msk [tilespmem:v6+s20+$0x0], $0xffff  }
0xec: {  	v8 =	vld.idx.msk [tilespmem:v6+s4+$0x0], $0xffff;
	_ =	sdelay $0x2  }
.Ltmp4:
0xed: {  	v7 =	vadd.s32 v0, v5;
	v5 =	vor.u32 s12, v2;
	(pc) =	sbr.rel @p0 .LBB2_10-.Ltmp4, $4  }
0xee: {  	v11 =	vand.u32 $0xFFF, v7;
	v6 =	vshll.u32 v5, $0x2  }
0xef: {  	v6 =	vor.u32 $0x3, v6;
	vm9 =	vgt.f32 v9, $5.000000000e-01;
	vm10 =	veq.s32 v10, $0x1  }
0xf0: {  	v9 =	vadd.s32 $0x249F0, v11;
	vm11 =	veq.s32 v10, $0x0;
	vm10 =	vmand vm10, vm9  }
0xf1: {  	s11 =	sadd.s32 $0x10, s11;
	s12 =	sadd.s32 $0x10, s12;
	vm9 =	vmand vm11, vm9;
	v10 =	vsel vm10, v8, v9  }
0xf2: {  	_ = 	snop  }
0xf3: {  	v8 =	vsel vm9, v8, v9;
	[tilespmem:s11+$0x0] =	vst v10;
	s10 =	sadd.s32 $0x10, s10  }
0xf4: {  	v7 =	vor.u32 $0x60000, v7;
	s1 =	sadd.s32 $0x10, s1;
	[tilespmem:s10+$0x0] =	vst v8  }
0xf5: {  	[tilespmem:s1+$0x0] =	vst v7  }
0xf6: {  	v7 =	vld.idx.msk [tilespmem:v6+s21+$0x0], $0xffff  }
0xf7: {  	v8 =	vld.idx.msk [tilespmem:v6+s20+$0x0], $0xffff;
	_ =	sdelay $0x1  }
0xf8: {  	v6 =	vld.idx.msk [tilespmem:v6+s4+$0x0], $0xffff;
	_ =	sdelay $0x1  }
0xf9: {  	v5 =	vadd.s32 v0, v5  }
0xfa: {  	v9 =	vand.u32 $0xFFF, v5;
	vm9 =	vgt.f32 v7, $5.000000000e-01;
	vm10 =	veq.s32 v8, $0x1  }
0xfb: {  	v7 =	vadd.s32 $0x249F0, v9;
	vm11 =	veq.s32 v8, $0x0;
	vm10 =	vmand vm10, vm9  }
0xfc: {  	s16 =	sadd.s32 $0x10, s11;
	vm9 =	vmand vm11, vm9;
	v8 =	vsel vm10, v6, v7  }
0xfd: {  	s10 =	sadd.s32 $0x10, s10;
	v6 =	vsel vm9, v6, v7;
	[tilespmem:s16+$0x0] =	vst v8  }
0xfe: {  	v5 =	vor.u32 $0x60000, v5;
	s1 =	sadd.s32 $0x10, s1;
	[tilespmem:s10+$0x0] =	vst v6  }
0xff: {  	s11 =	simm.s32 $0x9300;
	[tilespmem:s1+$0x0] =	vst v5  }
0x100: {  	[spmem:s2] =	stream.indirect.scatter [tilespmem:s28], [sflag:$0x1], $0x1, s11, s23, $0xb8;
	[tilespmem:$0x168C0] =	vst v63  }
0x101: {  	s12 =	simm.s32 $0x9F80  }
0x102: {  	[spmem:s3] =	stream.indirect.scatter [tilespmem:s28], [sflag:$0x2], $0x1, s12, s23, $0xb8;
	[tilespmem:$0x168C0] =	vst v63  }
0x103: {  	_ =	swait.ge [sflag:s24], $0xC40  }
0x104: {  	[sflag:s24] =	ssyncset.done $0x0  }
0x105: {  	[sflag:s24] =	ssyncadd.s32 $0xFFFFF3C0  }
0x106: {  	_ =	swait.ge [sflag:s25], $0xC40  }
0x107: {  	[sflag:s25] =	ssyncset.done $0x0  }
0x108: {  	[sflag:s25] =	ssyncadd.s32 $0xFFFFF3C0  }
0x109: {  	[bflag:$0x0] =	sbarrier.arrive $0xFFFF  }
0x10a: {  	[tilespmem:s22], [sflag:$0x3] =	stream.linear.gather [spmem:s13], $0x25A0, $0x38;
	[tilespmem:$0x168C0] =	vst v63  }
0x10b: {  	_ =	swait.ge [sflag:s19], $0x25A0  }
0x10c: {  	[sflag:s19] =	ssyncset.done $0x0  }
0x10d: {  	s15 =	rddreg [dreg:$0x7];
	[sflag:s19] =	ssyncadd.s32 $0xFFFFDA60  }
0x10e: {  	[hbm4b:s15+s26] =	stream.linear.scatter [tilespmem:s22], [sflag:$0x3], $0x25A0, $0x38;
	[tilespmem:$0x168C0] =	vst v63  }
0x10f: {  	_ =	swait.ge [sflag:s19], $0x25A0  }
0x110: {  	[sflag:s19] =	ssyncset.done $0x0  }
0x111: {  	[sflag:s19] =	ssyncadd.s32 $0xFFFFDA60  }
0x112: {  	[tilespmem:s22], [sflag:$0x3] =	stream.linear.gather [spmem:s14], $0x25A0, $0x38;
	[tilespmem:$0x168C0] =	vst v63  }
0x113: {  	_ =	swait.ge [sflag:s19], $0x25A0  }
0x114: {  	[sflag:s19] =	ssyncset.done $0x0  }
0x115: {  	s16 =	rddreg [dreg:$0x8];
	[sflag:s19] =	ssyncadd.s32 $0xFFFFDA60  }
0x116: {  	[hbm4b:s16+s26] =	stream.linear.scatter [tilespmem:s22], [sflag:$0x3], $0x25A0, $0x38;
	[tilespmem:$0x168C0] =	vst v63  }
0x117: {  	v12 =	vimm.f32 $0.0e+00;
	v13 =	vimm.f32 $0.0e+00;
	_ =	swait.ge [sflag:s19], $0x25A0  }
0x118: {  	v10 =	vimm.f32 $0.0e+00;
	v9 =	vimm.f32 $0.0e+00;
	v7 =	vimm.f32 $0.0e+00;
	[sflag:s19] =	ssyncset.done $0x0  }
0x119: {  	s29 =	simm.s32 $0x0;
	v8 =	vimm.f32 $0.0e+00;
	v6 =	vimm.f32 $0.0e+00;
	v5 =	vimm.f32 $0.0e+00;
	[sflag:s19] =	ssyncadd.s32 $0xFFFFDA60  }
.LBB2_12:
0x11a: {  	s10 =	smul.u32 $0x310, s29;
	_ =	sdelay $0x1  }
0x11b: {  	s1 =	sadd.s32 s9, s10  }
0x11c: {  	s11 =	smul.u32 $0xF, s1;
	_ =	sdelay $0x1  }
0x11d: {  	s11 =	sshrl.u32 s11, $0x3  }
0x11e: {  	s15 =	smul.u32 $0x3, s1;
	s11 =	sadd.s32 s5, s11  }
0x11f: {  	[tilespmem:s30], [sflag:$0x3] =	stream.linear.gather [hbm4b:s11+s26], $0x2DF0, $0x38;
	[tilespmem:$0x168C0] =	vst v63  }
0x120: {  	_ =	swait.ge [sflag:s19], $0x2DF0  }
0x121: {  	s11 =	sshrl.u32 s15, $0x3;
	[sflag:s19] =	ssyncset.done $0x0  }
0x122: {  	s11 =	sadd.s32 s6, s11;
	[sflag:s19] =	ssyncadd.s32 $0xFFFFD210  }
0x123: {  	[tilespmem:s31], [sflag:$0x3] =	stream.linear.gather [hbm4b:s11+s26], $0x930, $0x38;
	[tilespmem:$0x168C0] =	vst v63  }
0x124: {  	_ =	swait.ge [sflag:s19], $0x930  }
0x125: {  	s16 =	sshrl.u32 s1, $0x3;
	[sflag:s19] =	ssyncset.done $0x0  }
0x126: {  	s12 =	sadd.s32 s7, s16;
	s15 =	simm.s32 $0x11600;
	[sflag:s19] =	ssyncadd.s32 $0xFFFFF6D0  }
0x127: {  	[tilespmem:s15], [sflag:$0x3] =	stream.linear.gather [hbm4b:s12+s26], $0x310, $0x38;
	[tilespmem:$0x168C0] =	vst v63  }
0x128: {  	_ =	swait.ge [sflag:s19], $0x310  }
0x129: {  	[sflag:s19] =	ssyncset.done $0x0  }
0x12a: {  	v14 =	vor.u32 s26, v2;
	v11 =	vmov s10;
	s11 =	sadd.s32 s8, s16;
	s16 =	simm.s32 $0x11980;
	[sflag:s19] =	ssyncadd.s32 $0xFFFFFCF0  }
0x12b: {  	v15 =	vadd.s32 v11, v14;
	[tilespmem:s16], [sflag:$0x3] =	stream.linear.gather [hbm4b:s11+s26], $0x310, $0x38;
	[tilespmem:$0x168C0] =	vst v63  }
0x12c: {  	v15 =	vshll.u32 v15, $0x2;
	_ =	swait.ge [sflag:s19], $0x310  }
0x12d: {  	v16 =	vmul.u32 $0xF, v14;
	v17 =	vor.u32 $0x3, v15;
	[sflag:s19] =	ssyncset.done $0x0  }
0x12e: {  	v18 =	vor.u32 $0x2, v15;
	[sflag:s19] =	ssyncadd.s32 $0xFFFFFCF0  }
0x12f: {  	v19 =	vadd.s32 $0xE, v16;
	v20 =	vld [tilespmem:s15+$0x0]  }
0x130: {  	v22 =	vor.u32 $0x1, v15;
	v21 =	vld [tilespmem:s16+$0x0]  }
0x131: {  	v23 =	vadd.s32 $0xB, v16;
	v24 =	vld.idx.msk [tilespmem:v15+s21+$0x0], $0xffff  }
0x132: {  	v28 =	vadd.s32 $0x9, v16;
	v25 =	vld.idx.msk [tilespmem:v17+s21+$0x0], $0xffff  }
0x133: {  	v37 =	vadd.s32 $0xA, v16;
	v26 =	vld.idx.msk [tilespmem:v18+s21+$0x0], $0xffff  }
0x134: {  	v15 =	vadd.s32 $0xC, v16;
	v27 =	vld.idx.msk [tilespmem:v19+s30+$0x0], $0xffff  }
0x135: {  	v17 =	vadd.s32 $0xD, v16;
	v22 =	vld.idx.msk [tilespmem:v22+s21+$0x0], $0xffff  }
0x136: {  	v18 =	vadd.s32 $0x5, v16;
	v30 =	vld.idx.msk [tilespmem:v23+s30+$0x0], $0xffff  }
0x137: {  	v19 =	vadd.s32 $0x8, v16;
	v28 =	vld.idx.msk [tilespmem:v28+s30+$0x0], $0xffff  }
0x138: {  	v31 =	vmul.u32 $0x3, v14;
	v23 =	vadd.s32 $0x3, v16;
	v37 =	vld.idx.msk [tilespmem:v37+s30+$0x0], $0xffff  }
0x139: {  	vm11 =	vmmov vm0;
	v34 =	vadd.s32 $0x7, v16;
	s16 =	sadd.s32 $0x0, s1;
	v29 =	vld.idx.msk [tilespmem:v15+s30+$0x0], $0xffff;
	v15 =	vadd.s32 $0x4, v16  }
0x13a: {  	v35 =	vadd.s32 $0x1, v31;
	v36 =	vadd.s32 $0x2, v31;
	v38 =	vadd.s32 $0x1, v16;
	p0 =	slt.u32 s16, $0x186A0;
	v32 =	vld.idx.msk [tilespmem:v17+s30+$0x0], $0xffff  }
0x13b: {  	v39 =	vadd.s32 $0x2, v16;
	vm11 =	vmneg @p0 vm11;
	v33 =	vld.idx.msk [tilespmem:v18+s30+$0x0], $0xffff;
	v17 =	vadd.s32 $0x6, v16  }
0x13c: {  	v19 =	vld.idx.msk [tilespmem:v19+s30+$0x0], $0xffff;
	vm9 =	vlt.f32 v20, $5.000000000e-01;
	vm10 =	vgt.f32 v21, $5.000000000e-01;
	v41 =	vmul.f32 v27, v27  }
0x13d: {  	v23 =	vld.idx.msk [tilespmem:v23+s30+$0x0], $0xffff;
	vm12 =	vlt.f32 v22, $5.000000000e-01;
	v22 =	vmul.f32 v28, v28;
	v46 =	vmul.f32 v37, v37  }
0x13e: {  	v14 =	vsel vm9, $0x3F800000, v3;
	v18 =	vsel vm10, $0x3F800000, v3;
	vm10 =	vlt.f32 v25, $5.000000000e-01;
	v40 =	vld.idx.msk [tilespmem:v15+s30+$0x0], $0xffff  }
0x13f: {  	v21 =	vld.idx.msk [tilespmem:v34+s30+$0x0], $0xffff;
	vm9 =	vgt.f32 v20, $5.000000000e-01;
	v55 =	vsel vm12, $0x3F800000, v3;
	v47 =	vsel vm10, $0x3F800000, v3  }
0x140: {  	v22 =	vadd.f32 v46, v22;
	v20 =	vld.idx.msk [tilespmem:v17+s30+$0x0], $0xffff;
	v15 =	vsel vm9, $0x3F800000, v3;
	v17 =	vsel vm11, $0x3F800000, v3  }
0x141: {  	vm9 =	vlt.f32 v24, $5.000000000e-01;
	v24 =	vmul.f32 v30, v30;
	v42 =	vmul.f32 v29, v29  }
0x142: {  	v52 =	vadd.f32 v19, v33;
	v19 =	vmul.f32 v19, v19;
	v43 =	vmul.f32 v32, v32  }
0x143: {  	v25 =	vmul.f32 v23, v23;
	vm11 =	vlt.f32 v26, $5.000000000e-01;
	v44 =	vmul.f32 v40, v40  }
0x144: {  	v26 =	vmul.f32 v33, v33;
	v54 =	vmul.f32 v21, v21;
	v45 =	vsel vm9, $0x3F800000, v3  }
0x145: {  	v22 =	vadd.f32 v24, v22;
	v53 =	vmul.f32 v20, v20;
	v25 =	vadd.f32 v44, v25  }
0x146: {  	v56 =	vsel vm11, $0x3F800000, v3;
	v42 =	vadd.f32 v43, v42;
	v34 =	vadd.f32 v30, v52  }
0x147: {  	v59 =	vld.idx.msk [tilespmem:v36+s31+$0x0], $0xffff;
	v33 =	vadd.f32 v54, v53;
	v25 =	vadd.f32 v26, v25;
	v26 =	vmul.f32 v45, v17  }
0x148: {  	v57 =	vmul.f32 v55, v17;
	v63 =	vadd.f32 v27, v34;
	v20 =	vadd.f32 v20, v23  }
0x149: {  	v23 =	vadd.f32 v41, v42;
	v19 =	vadd.f32 v19, v33;
	v25 =	vmul.f32 v26, v25  }
0x14a: {  	v24 =	vmul.f32 v56, v17;
	v12 =	vadd.f32 v26, v12;
	v26 =	vadd.f32 v28, v20  }
0x14b: {  	v19 =	vmul.f32 v57, v19;
	v20 =	vadd.f32 v21, v40;
	v13 =	vadd.f32 v25, v13  }
0x14c: {  	s10 =	simm.s32 $0x10;
	v21 =	vld.idx.msk [tilespmem:v31+s31+$0x0], $0xffff;
	v40 =	vsub.f32 v63, v59;
	v25 =	vmul.f32 v47, v17;
	v12 =	vadd.f32 v57, v12  }
0x14d: {  	v13 =	vadd.f32 v19, v13;
	v19 =	vmul.f32 v24, v22;
	v22 =	vor.u32 s10, v2  }
0x14e: {  	v58 =	vld.idx.msk [tilespmem:v35+s31+$0x0], $0xffff;
	v28 =	vadd.f32 v37, v20;
	v12 =	vadd.f32 v24, v12;
	v24 =	vadd.s32 v11, v22  }
0x14f: {  	v35 =	vld.idx.msk [tilespmem:v16+s30+$0x0], $0xffff;
	v26 =	vadd.f32 v29, v26;
	v23 =	vmul.f32 v25, v23;
	v60 =	vshll.u32 v24, $0x2  }
0x150: {  	s11 =	simm.s32 $0x11610;
	v31 =	vld.idx.msk [tilespmem:v38+s30+$0x0], $0xffff;
	v16 =	vmul.u32 $0xF, v22;
	v12 =	vadd.f32 v25, v12;
	v25 =	vor.u32 $0x3, v60  }
0x151: {  	s12 =	simm.s32 $0x11990;
	v29 =	vld [tilespmem:s11+$0x0];
	v28 =	vadd.f32 v32, v28;
	v62 =	vsub.f32 v26, v21;
	v61 =	vor.u32 $0x2, v60  }
0x152: {  	v32 =	vld [tilespmem:s12+$0x0];
	v13 =	vadd.f32 v19, v13;
	v19 =	vmul.u32 $0x3, v22;
	v33 =	vadd.s32 $0xE, v16  }
0x153: {  	v24 =	vld.idx.msk [tilespmem:v39+s30+$0x0], $0xffff;
	v41 =	vsub.f32 v28, v58;
	v22 =	vadd.s32 $0x1, v16;
	v37 =	vor.u32 $0x1, v60  }
0x154: {  	v30 =	vadd.s32 $0xB, v16;
	v21 =	vadd.s32 $0x2, v16;
	v36 =	vadd.s32 $0xC, v16;
	v26 =	vld.idx.msk [tilespmem:v60+s21+$0x0], $0xffff  }
0x155: {  	v38 =	vmul.f32 v62, v62;
	v34 =	vadd.s32 $0xD, v16;
	v13 =	vadd.f32 v23, v13;
	v27 =	vld.idx.msk [tilespmem:v25+s21+$0x0], $0xffff  }
0x156: {  	s15 =	simm.s32 $0x20;
	v23 =	vadd.s32 $0x1, v19;
	v20 =	vadd.s32 $0x2, v19;
	v39 =	vmul.f32 v41, v41;
	v28 =	vld.idx.msk [tilespmem:v61+s21+$0x0], $0xffff  }
.LBB2_13:
0x157: {  	p0 =	sne.s32 s15, $0x300;
	v41 =	vadd.s32 $0x5, v16;
	v25 =	vld.idx.msk [tilespmem:v33+s30+$0x0], $0xffff;
	v33 =	vmul.f32 v35, v35;
	v31 =	vmul.f32 v31, v31  }
0x158: {  	v35 =	vadd.s32 $0x8, v16;
	v37 =	vld.idx.msk [tilespmem:v37+s21+$0x0], $0xffff;
	v38 =	vadd.f32 v39, v38;
	v39 =	vmul.f32 v40, v40  }
0x159: {  	v18 =	vmul.f32 v18, v17;
	v40 =	vadd.s32 $0x9, v16;
	v30 =	vld.idx.msk [tilespmem:v30+s30+$0x0], $0xffff;
	v31 =	vadd.f32 v31, v33  }
0x15a: {  	v42 =	vadd.s32 $0x3, v16;
	v14 =	vmul.f32 v14, v17;
	v33 =	vld.idx.msk [tilespmem:v36+s30+$0x0], $0xffff;
	v36 =	vadd.f32 v39, v38  }
0x15b: {  	v15 =	vmul.f32 v15, v17;
	v17 =	vmul.f32 v18, v24;
	v38 =	vadd.s32 $0x4, v16;
	v34 =	vld.idx.msk [tilespmem:v34+s30+$0x0], $0xffff  }
0x15c: {  	v10 =	vadd.f32 v14, v10;
	v39 =	vld.idx.msk [tilespmem:v41+s30+$0x0], $0xffff;
	v41 =	vadd.s32 $0x6, v16;
	v36 =	vmul.f32 v14, v36  }
0x15d: {  	v43 =	vadd.s32 $0x7, v16;
	v17 =	vmul.f32 v17, v24;
	v14 =	vmul.f32 v15, v31;
	v35 =	vld.idx.msk [tilespmem:v35+s30+$0x0], $0xffff  }
0x15e: {  	v7 =	vadd.f32 v15, v7;
	v24 =	vadd.s32 $0xA, v16;
	v40 =	vld.idx.msk [tilespmem:v40+s30+$0x0], $0xffff;
	v9 =	vadd.f32 v36, v9  }
0x15f: {  	v6 =	vadd.f32 v17, v6;
	v8 =	vadd.f32 v14, v8;
	v36 =	vld.idx.msk [tilespmem:v42+s30+$0x0], $0xffff  }
0x160: {  	s16 =	sadd.s32 s1, s10;
	vm9 =	vlt.f32 v29, $5.000000000e-01;
	s10 =	smov.u32 s15;
	vm11 =	vmmov vm0;
	v5 =	vadd.f32 v18, v5;
	v38 =	vld.idx.msk [tilespmem:v38+s30+$0x0], $0xffff  }
0x161: {  	p1 =	slt.u32 s16, $0x186A0;
	vm10 =	vgt.f32 v32, $5.000000000e-01;
	v14 =	vsel vm9, $0x3F800000, v3;
	vm9 =	vgt.f32 v29, $5.000000000e-01;
	v41 =	vld.idx.msk [tilespmem:v41+s30+$0x0], $0xffff  }
0x162: {  	vm11 =	vmneg @p1 vm11;
	v18 =	vsel vm10, $0x3F800000, v3;
	v15 =	vsel vm9, $0x3F800000, v3;
	v29 =	vld.idx.msk [tilespmem:v43+s30+$0x0], $0xffff  }
0x163: {  	v17 =	vsel vm11, $0x3F800000, v3;
	v42 =	vadd.f32 v35, v39;
	v43 =	vmul.f32 v25, v25;
	v32 =	vld.idx.msk [tilespmem:v24+s30+$0x0], $0xffff  }
0x164: {  	vm9 =	vlt.f32 v26, $5.000000000e-01;
	v26 =	vmul.f32 v33, v33;
	v44 =	vld.idx.msk [tilespmem:v23+s31+$0x0], $0xffff;
	v23 =	vmul.f32 v30, v30  }
0x165: {  	vm10 =	vlt.f32 v27, $5.000000000e-01;
	v46 =	vmul.f32 v34, v34;
	v45 =	vld.idx.msk [tilespmem:v19+s31+$0x0], $0xffff;
	v19 =	vmul.f32 v35, v35  }
0x166: {  	vm11 =	vlt.f32 v28, $5.000000000e-01;
	v24 =	vmul.f32 v38, v38;
	v47 =	vld.idx.msk [tilespmem:v20+s31+$0x0], $0xffff;
	v20 =	vmul.f32 v36, v36  }
0x167: {  	vm12 =	vlt.f32 v37, $5.000000000e-01;
	v27 =	vmul.f32 v40, v40;
	v31 =	vld.idx.msk [tilespmem:v22+s30+$0x0], $0xffff;
	v22 =	vmul.f32 v39, v39  }
0x168: {  	v28 =	vmul.f32 v29, v29;
	v35 =	vld.idx.msk [tilespmem:v16+s30+$0x0], $0xffff;
	v16 =	vadd.f32 v24, v20;
	v20 =	vmul.f32 v41, v41  }
0x169: {  	v39 =	vsel vm10, $0x3F800000, v3;
	v37 =	vmul.f32 v32, v32;
	v24 =	vld.idx.msk [tilespmem:v21+s30+$0x0], $0xffff;
	v21 =	vsel vm9, $0x3F800000, v3  }
0x16a: {  	v16 =	vadd.f32 v22, v16;
	v21 =	vmul.f32 v21, v17;
	v20 =	vadd.f32 v28, v20  }
0x16b: {  	v22 =	vsel vm12, $0x3F800000, v3;
	v27 =	vadd.f32 v37, v27;
	v28 =	vsel vm11, $0x3F800000, v3  }
0x16c: {  	v16 =	vmul.f32 v21, v16;
	v19 =	vadd.f32 v19, v20;
	v20 =	vmul.f32 v22, v17  }
0x16d: {  	v26 =	vadd.f32 v46, v26;
	v22 =	vadd.f32 v23, v27;
	v23 =	vmul.f32 v28, v17  }
0x16e: {  	v12 =	vadd.f32 v21, v12;
	v13 =	vadd.f32 v16, v13;
	v16 =	vmul.f32 v20, v19  }
0x16f: {  	v21 =	vadd.f32 v43, v26;
	v26 =	vmul.f32 v39, v17;
	v19 =	vadd.f32 v41, v36  }
0x170: {  	v12 =	vadd.f32 v20, v12;
	v13 =	vadd.f32 v16, v13;
	v16 =	vmul.f32 v23, v22  }
0x171: {  	v27 =	vadd.f32 v29, v38;
	v20 =	vor.u32 s15, v2;
	v22 =	vadd.f32 v40, v19  }
0x172: {  	v12 =	vadd.f32 v23, v12;
	v13 =	vadd.f32 v16, v13;
	v16 =	vmul.f32 v26, v21  }
0x173: {  	v27 =	vadd.f32 v32, v27;
	v19 =	vmul.u32 $0x3, v20;
	v21 =	vadd.s32 v11, v20  }
0x174: {  	v12 =	vadd.f32 v26, v12;
	v21 =	vshll.u32 v21, $0x2;
	v13 =	vadd.f32 v16, v13  }
0x175: {  	v23 =	vadd.s32 $0x1, v19;
	v16 =	vmul.u32 $0xF, v20;
	v28 =	vor.u32 $0x3, v21  }
0x176: {  	s11 =	sadd.s32 $0x10, s11;
	v26 =	vadd.f32 v33, v22;
	v20 =	vadd.s32 $0x2, v19;
	v39 =	vor.u32 $0x2, v21  }
.Ltmp5:
0x177: {  	s12 =	sadd.s32 $0x10, s12;
	v27 =	vadd.f32 v34, v27;
	v34 =	vadd.f32 v30, v42;
	v33 =	vadd.s32 $0xE, v16;
	v29 =	vld [tilespmem:s11+$0x0];
	(pc) =	sbr.rel @p0 .LBB2_13-.Ltmp5, $4  }
0x178: {  	v37 =	vor.u32 $0x1, v21;
	v38 =	vsub.f32 v26, v45;
	v22 =	vadd.s32 $0x1, v16;
	v32 =	vld [tilespmem:s12+$0x0]  }
0x179: {  	v40 =	vsub.f32 v27, v44;
	v25 =	vadd.f32 v25, v34;
	v30 =	vadd.s32 $0xB, v16;
	v26 =	vld.idx.msk [tilespmem:v21+s21+$0x0], $0xffff  }
0x17a: {  	v36 =	vadd.s32 $0xC, v16;
	v38 =	vmul.f32 v38, v38;
	v21 =	vadd.s32 $0x2, v16;
	v27 =	vld.idx.msk [tilespmem:v28+s21+$0x0], $0xffff  }
0x17b: {  	s15 =	sadd.s32 $0x10, s15;
	v34 =	vadd.s32 $0xD, v16;
	v28 =	vld.idx.msk [tilespmem:v39+s21+$0x0], $0xffff;
	v39 =	vmul.f32 v40, v40;
	v40 =	vsub.f32 v25, v47  }
0x17c: {  	_ = 	snop  }
0x17d: {  	v11 =	vadd.s32 $0x5, v16  }
0x17e: {  	v46 =	vmul.f32 v35, v35;
	v31 =	vmul.f32 v31, v31;
	v47 =	vadd.s32 $0x8, v16  }
0x17f: {  	v49 =	vadd.s32 $0x9, v16;
	v18 =	vmul.f32 v18, v17;
	v41 =	vadd.s32 $0x3, v16  }
0x180: {  	v25 =	vld.idx.msk [tilespmem:v33+s30+$0x0], $0xffff;
	v14 =	vmul.f32 v14, v17;
	v50 =	vadd.s32 $0x4, v16;
	v15 =	vmul.f32 v15, v17  }
0x181: {  	v37 =	vld.idx.msk [tilespmem:v37+s21+$0x0], $0xffff;
	v52 =	vadd.s32 $0x6, v16;
	v53 =	vadd.s32 $0xA, v16;
	vm9 =	vlt.f32 v29, $5.000000000e-01  }
0x182: {  	v30 =	vld.idx.msk [tilespmem:v30+s30+$0x0], $0xffff;
	s1 =	sadd.s32 s1, s10;
	vm11 =	vmmov vm0;
	v38 =	vadd.f32 v39, v38;
	v48 =	vmul.f32 v40, v40  }
0x183: {  	v36 =	vld.idx.msk [tilespmem:v36+s30+$0x0], $0xffff;
	p0 =	slt.u32 s1, $0x186A0;
	vm10 =	vgt.f32 v32, $5.000000000e-01;
	v31 =	vadd.f32 v31, v46;
	v51 =	vmul.f32 v18, v24  }
0x184: {  	v33 =	vld.idx.msk [tilespmem:v34+s30+$0x0], $0xffff;
	v10 =	vadd.f32 v14, v10;
	v7 =	vadd.f32 v15, v7;
	vm11 =	vmneg @p0 vm11  }
0x185: {  	v34 =	vsel vm10, $0x3F800000, v3;
	vm10 =	vlt.f32 v26, $5.000000000e-01;
	v38 =	vadd.f32 v48, v38;
	v11 =	vld.idx.msk [tilespmem:v11+s30+$0x0], $0xffff  }
0x186: {  	v5 =	vadd.f32 v18, v5;
	v39 =	vsel vm11, $0x3F800000, v3;
	v31 =	vmul.f32 v15, v31;
	v35 =	vld.idx.msk [tilespmem:v47+s30+$0x0], $0xffff  }
0x187: {  	v62 =	vsel vm10, $0x3F800000, v3;
	v17 =	vmul.f32 v51, v24;
	v38 =	vmul.f32 v14, v38;
	v15 =	vld.idx.msk [tilespmem:v41+s30+$0x0], $0xffff  }
0x188: {  	v14 =	vadd.s32 $0x7, v16;
	v54 =	vld.idx.msk [tilespmem:v50+s30+$0x0], $0xffff;
	v40 =	vmul.f32 v25, v25;
	v57 =	vmul.f32 v30, v30  }
0x189: {  	vm11 =	vlt.f32 v28, $5.000000000e-01;
	v56 =	vld.idx.msk [tilespmem:v52+s30+$0x0], $0xffff;
	v43 =	vmul.f32 v36, v36;
	v45 =	vmul.f32 v33, v33  }
0x18a: {  	v55 =	vld.idx.msk [tilespmem:v49+s30+$0x0], $0xffff;
	vm12 =	vlt.f32 v37, $5.000000000e-01;
	v49 =	vsel vm11, $0x3F800000, v3;
	v8 =	vadd.f32 v31, v8  }
0x18b: {  	v48 =	vld.idx.msk [tilespmem:v23+s31+$0x0], $0xffff;
	v6 =	vadd.f32 v17, v6;
	v47 =	vsel vm12, $0x3F800000, v3;
	v23 =	vmul.f32 v49, v39  }
0x18c: {  	v24 =	vld.idx.msk [tilespmem:v53+s30+$0x0], $0xffff;
	v9 =	vadd.f32 v38, v9;
	v38 =	vsel vm9, $0x3F800000, v3;
	vm9 =	vgt.f32 v29, $5.000000000e-01  }
0x18d: {  	v51 =	vmul.f32 v47, v39;
	v52 =	vadd.f32 v45, v43;
	v32 =	vsel vm9, $0x3F800000, v3;
	v14 =	vld.idx.msk [tilespmem:v14+s30+$0x0], $0xffff  }
0x18e: {  	v58 =	vmul.f32 v15, v15;
	v44 =	vmul.f32 v54, v54;
	v15 =	vadd.f32 v56, v15  }
0x18f: {  	v42 =	vadd.f32 v35, v11;
	v11 =	vmul.f32 v11, v11;
	v59 =	vmul.f32 v55, v55  }
0x190: {  	v60 =	vmul.f32 v56, v56;
	v26 =	vadd.f32 v44, v58;
	v15 =	vadd.f32 v55, v15  }
0x191: {  	v63 =	vmul.f32 v24, v24;
	v53 =	vadd.f32 v30, v42;
	v58 =	vadd.f32 v40, v52  }
0x192: {  	v19 =	vld.idx.msk [tilespmem:v19+s31+$0x0], $0xffff;
	v11 =	vadd.f32 v11, v26;
	v61 =	vmul.f32 v14, v14;
	v14 =	vadd.f32 v14, v54  }
0x193: {  	v20 =	vld.idx.msk [tilespmem:v20+s31+$0x0], $0xffff;
	v44 =	vmul.f32 v62, v39;
	v26 =	vadd.f32 v63, v59;
	v15 =	vadd.f32 v36, v15  }
0x194: {  	v22 =	vld.idx.msk [tilespmem:v22+s30+$0x0], $0xffff;
	v35 =	vmul.f32 v35, v35;
	v28 =	vadd.f32 v61, v60;
	v14 =	vadd.f32 v24, v14  }
0x195: {  	vm9 =	vlt.f32 v27, $5.000000000e-01;
	v56 =	vadd.f32 v25, v53;
	v12 =	vadd.f32 v44, v12  }
0x196: {  	v11 =	vmul.f32 v44, v11;
	v50 =	vadd.f32 v35, v28;
	v14 =	vadd.f32 v33, v14  }
0x197: {  	v55 =	vsel vm9, $0x3F800000, v3;
	v26 =	vadd.f32 v57, v26;
	v15 =	vsub.f32 v15, v19  }
0x198: {  	v54 =	vld.idx.msk [tilespmem:v16+s30+$0x0], $0xffff;
	v11 =	vadd.f32 v11, v13;
	v13 =	vmul.f32 v51, v50;
	v14 =	vsub.f32 v14, v48  }
0x199: {  	v59 =	vmul.f32 v22, v22;
	v17 =	vsub.f32 v56, v20;
	v15 =	vmul.f32 v15, v15  }
0x19a: {  	v57 =	vld.idx.msk [tilespmem:v21+s30+$0x0], $0xffff;
	v11 =	vadd.f32 v13, v11;
	v13 =	vmul.f32 v23, v26;
	v14 =	vmul.f32 v14, v14  }
0x19b: {  	v19 =	vmul.f32 v55, v39;
	v12 =	vadd.f32 v51, v12;
	v60 =	vmul.f32 v34, v39  }
0x19c: {  	v11 =	vadd.f32 v13, v11;
	v13 =	vadd.f32 v14, v15;
	v14 =	vmul.f32 v17, v17  }
0x19d: {  	s29 =	sadd.s32 $0x1, s29;
	v61 =	vmul.f32 v32, v39;
	v12 =	vadd.f32 v23, v12;
	v15 =	vmul.f32 v54, v54  }
0x19e: {  	p0 =	sne.s32 s29, $0x4;
	v21 =	vmul.f32 v19, v58;
	v13 =	vadd.f32 v14, v13;
	v14 =	vmul.f32 v38, v39  }
.Ltmp6:
0x19f: {  	v7 =	vadd.f32 v61, v7;
	v62 =	vmul.f32 v60, v57;
	v15 =	vadd.f32 v59, v15;
	(pc) =	sbr.rel @p0 .LBB2_12-.Ltmp6, $4  }
0x1a0: {  	v5 =	vadd.f32 v60, v5;
	v63 =	vmul.f32 v14, v13;
	v13 =	vadd.f32 v21, v11  }
0x1a1: {  	v11 =	vmul.f32 v61, v15;
	v10 =	vadd.f32 v14, v10;
	v14 =	vmul.f32 v62, v57  }
0x1a2: {  	v12 =	vadd.f32 v19, v12;
	v9 =	vadd.f32 v63, v9  }
0x1a3: {  	v8 =	vadd.f32 v11, v8;
	v6 =	vadd.f32 v14, v6  }
0x1a4: {  	(xrf2) =	vadd.scan.msk.f32 $0xffff, v9;
	_ =	sdelay $0x1  }
0x1a5: {  	(xrf2) =	vadd.scan.msk.f32 $0xffff, v10;
	_ =	sdelay $0x1  }
0x1a6: {  	(xrf2) =	vadd.scan.msk.f32 $0xffff, v13;
	_ =	sdelay $0x1  }
0x1a7: {  	(xrf2) =	vadd.scan.msk.f32 $0xffff, v12;
	_ =	sdelay $0x1  }
0x1a8: {  	(xrf2) =	vadd.scan.msk.f32 $0xffff, v8;
	_ =	sdelay $0x1  }
0x1a9: {  	v50, _, _ =	vpop (xrf2);
	(xrf2) =	vadd.scan.msk.f32 $0xffff, v7  }
0x1aa: {  	v7 =	vbroadcast v50, $0xF  }
0x1ab: {  	v51, _, _ =	vpop (xrf2);
	(xrf2) =	vadd.scan.msk.f32 $0xffff, v6;
	v6 =	vsel vm1, $0x3F800000, v4  }
0x1ac: {  	v6 =	vmul.f32 v6, v7;
	v7 =	vbroadcast v51, $0xF  }
0x1ad: {  	v52, _, _ =	vpop (xrf2);
	(xrf2) =	vadd.scan.msk.f32 $0xffff, v5;
	v5 =	vsel vm2, $0x3F800000, v4  }
0x1ae: {  	v6 =	vadd.f32 $0.0e+00, v6;
	v5 =	vmul.f32 v5, v7;
	v7 =	vbroadcast v52, $0xF  }
0x1af: {  	v54 =	vsel vm3, $0x3F800000, v4;
	v53, _, _ =	vpop (xrf2)  }
0x1b0: {  	v5 =	vadd.f32 v5, v6;
	v6 =	vmul.f32 v54, v7;
	v7 =	vbroadcast v53, $0xF  }
0x1b1: {  	v56 =	vsel vm4, $0x3F800000, v4;
	v55, _, _ =	vpop (xrf2)  }
0x1b2: {  	v5 =	vadd.f32 v6, v5;
	v6 =	vmul.f32 v56, v7;
	v7 =	vbroadcast v55, $0xF  }
0x1b3: {  	v58 =	vsel vm5, $0x3F800000, v4;
	v57, _, _ =	vpop (xrf2)  }
0x1b4: {  	v5 =	vadd.f32 v6, v5;
	v6 =	vmul.f32 v58, v7;
	v7 =	vbroadcast v57, $0xF  }
0x1b5: {  	v60 =	vsel vm6, $0x3F800000, v4;
	v59, _, _ =	vpop (xrf2)  }
0x1b6: {  	v5 =	vadd.f32 v6, v5;
	v6 =	vmul.f32 v60, v7;
	v7 =	vbroadcast v59, $0xF  }
0x1b7: {  	v62 =	vsel vm7, $0x3F800000, v4;
	v61, _, _ =	vpop (xrf2)  }
0x1b8: {  	v5 =	vadd.f32 v6, v5;
	v6 =	vmul.f32 v62, v7;
	v7 =	vbroadcast v61, $0xF  }
0x1b9: {  	v63 =	vsel vm8, $0x3F800000, v4  }
0x1ba: {  	v5 =	vadd.f32 v6, v5;
	v6 =	vmul.f32 v63, v7;
	_ =	sdelay $0x1  }
0x1bb: {  	s0 =	sadd.s32 $0x1, s0;
	v5 =	vadd.f32 v6, v5  }
0x1bc: {  	p0 =	sne.s32 s0, s18  }
.Ltmp7:
0x1bd: {  	s1 =	simm.s32 $0x11D00;
	[tilespmem:$0x11D00] =	vst v5;
	(pc) =	sbr.rel @p0 .LBB2_1-.Ltmp7, $4  }
0x1be: {  	[hbm4b:s17+s4] =	stream.linear.scatter [tilespmem:s1], [sflag:$0x3], $0x10, $0x38;
	[tilespmem:$0x168C0] =	vst v63  }
0x1bf: {  	_ =	swait.ge [sflag:s19], $0x10  }
0x1c0: {  	[sflag:s19] =	ssyncset.done $0x0  }
0x1c1: {  	[sflag:s19] =	ssyncadd.s32 $0xFFFFFFF0  }
0x1c2: {  	_ =	sfence.sel $0x180000  }
0x1c3: {  	[bflag:$0x0] =	sbarrier.arrive $0xFFFF  }
0x1c4: {  	_ =	strace $0x90000047  }
0x1c5: {  	s0 =	stileid.u32;
	[bflag:$0x2] =	sbarrier.arrive $0xFFFF  }
0x1c6: {  	p0 =	sne.s32 s0, $0x0;
	s0 =	rddreg [dreg:$0x3]  }
0x1c7: {  	s0 =	sadd.s32 @!p0 $0x100000, s0  }
0x1c8: {  	[sflag:s0] =	ssyncadd.tile.s32 @!p0 $0x1;
	_ =	shalt  }
.Lfunc_end2:
_tile_overlayer_lowered:
.L_overlay_start_2:
0x1c9: {  	(tag) =	ssettag $0x2  }
0x1ca: {  	s0 =	rddreg [dreg:$0x0];
	s2 =	stileid.u32  }
0x1cb: {  	s1 =	rddreg [dreg:$0x1];
	p0 =	sne.s32 s2, $0x0  }
0x1cc: {  	s3 =	rddreg [dreg:$0x2];
	[bflag:$0x3] =	sbarrier.arrive $0xFFFF;
	s2 =	simm.s32 @!p0 $0x1C03  }
0x1cd: {  	[timem:s3], [sflag:s2] =	dma.local @!p0 [hbm:s0], s1  }
0x1ce: {  	s0 =	simm.s32 @!p0 $0x3  }
0x1cf: {  	_ =	swait.ge @!p0 [sflag:s0], s1  }
0x1d0: {  	s1 =	ssub.s32 @!p0 $0x0, s1;
	[sflag:s0] =	ssyncset.done @!p0 $0x0  }
0x1d1: {  	[sflag:s0] =	ssyncadd.s32 @!p0 s1  }
0x1d2: {  	[bflag:$0x3] =	sbarrier.arrive $0xFFFF  }
0x1d3: {  	_ =	shalt  }

// kernel: kernel.7.cloned.1.call-start
scs
__scs_entry_jumppad:
0x0: {  	(pc) =	sbr.rel $0x88, $3  }
0x1: {  	(tag) =	ssettag $0x0;
	lr =	simm.s32 $0x1  }
0x2: {  	[smem:$0x3F98] =	sst lr;
	_ =	strace $0xD0000000  }
0x3: {  	_ = 	snop  }
0x4: {  	_ = 	snop  }
0x5: {  	_ = 	snop  }
0x6: {  	_ = 	snop  }
0x7: {  	_ = 	snop  }
__scs_overlays_trampoline_lowered:
0x8: {  	[smem:$0x3FA7] =	sst s0  }
0x9: {  	[smem:$0x3FA8] =	sst s1  }
0xa: {  	[smem:$0x3FA9] =	sst s2  }
0xb: {  	[smem:$0x3FAA] =	sst s3  }
0xc: {  	[smem:$0x3FAB] =	sst s4  }
0xd: {  	[smem:$0x3FAC] =	sst s5  }
0xe: {  	[smem:$0x3FAD] =	sst s6  }
0xf: {  	[smem:$0x3FAE] =	sst s7  }
0x10: {  	[smem:$0x3FAF] =	sst s8  }
0x11: {  	[smem:$0x3FB0] =	sst s9;
	s0 =	simm.s32 @!p0 $0x0  }
0x12: {  	s1 =	sld [smem:$0x3F96];
	s0 =	simm.s32 @p0 $0x1  }
0x13: {  	[smem:$0x3FB1] =	sst s0;
	s0 =	simm.s32 @!p1 $0x0  }
0x14: {  	s2 =	sld [smem:$0x3F95];
	s0 =	simm.s32 @p1 $0x1  }
0x15: {  	[smem:$0x3FB2] =	sst s0;
	s0 =	simm.s32 @!p2 $0x0  }
0x16: {  	s3 =	sld [smem:$0x3FDB];
	s0 =	simm.s32 @p2 $0x1  }
0x17: {  	s4 =	simm.s32 $0x1BF5;
	[smem:$0x3FB4] =	sst s0  }
0x18: {  	s0 =	sld [smem:$0x3F97];
	_ =	swait.ge [sflag:s4], $0x0  }
0x19: {  	s7 =	sld [smem:$0x3F98]  }
0x1a: {  	s8 =	sadd.s32 $0xFFFFE003, lr  }
0x1b: {  	s9 =	sadd.s32 $0xFFFFFEF7, lr;
	s5 =	simm.s32 $0xFFFFFFFF;
	p2 =	slt.u32 s8, $0xFFFFF086  }
0x1c: {  	p1 =	slt.u32 s9, $0xF7A;
	s5 =	simm.s32 @!p2 $0x0  }
0x1d: {  	s5 =	simm.s32 @p1 $0x1;
	p0 =	seq.s32 s7, s2  }
0x1e: {  	s7 =	smul.u32 @!p0 $0xF7A, s2;
	p2 =	seq.s32 @!p0 s5, $0x0  }
0x1f: {  	s9 =	smul.u32 $0xF7A, s1;
	s8 =	simm.s32 @!p0 $0x1BF5;
	p2 =	por !p2, p0  }
0x20: {  	[sflag:s8] =	ssyncset.s32 @!p0 $0xFFFFF086;
	s6 =	sadd.s32 @!p0 s3, s7;
	s7 =	simm.s32 @!p0 $0x108  }
0x21: {  	s3 =	sadd.s32 s3, s9;
	s6 =	sadd.s32 @!p0 $0x88, s6;
	s7 =	simm.s32 @p2 $0x1082  }
0x22: {  	[simem:s7], [sflag:s8] =	dma.local @!p0 [hbm:s6], $0xF7A  }
0x23: {  	s9 =	sor.u32 $0xD0000000, s2;
	s6 =	simm.s32 $0x108;
	_ =	swait.ge @!p0 [sflag:s8], $0x0  }
0x24: {  	s3 =	sadd.s32 $0x88, s3;
	s6 =	simm.s32 @!p1 $0x1082;
	[sflag:s4] =	ssyncset.s32 $0xFFFFF086  }
0x25: {  	[simem:s6], [sflag:s4] =	dma.local [hbm:s3], $0xF7A  }
0x26: {  	[smem:$0x3F98] =	sst s1;
	(tag) =	ssettag s2;
	_ =	strace s9  }
0x27: {  	s1 =	sld [smem:$0x3FA8]  }
0x28: {  	s2 =	sld [smem:$0x3FA9]  }
0x29: {  	s4 =	sld [smem:$0x3FAB]  }
0x2a: {  	p0 =	seq.s32 s5, $0x0;
	s5 =	sld [smem:$0x3FAC]  }
0x2b: {  	s6 =	sld [smem:$0x3FAD]  }
0x2c: {  	s7 =	sld [smem:$0x3FAE]  }
0x2d: {  	s3 =	simm.s32 $0x108;
	s8 =	sld [smem:$0x3FAF]  }
0x2e: {  	s3 =	simm.s32 @!p0 $0x1082;
	s9 =	sld [smem:$0x3FB0]  }
0x2f: {  	lr =	sadd.s32 s0, s3;
	s0 =	sld [smem:$0x3FA7]  }
0x30: {  	s3 =	sld [smem:$0x3FAA]  }
0x31: {  	[smem:$0x3FB3] =	sst s10  }
0x32: {  	s10 =	sld [smem:$0x3FB1];
	_ =	sdelay $0x3  }
0x33: {  	p0 =	seq.s32 s10, $0x1;
	s10 =	sld [smem:$0x3FB3];
	_ =	sdelay $0x3  }
0x34: {  	[smem:$0x3FB3] =	sst s10  }
0x35: {  	s10 =	sld [smem:$0x3FB2];
	_ =	sdelay $0x3  }
0x36: {  	p1 =	seq.s32 s10, $0x1;
	s10 =	sld [smem:$0x3FB3];
	_ =	sdelay $0x3  }
0x37: {  	[smem:$0x3FB3] =	sst s10  }
0x38: {  	s10 =	sld [smem:$0x3FB4]  }
0x39: {  	_ = 	snop;
	(pc) =	sbr.ind lr, $3  }
0x3a: {  	_ = 	snop  }
0x3b: {  	_ = 	snop  }
0x3c: {  	p2 =	seq.s32 s10, $0x1;
	s10 =	sld [smem:$0x3FB3]  }
0x3d: {  	_ =	shalt  }
0x3e: {  	_ =	shalt  }
0x3f: {  	_ =	shalt  }
0x40: {  	_ =	shalt  }
0x41: {  	_ =	shalt  }
0x42: {  	_ =	shalt  }
0x43: {  	_ =	shalt  }
0x44: {  	_ =	shalt  }
0x45: {  	_ =	shalt  }
0x46: {  	_ =	shalt  }
0x47: {  	_ =	shalt  }
0x48: {  	_ =	shalt  }
0x49: {  	_ =	shalt  }
0x4a: {  	_ =	shalt  }
0x4b: {  	_ =	shalt  }
0x4c: {  	_ =	shalt  }
0x4d: {  	_ =	shalt  }
0x4e: {  	_ =	shalt  }
0x4f: {  	_ =	shalt  }
0x50: {  	_ =	shalt  }
0x51: {  	_ =	shalt  }
0x52: {  	_ =	shalt  }
0x53: {  	_ =	shalt  }
0x54: {  	_ =	shalt  }
0x55: {  	_ =	shalt  }
0x56: {  	_ =	shalt  }
0x57: {  	_ =	shalt  }
0x58: {  	_ =	shalt  }
0x59: {  	_ =	shalt  }
0x5a: {  	_ =	shalt  }
0x5b: {  	_ =	shalt  }
0x5c: {  	_ =	shalt  }
0x5d: {  	_ =	shalt  }
0x5e: {  	_ =	shalt  }
0x5f: {  	_ =	shalt  }
0x60: {  	_ =	shalt  }
0x61: {  	_ =	shalt  }
0x62: {  	_ =	shalt  }
0x63: {  	_ =	shalt  }
0x64: {  	_ =	shalt  }
0x65: {  	_ =	shalt  }
0x66: {  	_ =	shalt  }
0x67: {  	_ =	shalt  }
0x68: {  	_ =	shalt  }
0x69: {  	_ =	shalt  }
0x6a: {  	_ =	shalt  }
0x6b: {  	_ =	shalt  }
0x6c: {  	_ =	shalt  }
0x6d: {  	_ =	shalt  }
0x6e: {  	_ =	shalt  }
0x6f: {  	_ =	shalt  }
0x70: {  	_ =	shalt  }
0x71: {  	_ =	shalt  }
0x72: {  	_ =	shalt  }
0x73: {  	_ =	shalt  }
0x74: {  	_ =	shalt  }
0x75: {  	_ =	shalt  }
0x76: {  	_ =	shalt  }
0x77: {  	_ =	shalt  }
0x78: {  	_ =	shalt  }
0x79: {  	_ =	shalt  }
0x7a: {  	_ =	shalt  }
0x7b: {  	_ =	shalt  }
0x7c: {  	_ =	shalt  }
0x7d: {  	_ =	shalt  }
0x7e: {  	_ =	shalt  }
0x7f: {  	_ =	shalt  }
0x80: {  	_ =	shalt  }
0x81: {  	_ =	shalt  }
0x82: {  	_ =	shalt  }
0x83: {  	_ =	shalt  }
0x84: {  	_ =	shalt  }
0x85: {  	_ =	shalt  }
0x86: {  	_ =	shalt  }
0x87: {  	_ =	shalt  }
.Lfunc_end0:
.L_simem_size_0:
called_computation.1_lowered:
.L_overlay_start_0:
0x88: {  	s2 =	sld [smem:$0x3FD9]  }
0x89: {  	s3 =	sld [smem:$0x3FFE];
	_ =	sdelay $0x1  }
0x8a: {  	s1 =	srdreg.scid  }
0x8b: {  	s0 =	sand.u32 $0x1, s1  }
0x8c: {  	s16 =	sshll.u32 s0, $0xA;
	s2 =	sadd.s32 s3, s2  }
0x8d: {  	s2 =	sadd.s32 s2, s16  }
0x8e: {  	[smem:$0x3FBF] =	sst s2  }
0x8f: {  	_ = 	snop  }
0x90: {  	(tm) =	ssettm $0x1  }
0x91: {  	s17 =	sld [smem:$0x3FFB];
	_ =	sdelay $0x3  }
0x92: {  	_ =	strace s17  }
0x93: {  	s2 =	sld [smem:$0x3FFC];
	_ =	sdelay $0x3  }
0x94: {  	_ =	strace s2  }
0x95: {  	s2 =	sld [smem:$0x3FFD];
	_ =	sdelay $0x3  }
0x96: {  	_ =	strace s2  }
0x97: {  	_ =	strace $0x8FFFFFFF  }
0x98: {  	s18 =	sld [smem:$0x3FDB];
	_ =	sdelay $0x1  }
0x99: {  	s19 =	simm.s32 $_scs_section_size  }
0x9a: {  	s4 =	simm.s32 $_size__tile_overlayer_lowered;
	s5 =	simm.s32 $_tile_overlayer_lowered  }
0x9b: {  	s22 =	simm.s32 $0x1BFF;
	s21 =	sshll.u32 s5, $0x1;
	s2 =	sadd.s32 s19, s18  }
0x9c: {  	s6 =	simm.s32 $0x0;
	s20 =	sshll.u32 s4, $0x1;
	s4 =	sadd.s32 s21, s2  }
0x9d: {  	[timem:s6], [sflag:s22] =	dma.local [hbm:s4], s20  }
0x9e: {  	_ =	swait.ge [sflag:s22], s20  }
0x9f: {  	s3 =	ssub.s32 $0x0, s20;
	[sflag:s22] =	ssyncset.done $0x0  }
0xa0: {  	[sflag:s22] =	ssyncadd.s32 s3;
	_ =	sdelay $0x1  }
0xa1: {  	s23 =	simm.s32 $0x1B8B  }
0xa2: {  	_ =	swait.ge [sflag:s23], $0x1  }
0xa3: {  	[sflag:s23] =	ssyncset.done $0x0  }
0xa4: {  	s25 =	simm.s32 $0x1B8E;
	s24 =	sld [smem:$0x3FFE];
	[sflag:s23] =	ssyncadd.s32 $0xFFFFFFFF  }
0xa5: {  	s26 =	simm.s32 $execute0_lowered;
	[smem:$0x3FD2] =	sst s25  }
0xa6: {  	s4 =	sshll.u32 s26, $0x1;
	_ =	strace $0x80000049;
	[dreg:$0x1] =	wrdreg $0xFFFFFFFF  }
0xa7: {  	s28 =	simm.s32 $_size_execute0_lowered;
	s2 =	sadd.s32 s2, s4;
	[dreg:$0x0] =	wrdreg $0x0  }
0xa8: {  	s4 =	sshll.u32 s28, $0x1;
	[dreg:$0x2] =	wrdreg s2  }
0xa9: {  	[dreg:$0x3] =	wrdreg s4  }
0xaa: {  	[dreg:$0x4] =	wrdreg $0xC0  }
0xab: {  	_ =	task [dreg:s6], $0x5FFFF  }
0xac: {  	[dreg:$0x1] =	wrdreg $0xFFFFFFFF  }
0xad: {  	[dreg:$0x0] =	wrdreg $0x60  }
0xae: {  	[dreg:$0x2] =	wrdreg s24  }
0xaf: {  	[dreg:$0x3] =	wrdreg $0x9  }
0xb0: {  	_ =	task.clear_ibuf [dreg:s6], $0x4FFFF;
	_ =	strace $0x90000049  }
0xb1: {  	s29 =	simm.s32 $0x9;
	_ =	strace $0x8000004B  }
0xb2: {  	_ =	swait.ge [sflag:s29], $0x1  }
0xb3: {  	[sflag:s29] =	ssyncadd.s32 $0xFFFFFFFF  }
0xb4: {  	_ =	strace $0x9000004B  }
0xb5: {  	_ =	sfence  }
0xb6: {  	s30 =	sld [smem:$0x0];
	_ =	sdelay $0x2  }
0xb7: {  	s31 =	sshll.u32 s1, $0xD;
	s1 =	sshrl.u32 s1, $0x2  }
0xb8: {  	s3 =	sand.u32 $0x4000, s31;
	s1 =	sadd.s32 s1, s30  }
0xb9: {  	s0 =	sor.u32 s3, s0;
	s1 =	sshll.u32 s1, $0x11  }
0xba: {  	s0 =	sor.u32 s1, s0  }
0xbb: {  	s0 =	sadd.s32 $0x8F2B, s0  }
0xbc: {  	[sflag:s0] =	ssyncadd.remote.s32 $0x1  }
0xbd: {  	_ =	sfence.sel $0xFFFF  }
0xbe: {  	[dreg:$0x0] =	wrdreg $0xFFFFFFFF;
	(pc) =	sbr.abs _section_cstart, $3  }
0xbf: {  	[dreg:$0x1] =	wrdreg $0xFFFFFFFF  }
0xc0: {  	_ =	task.clear_ibuf [dreg:s6], $0x2FFFF;
	_ =	strace $0x9FFFFFFF  }
0xc1: {  	(tm) =	ssettm $0x7FFFFFFF  }
tec
execute0_lowered:
.L_overlay_start_1:
0x0: {  	(tag) =	ssettag $0x1  }
0x1: {  	s0 =	srdreg.scid  }
0x2: {  	s2 =	stileid.u32;
	s1 =	rddreg [dreg:$0x0];
	s13 =	simm.s32 $0x5  }
0x3: {  	s16 =	simm.s32 $0x3780;
	s17 =	simm.s32 $0x5C80;
	s18 =	simm.s32 $0x1250  }
0x4: {  	s19 =	simm.s32 $0x9380;
	s21 =	simm.s32 $0xA600;
	s28 =	simm.s32 $0x1  }
0x5: {  	s29 =	simm.s32 $0x2;
	s30 =	simm.s32 $0x3;
	s31 =	simm.s32 $0x4  }
0x6: {  	s15 =	simm.s32 $0x0;
	s0 =	sand.u32 $0x1, s0;
	s3 =	sshll.u32 s2, $0x1  }
0x7: {  	s2 =	simm.s32 $0x0;
	s8 =	sadd.s32 $0x63A00, s1;
	s5 =	sor.u32 s0, s3  }
0x8: {  	s9 =	sadd.s32 $0x6D200, s1;
	[smem:$0x7FF] =	sst s2;
	s6 =	smul.u32 $0x494, s5  }
0x9: {  	s3 =	sadd.s32 $0x7800, s1;
	s0 =	ssub.s32 $0x2, s0;
	s7 =	smul.u32 $0x6DE, s5  }
0xa: {  	_ =	strace $0x8000004A;
	s4 =	smul.u32 $0x1250, s5;
	s22 =	sshrl.u32 s0, $0x1  }
0xb: {  	s5 =	sshll.u32 s5, $0x1;
	s0 =	ssub.s32 s0, s22;
	s6 =	sadd.s32 s6, s1  }
0xc: {  	s10 =	sadd.s32 s7, s1;
	s11 =	sshrl.u32 s4, $0x3;
	s1 =	sadd.s32 s5, s1  }
0xd: {  	v1 =	vlaneseq.u32;
	s12 =	smax.u32 s0, $0x1;
	s23 =	sadd.s32 $0x4B40, s11;
	s24 =	sadd.s32 s8, s11  }
0xe: {  	vm0 =	vcmask $0x300;
	v7 =	vimm.f32 $0.0e+00;
	vm1 =	vcmask $0x704;
	s26 =	sadd.s32 s9, s11;
	s10 =	sadd.s32 $0x7FE00, s10;
	[dreg:$0x2] =	wrdreg s24  }
0xf: {  	v5 =	vimm.s32 $0x0;
	v2 =	vmul.u32 $0x3, v1;
	v3 =	vsel vm0, $0x3F800000, v7;
	s11 =	sadd.s32 $0x1400, s1;
	s25 =	sadd.s32 s8, s23;
	[dreg:$0x4] =	wrdreg s26  }
0x10: {  	vm0 =	vmxor vm0, vm0;
	v4 =	vsel vm1, $0x3F800000, v7;
	vm1 =	vcmask $0xB08;
	s8 =	sadd.s32 s9, s23;
	s9 =	sadd.s32 $0x76A00, s6;
	s6 =	simm.s32 $0x2500  }
0x11: {  	v7 =	vsel vm1, $0x3F800000, v7;
	v6 =	vadd.s32 $0x2, v2;
	v0 =	vmov s4;
	s23 =	simm.s32 $0xB880;
	[dreg:$0x3] =	wrdreg s25;
	s25 =	simm.s32 $0xCB00  }
.LBB2_1:
0x12: {  	s0 =	rddreg [dreg:$0x2]  }
0x13: {  	[tilespmem:s2], [sflag:$0x5] =	stream.linear.gather [hbm4b:s0+s2], $0x1250, $0x38;
	[tilespmem:$0x1BA00] =	vst v63  }
0x14: {  	_ =	swait.ge [sflag:s13], $0x1250  }
0x15: {  	[sflag:s13] =	ssyncset.done $0x0  }
0x16: {  	s26 =	rddreg [dreg:$0x3];
	[sflag:s13] =	ssyncadd.s32 $0xFFFFEDB0  }
0x17: {  	[tilespmem:s6], [sflag:$0x5] =	stream.linear.gather [hbm4b:s26+s2], $0x1250, $0x38;
	[tilespmem:$0x1BA00] =	vst v63  }
0x18: {  	_ =	swait.ge [sflag:s13], $0x1250  }
0x19: {  	[sflag:s13] =	ssyncset.done $0x0  }
0x1a: {  	s0 =	simm.s32 $0x0;
	[sflag:s13] =	ssyncadd.s32 $0xFFFFEDB0  }
0x1b: {  	s1 =	simm.s32 $0x40;
	v8 =	vld [tilespmem:s0+$0x2500]  }
.LBB2_2:
0x1c: {  	p0 =	sne.s32 s1, $0x4900;
	v9 =	vld [tilespmem:s0+$0x0];
	_ =	sdelay $0x2  }
.Ltmp0:
0x1d: {  	(pc) =	sbr.rel @p0 .LBB2_2-.Ltmp0, $4  }
0x1e: {  	_ = 	snop  }
0x1f: {  	vm1 =	vgt.s32 v9, v8  }
0x20: {  	s5 =	sshra.s32 s1, $0x2;
	v9 =	vsel vm1, v9, v8  }
0x21: {  	s1 =	sadd.s32 $0x40, s1;
	v8 =	vld [tilespmem:s5+$0x2500];
	[tilespmem:s0+$0x0] =	vst v9;
	s0 =	smov.u32 s5  }
0x22: {  	v9 =	vld [tilespmem:s0+$0x0];
	_ =	sdelay $0x4  }
0x23: {  	vm1 =	vgt.s32 v9, v8  }
0x24: {  	v8 =	vsel vm1, v9, v8  }
0x25: {  	s26 =	simm.s32 $0x0;
	s1 =	rddreg [dreg:$0x4];
	s5 =	simm.s32 $0x1280;
	[tilespmem:s0+$0x0] =	vst v8  }
0x26: {  	[tilespmem:s5], [sflag:$0x5] =	stream.linear.gather [hbm4b:s1+s26], $0x1250, $0x38;
	[tilespmem:$0x1BA00] =	vst v63  }
0x27: {  	_ =	swait.ge [sflag:s13], $0x1250  }
0x28: {  	[sflag:s13] =	ssyncset.done $0x0  }
0x29: {  	[sflag:s13] =	ssyncadd.s32 $0xFFFFEDB0  }
0x2a: {  	[tilespmem:s6], [sflag:$0x5] =	stream.linear.gather [hbm4b:s8+s26], $0x1250, $0x38;
	[tilespmem:$0x1BA00] =	vst v63  }
0x2b: {  	_ =	swait.ge [sflag:s13], $0x1250  }
0x2c: {  	[sflag:s13] =	ssyncset.done $0x0  }
0x2d: {  	s0 =	simm.s32 $0x0;
	[sflag:s13] =	ssyncadd.s32 $0xFFFFEDB0  }
0x2e: {  	s1 =	simm.s32 $0x40;
	v8 =	vld [tilespmem:s0+$0x2500]  }
.LBB2_4:
0x2f: {  	p0 =	sne.s32 s1, $0x4900;
	v9 =	vld [tilespmem:s0+$0x1280];
	_ =	sdelay $0x2  }
.Ltmp1:
0x30: {  	(pc) =	sbr.rel @p0 .LBB2_4-.Ltmp1, $4  }
0x31: {  	_ = 	snop  }
0x32: {  	vm1 =	vgt.s32 v9, v8  }
0x33: {  	s5 =	sshra.s32 s1, $0x2;
	v9 =	vsel vm1, v9, v8  }
0x34: {  	s1 =	sadd.s32 $0x40, s1;
	v8 =	vld [tilespmem:s5+$0x2500];
	[tilespmem:s0+$0x1280] =	vst v9;
	s0 =	smov.u32 s5  }
0x35: {  	v9 =	vld [tilespmem:s0+$0x1280];
	_ =	sdelay $0x4  }
0x36: {  	vm1 =	vgt.s32 v9, v8  }
0x37: {  	v8 =	vsel vm1, v9, v8  }
0x38: {  	[tilespmem:s0+$0x1280] =	vst v8;
	s0 =	simm.s32 $0x0  }
0x39: {  	[tilespmem:s16], [sflag:$0x5] =	stream.linear.gather [hbm4b:s9+s0], $0x24A0, $0x38;
	[tilespmem:$0x1BA00] =	vst v63  }
0x3a: {  	_ =	swait.ge [sflag:s13], $0x24A0  }
0x3b: {  	[sflag:s13] =	ssyncset.done $0x0  }
0x3c: {  	[sflag:s13] =	ssyncadd.s32 $0xFFFFDB60  }
0x3d: {  	[tilespmem:s17], [sflag:$0x5] =	stream.linear.gather [hbm4b:s10+s0], $0x36F0, $0x38;
	[tilespmem:$0x1BA00] =	vst v63  }
0x3e: {  	_ =	swait.ge [sflag:s13], $0x36F0  }
0x3f: {  	[sflag:s13] =	ssyncset.done $0x0  }
0x40: {  	s1 =	simm.s32 $0x1280;
	[sflag:s13] =	ssyncadd.s32 $0xFFFFC910  }
0x41: {  	v8 =	vld [tilespmem:s1+$0x0]  }
0x42: {  	v9 =	vld [tilespmem:s0+$0x0];
	_ =	sdelay $0x1  }
0x43: {  	v10 =	vor.u32 s0, v1  }
0x44: {  	v11 =	vshll.u32 v10, $0x1;
	v10 =	vadd.s32 v0, v10  }
0x45: {  	vm1 =	vlt.u32 v10, $0x249F0  }
0x46: {  	v12 =	vand.u32 $0x1FFFF, v8;
	v14 =	vand.u32 $0x1FFFF, v9;
	v15 =	vshra.s32 v9, $0x11  }
0x47: {  	v13 =	vshra.s32 v8, $0x11;
	v14 =	vmul.u32 $0xF, v14;
	v15 =	vmul.u32 $0x3, v15  }
0x48: {  	vm2 =	vgt.s32 v8, $0xFFFFFFFF;
	v12 =	vmul.u32 $0xF, v12;
	v13 =	vmul.u32 $0x3, v13  }
0x49: {  	v8 =	vmul.u32 $0xA, v10;
	vm3 =	vgt.s32 v9, $0xFFFFFFFF;
	v9 =	vadd.s32 v15, v14  }
0x4a: {  	vm3 =	vmand vm1, vm3;
	v10 =	vadd.s32 v13, v12;
	v9 =	vadd.s32 $0x3, v9  }
0x4b: {  	s5 =	simm.s32 $0x9380;
	vm2 =	vmand vm1, vm2;
	v10 =	vadd.s32 $0x3, v10;
	v9 =	vsel vm3, v9, v8  }
0x4c: {  	s6 =	simm.s32 $0xA600;
	[tilespmem:s5+$0x0] =	vst v9;
	v9 =	vsel vm2, v10, v8  }
0x4d: {  	[tilespmem:s6+$0x0] =	vst v9;
	v9 =	vor.u32 $0x1, v11;
	_ =	sdelay $0x3  }
0x4e: {  	v10 =	vld.idx.msk [tilespmem:v11+s16+$0x0], $0xffff  }
0x4f: {  	v9 =	vld.idx.msk [tilespmem:v9+s16+$0x0], $0xffff;
	_ =	sdelay $0x2  }
0x50: {  	s14 =	simm.s32 $0xB880;
	s20 =	simm.s32 $0x10;
	s22 =	simm.s32 $0xA610  }
0x51: {  	s24 =	simm.s32 $0xB890;
	s26 =	simm.s32 $0xCB10;
	s6 =	simm.s32 $0xCB00;
	v10 =	vmul.u32 $0xF, v10  }
.LBB2_6:
0x52: {  	v9 =	vmul.u32 $0xF, v9;
	s0 =	sadd.s32 $0x10, s0;
	s1 =	sadd.s32 $0x10, s1;
	s5 =	sadd.s32 $0x10, s5  }
0x53: {  	p0 =	sne.s32 s20, $0x1240;
	s7 =	smov.u32 s20;
	s20 =	sadd.s32 $0x10, s20;
	v10 =	vsel vm1, v10, v8  }
0x54: {  	[tilespmem:s14+$0x0] =	vst v10;
	v8 =	vsel vm1, v9, v8;
	s14 =	smov.u32 s24  }
0x55: {  	[tilespmem:s6+$0x0] =	vst v8;
	s6 =	smov.u32 s26  }
0x56: {  	v8 =	vld [tilespmem:s1+$0x0]  }
0x57: {  	v9 =	vld [tilespmem:s0+$0x0]  }
0x58: {  	v10 =	vor.u32 s7, v1  }
0x59: {  	v11 =	vshll.u32 v10, $0x1  }
0x5a: {  	v12 =	vor.u32 $0x1, v11  }
0x5b: {  	v13 =	vand.u32 $0x1FFFF, v8;
	v14 =	vshra.s32 v8, $0x11  }
0x5c: {  	v15 =	vand.u32 $0x1FFFF, v9;
	v16 =	vshra.s32 v9, $0x11;
	v13 =	vmul.u32 $0xF, v13  }
0x5d: {  	v10 =	vadd.s32 v0, v10;
	v15 =	vmul.u32 $0xF, v15;
	v16 =	vmul.u32 $0x3, v16  }
0x5e: {  	vm1 =	vlt.u32 v10, $0x249F0;
	vm2 =	vgt.s32 v8, $0xFFFFFFFF;
	v14 =	vmul.u32 $0x3, v14  }
0x5f: {  	v8 =	vmul.u32 $0xA, v10;
	vm3 =	vgt.s32 v9, $0xFFFFFFFF;
	v9 =	vadd.s32 v16, v15  }
0x60: {  	vm3 =	vmand vm1, vm3;
	v10 =	vadd.s32 v14, v13;
	v9 =	vadd.s32 $0x3, v9  }
0x61: {  	vm2 =	vmand vm1, vm2;
	v10 =	vadd.s32 $0x3, v10;
	v9 =	vsel vm3, v9, v8  }
0x62: {  	[tilespmem:s5+$0x0] =	vst v9;
	v9 =	vsel vm2, v10, v8  }
0x63: {  	[tilespmem:s22+$0x0] =	vst v9  }
0x64: {  	v10 =	vld.idx.msk [tilespmem:v11+s16+$0x0], $0xffff  }
0x65: {  	v9 =	vld.idx.msk [tilespmem:v12+s16+$0x0], $0xffff  }
.Ltmp2:
0x66: {  	(pc) =	sbr.rel @p0 .LBB2_6-.Ltmp2, $2  }
0x67: {  	_ =	sdelay $0x2  }
0x68: {  	s24 =	sadd.s32 $0x10, s24;
	s26 =	sadd.s32 $0x10, s26;
	s22 =	sadd.s32 $0x10, s22;
	v10 =	vmul.u32 $0xF, v10  }
0x69: {  	v9 =	vmul.u32 $0xF, v9  }
0x6a: {  	v10 =	vsel vm1, v10, v8  }
0x6b: {  	[tilespmem:s14+$0x0] =	vst v10;
	v8 =	vsel vm1, v9, v8  }
0x6c: {  	s0 =	simm.s32 $0xDD80;
	[tilespmem:s6+$0x0] =	vst v8  }
0x6d: {  	[tilespmem:s0], [sflag:$0x1] =	stream.indirect.gather [hbm4b:s3+s18], $0x1, s19, s18, $0xb8;
	[tilespmem:$0x1BA00] =	vst v63  }
0x6e: {  	s22 =	simm.s32 $0x11480  }
0x6f: {  	[tilespmem:s22], [sflag:$0x2] =	stream.indirect.gather [hbm4b:s3+s18], $0x1, s21, s18, $0xb8;
	[tilespmem:$0x1BA00] =	vst v63  }
0x70: {  	s24 =	simm.s32 $0x14B80  }
0x71: {  	[tilespmem:s24], [sflag:$0x3] =	stream.indirect.gather [hbm4b:s3+s18], $0x1, s23, s18, $0xb8;
	[tilespmem:$0x1BA00] =	vst v63  }
0x72: {  	s26 =	simm.s32 $0x18280  }
0x73: {  	[tilespmem:s26], [sflag:$0x4] =	stream.indirect.gather [hbm4b:s3+s18], $0x1, s25, s18, $0xb8;
	[tilespmem:$0x1BA00] =	vst v63  }
0x74: {  	_ =	swait.ge [sflag:s28], $0x1250  }
0x75: {  	[sflag:s28] =	ssyncset.done $0x0  }
0x76: {  	[sflag:s28] =	ssyncadd.s32 $0xFFFFEDB0  }
0x77: {  	_ =	swait.ge [sflag:s29], $0x1250  }
0x78: {  	[sflag:s29] =	ssyncset.done $0x0  }
0x79: {  	[sflag:s29] =	ssyncadd.s32 $0xFFFFEDB0  }
0x7a: {  	_ =	swait.ge [sflag:s30], $0x1250  }
0x7b: {  	[sflag:s30] =	ssyncset.done $0x0  }
0x7c: {  	[sflag:s30] =	ssyncadd.s32 $0xFFFFEDB0  }
0x7d: {  	_ =	swait.ge [sflag:s31], $0x1250  }
0x7e: {  	[sflag:s31] =	ssyncset.done $0x0  }
0x7f: {  	s0 =	simm.s32 $0x0;
	[sflag:s31] =	ssyncadd.s32 $0xFFFFEDB0  }
0x80: {  	v10 =	vld [tilespmem:s0+$0x9380]  }
0x81: {  	v9 =	vld [tilespmem:s0+$0xA600]  }
0x82: {  	s1 =	simm.s32 $0x40;
	v8 =	vld [tilespmem:s0+$0xB880]  }
.LBB2_8:
0x83: {  	p0 =	sne.s32 s1, $0x4900;
	v11 =	vld [tilespmem:s0+$0xCB00];
	_ =	sdelay $0x1  }
.Ltmp3:
0x84: {  	v10 =	vadd.s32 $0x1, v10;
	(pc) =	sbr.rel @p0 .LBB2_8-.Ltmp3, $4  }
0x85: {  	s5 =	sshra.s32 s1, $0x2;
	[tilespmem:s0+$0x9380] =	vst v10;
	v9 =	vadd.s32 $0x1, v9  }
0x86: {  	v10 =	vld [tilespmem:s5+$0x9380];
	[tilespmem:s0+$0xA600] =	vst v9;
	v8 =	vadd.s32 $0x1, v8  }
0x87: {  	v9 =	vld [tilespmem:s5+$0xA600];
	[tilespmem:s0+$0xB880] =	vst v8;
	v11 =	vadd.s32 $0x1, v11  }
0x88: {  	s1 =	sadd.s32 $0x40, s1;
	v8 =	vld [tilespmem:s5+$0xB880];
	[tilespmem:s0+$0xCB00] =	vst v11;
	s0 =	smov.u32 s5  }
0x89: {  	v11 =	vld [tilespmem:s0+$0xCB00];
	_ =	sdelay $0x1  }
0x8a: {  	v10 =	vadd.s32 $0x1, v10  }
0x8b: {  	[tilespmem:s0+$0x9380] =	vst v10;
	v9 =	vadd.s32 $0x1, v9  }
0x8c: {  	[tilespmem:s0+$0xA600] =	vst v9;
	v8 =	vadd.s32 $0x1, v8  }
0x8d: {  	[tilespmem:s0+$0xB880] =	vst v8;
	v8 =	vadd.s32 $0x1, v11  }
0x8e: {  	s20 =	simm.s32 $0xEFD0;
	[tilespmem:s0+$0xCB00] =	vst v8  }
0x8f: {  	[tilespmem:s20], [sflag:$0x1] =	stream.indirect.gather [hbm4b:s3+s18], $0x1, s19, s18, $0xb8;
	[tilespmem:$0x1BA00] =	vst v63  }
0x90: {  	s22 =	simm.s32 $0x126D0  }
0x91: {  	[tilespmem:s22], [sflag:$0x2] =	stream.indirect.gather [hbm4b:s3+s18], $0x1, s21, s18, $0xb8;
	[tilespmem:$0x1BA00] =	vst v63  }
0x92: {  	s24 =	simm.s32 $0x15DD0  }
0x93: {  	[tilespmem:s24], [sflag:$0x3] =	stream.indirect.gather [hbm4b:s3+s18], $0x1, s23, s18, $0xb8;
	[tilespmem:$0x1BA00] =	vst v63  }
0x94: {  	s26 =	simm.s32 $0x194D0  }
0x95: {  	[tilespmem:s26], [sflag:$0x4] =	stream.indirect.gather [hbm4b:s3+s18], $0x1, s25, s18, $0xb8;
	[tilespmem:$0x1BA00] =	vst v63  }
0x96: {  	_ =	swait.ge [sflag:s28], $0x1250  }
0x97: {  	[sflag:s28] =	ssyncset.done $0x0  }
0x98: {  	[sflag:s28] =	ssyncadd.s32 $0xFFFFEDB0  }
0x99: {  	_ =	swait.ge [sflag:s29], $0x1250  }
0x9a: {  	[sflag:s29] =	ssyncset.done $0x0  }
0x9b: {  	[sflag:s29] =	ssyncadd.s32 $0xFFFFEDB0  }
0x9c: {  	_ =	swait.ge [sflag:s30], $0x1250  }
0x9d: {  	[sflag:s30] =	ssyncset.done $0x0  }
0x9e: {  	[sflag:s30] =	ssyncadd.s32 $0xFFFFEDB0  }
0x9f: {  	_ =	swait.ge [sflag:s31], $0x1250  }
0xa0: {  	[sflag:s31] =	ssyncset.done $0x0  }
0xa1: {  	s0 =	simm.s32 $0x0;
	[sflag:s31] =	ssyncadd.s32 $0xFFFFEDB0  }
0xa2: {  	v10 =	vld [tilespmem:s0+$0x9380]  }
0xa3: {  	v9 =	vld [tilespmem:s0+$0xA600]  }
0xa4: {  	s1 =	simm.s32 $0x40;
	v8 =	vld [tilespmem:s0+$0xB880]  }
.LBB2_10:
0xa5: {  	p0 =	sne.s32 s1, $0x4900;
	v11 =	vld [tilespmem:s0+$0xCB00];
	_ =	sdelay $0x1  }
.Ltmp4:
0xa6: {  	v10 =	vadd.s32 $0x1, v10;
	(pc) =	sbr.rel @p0 .LBB2_10-.Ltmp4, $4  }
0xa7: {  	s5 =	sshra.s32 s1, $0x2;
	[tilespmem:s0+$0x9380] =	vst v10;
	v9 =	vadd.s32 $0x1, v9  }
0xa8: {  	v10 =	vld [tilespmem:s5+$0x9380];
	[tilespmem:s0+$0xA600] =	vst v9;
	v8 =	vadd.s32 $0x1, v8  }
0xa9: {  	v9 =	vld [tilespmem:s5+$0xA600];
	[tilespmem:s0+$0xB880] =	vst v8;
	v11 =	vadd.s32 $0x1, v11  }
0xaa: {  	s1 =	sadd.s32 $0x40, s1;
	v8 =	vld [tilespmem:s5+$0xB880];
	[tilespmem:s0+$0xCB00] =	vst v11;
	s0 =	smov.u32 s5  }
0xab: {  	v11 =	vld [tilespmem:s0+$0xCB00];
	_ =	sdelay $0x1  }
0xac: {  	v10 =	vadd.s32 $0x1, v10  }
0xad: {  	[tilespmem:s0+$0x9380] =	vst v10;
	v9 =	vadd.s32 $0x1, v9  }
0xae: {  	[tilespmem:s0+$0xA600] =	vst v9;
	v8 =	vadd.s32 $0x1, v8  }
0xaf: {  	[tilespmem:s0+$0xB880] =	vst v8;
	v8 =	vadd.s32 $0x1, v11  }
0xb0: {  	s14 =	simm.s32 $0x10220;
	[tilespmem:s0+$0xCB00] =	vst v8  }
0xb1: {  	[tilespmem:s14], [sflag:$0x1] =	stream.indirect.gather [hbm4b:s3+s18], $0x1, s19, s18, $0xb8;
	[tilespmem:$0x1BA00] =	vst v63  }
0xb2: {  	s20 =	simm.s32 $0x13920  }
0xb3: {  	[tilespmem:s20], [sflag:$0x2] =	stream.indirect.gather [hbm4b:s3+s18], $0x1, s21, s18, $0xb8;
	[tilespmem:$0x1BA00] =	vst v63  }
0xb4: {  	s22 =	simm.s32 $0x17020  }
0xb5: {  	[tilespmem:s22], [sflag:$0x3] =	stream.indirect.gather [hbm4b:s3+s18], $0x1, s23, s18, $0xb8;
	[tilespmem:$0x1BA00] =	vst v63  }
0xb6: {  	s24 =	simm.s32 $0x1A720  }
0xb7: {  	[tilespmem:s24], [sflag:$0x4] =	stream.indirect.gather [hbm4b:s3+s18], $0x1, s25, s18, $0xb8;
	[tilespmem:$0x1BA00] =	vst v63  }
0xb8: {  	_ =	swait.ge [sflag:s28], $0x1250  }
0xb9: {  	[sflag:s28] =	ssyncset.done $0x0  }
0xba: {  	[sflag:s28] =	ssyncadd.s32 $0xFFFFEDB0  }
0xbb: {  	_ =	swait.ge [sflag:s29], $0x1250  }
0xbc: {  	[sflag:s29] =	ssyncset.done $0x0  }
0xbd: {  	s26 =	simm.s32 $0x0;
	[sflag:s29] =	ssyncadd.s32 $0xFFFFEDB0  }
0xbe: {  	v8 =	vmov s26;
	_ =	swait.ge [sflag:s30], $0x1250  }
0xbf: {  	v8 =	vmul.u32 $0x3, v8;
	[sflag:s30] =	ssyncset.done $0x0  }
0xc0: {  	[sflag:s30] =	ssyncadd.s32 $0xFFFFEDB0  }
0xc1: {  	v8 =	vbroadcast v8, $0x0;
	_ =	swait.ge [sflag:s31], $0x1250  }
0xc2: {  	[sflag:s31] =	ssyncset.done $0x0  }
0xc3: {  	s1 =	simm.s32 $0xEFD0;
	v10 =	vadd.s32 v2, v8;
	[sflag:s31] =	ssyncadd.s32 $0xFFFFEDB0  }
0xc4: {  	v8 =	vadd.s32 v6, v8;
	v9 =	vld [tilespmem:s1+$0xFFFFEDB0]  }
0xc5: {  	v11 =	vld [tilespmem:s1+$0x0]  }
0xc6: {  	s6 =	simm.s32 $0x1280;
	v13 =	vld [tilespmem:s26+$0x0]  }
0xc7: {  	v14 =	vld [tilespmem:s6+$0x0]  }
0xc8: {  	v10 =	vld.idx.msk [tilespmem:v10+s17+$0x0], $0xffff  }
0xc9: {  	s6 =	simm.s32 $0x15DD0;
	v8 =	vld.idx.msk [tilespmem:v8+s17+$0x0], $0xffff  }
0xca: {  	v16 =	vld [tilespmem:s6+$0xFFFFEDB0]  }
0xcb: {  	s5 =	simm.s32 $0x126D0;
	s20 =	simm.s32 $0x10;
	v19 =	vld [tilespmem:s6+$0x0]  }
0xcc: {  	v23 =	vmov s20;
	v12 =	vld [tilespmem:s5+$0xFFFFEDB0]  }
0xcd: {  	v23 =	vmul.u32 $0x3, v23;
	v15 =	vld [tilespmem:s5+$0x0]  }
0xce: {  	vm1 =	vgt.s32 v13, $0xFFFFFFFF  }
0xcf: {  	s7 =	simm.s32 $0x194D0;
	v23 =	vbroadcast v23, $0x0;
	v21 =	vld [tilespmem:s1+$0x1250];
	v17 =	vsel vm1, $0x3F800000, v5  }
0xd0: {  	v13 =	vld [tilespmem:s7+$0xFFFFEDB0];
	vm1 =	vgt.s32 v14, $0xFFFFFFFF;
	v16 =	vmul.f32 v10, v16;
	v19 =	vmul.f32 v8, v19  }
0xd1: {  	v14 =	vld [tilespmem:s7+$0x0];
	v18 =	vsel vm1, $0x3F800000, v5;
	v9 =	vmul.f32 v17, v9;
	v11 =	vmul.f32 v17, v11  }
0xd2: {  	v25 =	vld [tilespmem:s5+$0x1250];
	v12 =	vmul.f32 v18, v12;
	v15 =	vmul.f32 v18, v15  }
0xd3: {  	v28 =	vld [tilespmem:s7+$0x1250];
	v20 =	vmul.f32 v10, v9;
	v22 =	vmul.f32 v8, v11  }
0xd4: {  	s24 =	simm.s32 $0x126E0;
	v27 =	vld [tilespmem:s6+$0x1250];
	v24 =	vmul.f32 v10, v12;
	v26 =	vmul.f32 v8, v15  }
0xd5: {  	s14 =	simm.s32 $0xEFE0;
	v17 =	vmul.f32 v17, v21;
	v21 =	vld [tilespmem:s24+$0x0];
	v9 =	vsub.f32 $0.0e+00, v9;
	v13 =	vmul.f32 v10, v13  }
0xd6: {  	v14 =	vmul.f32 v8, v14;
	v20 =	vadd.f32 v22, v20;
	v22 =	vadd.f32 v26, v24;
	v24 =	vld [tilespmem:s14+$0xFFFFEDB0]  }
0xd7: {  	v11 =	vmul.f32 v10, v11;
	v12 =	vsub.f32 $0.0e+00, v12;
	v10 =	vmul.f32 v10, v15;
	v26 =	vld [tilespmem:s24+$0xFFFFEDB0]  }
0xd8: {  	s26 =	simm.s32 $0x1290;
	v9 =	vmul.f32 v8, v9;
	v13 =	vadd.f32 v14, v13;
	v14 =	vadd.f32 v19, v16;
	v19 =	vld [tilespmem:s14+$0x0]  }
0xd9: {  	v12 =	vmul.f32 v8, v12;
	v16 =	vadd.s32 v2, v23;
	v8 =	vadd.f32 v22, v20;
	v20 =	vld [tilespmem:s26+$0x0]  }
0xda: {  	s1 =	simm.s32 $0x194E0;
	v23 =	vadd.s32 v6, v23;
	v9 =	vadd.f32 v9, v11;
	v13 =	vsub.f32 v13, v14;
	v14 =	vld [tilespmem:s20+$0x0]  }
0xdb: {  	v22 =	vsub.f32 v28, v27;
	v10 =	vadd.f32 v12, v10;
	v27 =	vld [tilespmem:s1+$0xFFFFEDB0]  }
0xdc: {  	s0 =	simm.s32 $0x15DE0;
	s22 =	sadd.s32 $0x0, s4;
	v28 =	vld [tilespmem:s1+$0x0];
	v13 =	vadd.f32 v13, v8  }
0xdd: {  	p0 =	slt.u32 s22, $0x249F0;
	vm1 =	vmmov vm0;
	v11 =	vmul.f32 v18, v25;
	v9 =	vadd.f32 v10, v9;
	v10 =	vld [tilespmem:s0+$0xFFFFEDB0]  }
0xde: {  	vm1 =	vmneg @p0 vm1;
	v8 =	vimm.f32 $0.0e+00;
	v12 =	vld.idx.msk [tilespmem:v16+s17+$0x0], $0xffff;
	v13 =	vmul.f32 v13, v13  }
0xdf: {  	v16 =	vadd.f32 v11, v17;
	v15 =	vld.idx.msk [tilespmem:v23+s17+$0x0], $0xffff;
	v11 =	vsel vm1, $0x3F800000, v5;
	vm1 =	vgt.s32 v14, $0xFFFFFFFF  }
0xe0: {  	v25 =	vmul.f32 v11, v13;
	v18 =	vsel vm1, $0x3F800000, v5;
	vm1 =	vgt.s32 v20, $0xFFFFFFFF  }
0xe1: {  	v13 =	vmul.f32 v9, v9;
	v17 =	vsel vm1, $0x3F800000, v5;
	v20 =	vmul.f32 v18, v24  }
0xe2: {  	s22 =	simm.s32 $0x20;
	v14 =	vadd.f32 v22, v16;
	v16 =	vld [tilespmem:s0+$0x0];
	v23 =	vmul.f32 v18, v19;
	v24 =	vmul.f32 v17, v26  }
0xe3: {  	v22 =	vmov s22;
	v19 =	vmul.f32 v17, v21;
	v34 =	vmul.f32 v12, v27  }
0xe4: {  	v9 =	vadd.f32 v25, v8;
	v28 =	vmul.f32 v15, v28;
	v10 =	vmul.f32 v12, v10  }
0xe5: {  	v21 =	vld [tilespmem:s14+$0x1250];
	v27 =	vmul.u32 $0x3, v22;
	v25 =	vmul.f32 v12, v20;
	v29 =	vmul.f32 v15, v23  }
0xe6: {  	v22 =	vld [tilespmem:s0+$0x1250];
	v32 =	vsub.f32 $0.0e+00, v20;
	v31 =	vmul.f32 v12, v24;
	v33 =	vmul.f32 v15, v19  }
0xe7: {  	v20 =	vld [tilespmem:s24+$0x1250];
	v35 =	vmul.f32 v15, v16;
	v26 =	vsub.f32 $0.0e+00, v24;
	v30 =	vbroadcast v27, $0x0  }
0xe8: {  	s14 =	simm.s32 $0xEFF0;
	v24 =	vld [tilespmem:s1+$0x1250];
	v25 =	vadd.f32 v29, v25;
	v29 =	vadd.f32 v28, v34;
	v28 =	vmul.f32 v15, v32  }
0xe9: {  	s5 =	simm.s32 $0x10;
	s6 =	simm.s32 $0x30;
	v16 =	vld [tilespmem:s14+$0xFFFFEDB0];
	v27 =	vadd.f32 v33, v31;
	v31 =	vadd.f32 v35, v10;
	v10 =	vimm.f32 $0.0e+00  }
.LBB2_12:
0xea: {  	v32 =	vadd.s32 v2, v30  }
0xeb: {  	p0 =	sne.s32 s6, $0x1240;
	v33 =	vld [tilespmem:s14+$0x0];
	v23 =	vmul.f32 v12, v23;
	v15 =	vmul.f32 v15, v26;
	s24 =	sadd.s32 $0x10, s24;
	v30 =	vadd.s32 v6, v30  }
0xec: {  	v25 =	vadd.f32 v27, v25;
	v18 =	vmul.f32 v18, v21;
	v26 =	vld [tilespmem:s24+$0xFFFFEDB0];
	v27 =	vsub.f32 v29, v31  }
0xed: {  	v12 =	vmul.f32 v12, v19;
	s20 =	sadd.s32 $0x10, s20;
	v17 =	vmul.f32 v17, v20;
	v29 =	vld [tilespmem:s24+$0x0];
	v21 =	vadd.f32 v28, v23  }
0xee: {  	s7 =	sadd.s32 s4, s5;
	s26 =	sadd.s32 $0x10, s26;
	s5 =	smov.u32 s22;
	v13 =	vmul.f32 v11, v13;
	v22 =	vsub.f32 v24, v22;
	v19 =	vld [tilespmem:s20+$0x0];
	v20 =	vadd.f32 v27, v25  }
0xef: {  	v14 =	vmul.f32 v14, v14;
	s22 =	smov.u32 s6;
	vm1 =	vmmov vm0;
	p1 =	slt.u32 s7, $0x249F0;
	v24 =	vadd.f32 v15, v12;
	v23 =	vld [tilespmem:s26+$0x0]  }
0xf0: {  	vm1 =	vmneg @p1 vm1;
	v17 =	vadd.f32 v17, v18;
	v12 =	vld.idx.msk [tilespmem:v32+s17+$0x0], $0xffff;
	v18 =	vmul.f32 v20, v20  }
0xf1: {  	s0 =	sadd.s32 $0x10, s0;
	v20 =	vadd.f32 v24, v21;
	v21 =	vmul.f32 v11, v14;
	v11 =	vsel vm1, $0x3F800000, v5;
	v15 =	vld.idx.msk [tilespmem:v30+s17+$0x0], $0xffff  }
0xf2: {  	s1 =	sadd.s32 $0x10, s1;
	v8 =	vadd.f32 v13, v8;
	v14 =	vadd.f32 v22, v17;
	v25 =	vld [tilespmem:s0+$0xFFFFEDB0];
	v17 =	vmul.f32 v11, v18  }
0xf3: {  	v13 =	vmul.f32 v20, v20;
	v10 =	vadd.f32 v21, v10;
	vm1 =	vgt.s32 v19, $0xFFFFFFFF;
	v27 =	vld [tilespmem:s1+$0xFFFFEDB0]  }
0xf4: {  	v18 =	vsel vm1, $0x3F800000, v5;
	vm1 =	vgt.s32 v23, $0xFFFFFFFF;
	v28 =	vld [tilespmem:s1+$0x0];
	v9 =	vadd.f32 v17, v9  }
0xf5: {  	v17 =	vsel vm1, $0x3F800000, v5;
	v30 =	vld [tilespmem:s0+$0x0];
	v16 =	vmul.f32 v18, v16;
	v23 =	vmul.f32 v18, v33  }
0xf6: {  	v21 =	vld [tilespmem:s14+$0x1250];
	v26 =	vmul.f32 v17, v26;
	v19 =	vmul.f32 v17, v29  }
0xf7: {  	v20 =	vld [tilespmem:s24+$0x1250];
	v29 =	vmul.f32 v12, v16;
	v31 =	vmul.f32 v15, v23;
	v32 =	vsub.f32 $0.0e+00, v16  }
.Ltmp5:
0xf8: {  	v16 =	vmov s6;
	v22 =	vld [tilespmem:s0+$0x1250];
	v33 =	vmul.f32 v12, v26;
	v34 =	vmul.f32 v15, v19;
	(pc) =	sbr.rel @p0 .LBB2_12-.Ltmp5, $4  }
0xf9: {  	v16 =	vmul.u32 $0x3, v16;
	v35 =	vmul.f32 v12, v27;
	v24 =	vld [tilespmem:s1+$0x1250];
	v28 =	vmul.f32 v15, v28  }
0xfa: {  	v36 =	vmul.f32 v12, v25;
	v26 =	vsub.f32 $0.0e+00, v26;
	v37 =	vmul.f32 v15, v30  }
0xfb: {  	s14 =	sadd.s32 $0x10, s14;
	v25 =	vadd.f32 v31, v29;
	v30 =	vbroadcast v16, $0x0;
	v27 =	vadd.f32 v34, v33  }
0xfc: {  	s6 =	sadd.s32 $0x10, s6;
	v29 =	vadd.f32 v28, v35;
	v28 =	vmul.f32 v15, v32;
	v16 =	vld [tilespmem:s14+$0xFFFFEDB0];
	v31 =	vadd.f32 v37, v36  }
0xfd: {  	v33 =	vld [tilespmem:s14+$0x0];
	s6 =	sadd.s32 $0x10, s20  }
0xfe: {  	s20 =	sadd.s32 $0x10, s26;
	v34 =	vld [tilespmem:s6+$0x0]  }
0xff: {  	v32 =	vadd.s32 v2, v30;
	v52 =	vadd.s32 v6, v30;
	s7 =	sadd.s32 $0x10, s24;
	v23 =	vmul.f32 v12, v23;
	v35 =	vld [tilespmem:s20+$0x0]  }
0x100: {  	v15 =	vmul.f32 v15, v26;
	v25 =	vadd.f32 v27, v25;
	v56 =	vmul.f32 v12, v19;
	v53 =	vld [tilespmem:s7+$0xFFFFEDB0]  }
0x101: {  	v18 =	vmul.f32 v18, v21;
	v17 =	vmul.f32 v17, v20;
	s0 =	sadd.s32 $0x10, s0;
	v54 =	vsub.f32 v29, v31;
	v55 =	vld [tilespmem:s7+$0x0]  }
0x102: {  	s1 =	sadd.s32 $0x10, s1;
	v60 =	vld [tilespmem:s0+$0xFFFFEDB0];
	v23 =	vadd.f32 v28, v23;
	v12 =	vadd.f32 v15, v56  }
0x103: {  	v14 =	vmul.f32 v14, v14;
	v22 =	vsub.f32 v24, v22;
	v63 =	vld [tilespmem:s1+$0xFFFFEDB0];
	v17 =	vadd.f32 v17, v18  }
0x104: {  	v58 =	vadd.f32 v54, v25;
	v12 =	vadd.f32 v12, v23;
	v57 =	vld.idx.msk [tilespmem:v32+s17+$0x0], $0xffff  }
0x105: {  	v13 =	vmul.f32 v11, v13;
	v36 =	vmul.f32 v11, v14;
	v17 =	vadd.f32 v22, v17;
	v59 =	vld.idx.msk [tilespmem:v52+s17+$0x0], $0xffff  }
0x106: {  	v37 =	vld [tilespmem:s1+$0x0];
	v20 =	vmul.f32 v58, v58;
	vm1 =	vgt.s32 v34, $0xFFFFFFFF;
	v12 =	vmul.f32 v12, v12  }
0x107: {  	v38 =	vld [tilespmem:s0+$0x0];
	v54 =	vmul.f32 v17, v17;
	v61 =	vsel vm1, $0x3F800000, v5;
	vm1 =	vgt.s32 v35, $0xFFFFFFFF  }
0x108: {  	v62 =	vsel vm1, $0x3F800000, v5;
	v16 =	vmul.f32 v61, v16;
	v39 =	vmul.f32 v61, v33  }
0x109: {  	v45 =	vld [tilespmem:s14+$0x1250];
	v26 =	vmul.f32 v62, v53;
	v21 =	vmul.f32 v62, v55  }
0x10a: {  	v8 =	vadd.f32 v13, v8;
	v41 =	vmul.f32 v57, v16;
	v42 =	vmul.f32 v59, v39  }
0x10b: {  	vm1 =	vmmov vm0;
	v28 =	vmul.f32 v57, v63;
	v14 =	vmul.f32 v59, v37  }
0x10c: {  	v16 =	vsub.f32 $0.0e+00, v16;
	v25 =	vmul.f32 v57, v60;
	v18 =	vmul.f32 v59, v38  }
0x10d: {  	v46 =	vld [tilespmem:s7+$0x1250];
	v43 =	vmul.f32 v57, v26;
	v44 =	vmul.f32 v59, v21;
	v26 =	vsub.f32 $0.0e+00, v26  }
0x10e: {  	s5 =	sadd.s32 s4, s5;
	v47 =	vld [tilespmem:s0+$0x1250];
	v51 =	vmul.f32 v61, v45;
	v23 =	vadd.f32 v42, v41;
	v14 =	vadd.f32 v14, v28  }
0x10f: {  	p0 =	slt.u32 s5, $0x249F0;
	v48 =	vld [tilespmem:s1+$0x1250];
	v49 =	vmul.f32 v57, v39;
	v18 =	vadd.f32 v18, v25;
	v22 =	vadd.f32 v44, v43  }
0x110: {  	vm1 =	vmneg @p0 vm1;
	v50 =	vmul.f32 v57, v21;
	v16 =	vmul.f32 v59, v16  }
0x111: {  	v24 =	vmul.f32 v59, v26;
	v14 =	vsub.f32 v14, v18;
	v22 =	vadd.f32 v22, v23  }
0x112: {  	s24 =	sadd.s32 s4, s22;
	v15 =	vmul.f32 v62, v46;
	v40 =	vsel vm1, $0x3F800000, v5;
	v13 =	vadd.f32 v16, v49  }
0x113: {  	p0 =	slt.u32 s24, $0x249F0;
	vm1 =	vmmov vm0;
	v52 =	vadd.f32 v24, v50;
	v14 =	vadd.f32 v14, v22  }
0x114: {  	v53 =	vsub.f32 v48, v47;
	v20 =	vmul.f32 v40, v20;
	vm1 =	vmneg @p0 vm1  }
0x115: {  	v15 =	vadd.f32 v15, v51;
	v13 =	vadd.f32 v52, v13;
	v14 =	vmul.f32 v14, v14  }
0x116: {  	v12 =	vmul.f32 v40, v12;
	v55 =	vsel vm1, $0x3F800000, v5;
	v9 =	vadd.f32 v20, v9  }
0x117: {  	v15 =	vadd.f32 v53, v15;
	v13 =	vmul.f32 v13, v13;
	v14 =	vmul.f32 v55, v14  }
0x118: {  	v10 =	vadd.f32 v36, v10;
	v56 =	vmul.f32 v40, v54;
	v8 =	vadd.f32 v12, v8  }
0x119: {  	v58 =	vmul.f32 v15, v15;
	v57 =	vmul.f32 v55, v13;
	v9 =	vadd.f32 v14, v9;
	_ =	sdelay $0x1  }
0x11a: {  	v10 =	vadd.f32 v56, v10;
	v59 =	vmul.f32 v55, v58;
	v8 =	vadd.f32 v57, v8;
	(xrf2) =	vadd.scan.msk.f32 $0xffff, v9;
	_ =	sdelay $0x1  }
0x11b: {  	v60 =	vadd.f32 v59, v10;
	(xrf2) =	vadd.scan.msk.f32 $0xffff, v8;
	_ =	sdelay $0x1  }
0x11c: {  	(xrf2) =	vadd.scan.msk.f32 $0xffff, v60;
	_ =	sdelay $0x5  }
0x11d: {  	v8, _, _ =	vpop (xrf2)  }
0x11e: {  	v8 =	vbroadcast v8, $0xF  }
0x11f: {  	v61, _, _ =	vpop (xrf2)  }
0x120: {  	v9 =	vbroadcast v61, $0xF;
	v8 =	vmul.f32 v3, v8  }
0x121: {  	v62, _, _ =	vpop (xrf2)  }
0x122: {  	v10 =	vbroadcast v62, $0xF;
	v9 =	vmul.f32 v4, v9;
	v8 =	vadd.f32 $0.0e+00, v8;
	_ =	sdelay $0x1  }
0x123: {  	v63 =	vmul.f32 v7, v10;
	v8 =	vadd.f32 v9, v8;
	_ =	sdelay $0x1  }
0x124: {  	s15 =	sadd.s32 $0x1, s15;
	v8 =	vadd.f32 v63, v8  }
0x125: {  	p0 =	sne.s32 s15, s12  }
.Ltmp6:
0x126: {  	s26 =	simm.s32 $0x1B980;
	[tilespmem:$0x1B980] =	vst v8;
	(pc) =	sbr.rel @p0 .LBB2_1-.Ltmp6, $4  }
0x127: {  	[hbm4b:s11+s2] =	stream.linear.scatter [tilespmem:s26], [sflag:$0x5], $0x10, $0x38;
	[tilespmem:$0x1BA00] =	vst v63  }
0x128: {  	_ =	swait.ge [sflag:s13], $0x10  }
0x129: {  	[sflag:s13] =	ssyncset.done $0x0  }
0x12a: {  	s6 =	simm.s32 $0x2500;
	[sflag:s13] =	ssyncadd.s32 $0xFFFFFFF0  }
0x12b: {  	_ =	sfence.sel $0x180000  }
0x12c: {  	[bflag:$0x0] =	sbarrier.arrive $0xFFFF  }
0x12d: {  	_ =	strace $0x9000004A  }
0x12e: {  	s0 =	stileid.u32;
	[bflag:$0x2] =	sbarrier.arrive $0xFFFF  }
0x12f: {  	p0 =	sne.s32 s0, $0x0;
	s0 =	rddreg [dreg:$0x1]  }
0x130: {  	s0 =	sadd.s32 @!p0 $0x100000, s0  }
0x131: {  	[sflag:s0] =	ssyncadd.tile.s32 @!p0 $0x1;
	_ =	shalt  }
.Lfunc_end2:
_tile_overlayer_lowered:
.L_overlay_start_2:
0x132: {  	(tag) =	ssettag $0x2  }
0x133: {  	s0 =	rddreg [dreg:$0x0];
	s2 =	stileid.u32  }
0x134: {  	s1 =	rddreg [dreg:$0x1];
	p0 =	sne.s32 s2, $0x0  }
0x135: {  	s3 =	rddreg [dreg:$0x2];
	[bflag:$0x3] =	sbarrier.arrive $0xFFFF;
	s2 =	simm.s32 @!p0 $0x1C05  }
0x136: {  	[timem:s3], [sflag:s2] =	dma.local @!p0 [hbm:s0], s1  }
0x137: {  	s0 =	simm.s32 @!p0 $0x5  }
0x138: {  	_ =	swait.ge @!p0 [sflag:s0], s1  }
0x139: {  	s1 =	ssub.s32 @!p0 $0x0, s1;
	[sflag:s0] =	ssyncset.done @!p0 $0x0  }
0x13a: {  	[sflag:s0] =	ssyncadd.s32 @!p0 s1  }
0x13b: {  	[bflag:$0x3] =	sbarrier.arrive $0xFFFF  }
0x13c: {  	_ =	shalt  }

</sc_bundles>
